<compile_context>
chip_gen: v7x
topology: tpu7x:2x2x1
jax: 0.10.2.dev20260603
libtpu: 0.0.44.dev20260713+nightly
codegen_flags: <defaults>
</compile_context>

<pallas_src>
import functools

import jax
import jax.numpy as jnp
from jax import lax
from jax.experimental import pallas as pl
from jax.experimental.pallas import tpu as pltpu
from jax.experimental.pallas import tpu_sc as plsc

_N = 10000
_E = 320000
_D = 128
_H = 64
_C = 40
_G = 64

_NC = 2
_NS = 16
_NW = _NC * _NS
_EW = _E // _NW
_K = 80
_CH = _EW // _K

_NP = 10112
_RPT = _NP // _NS

_R = _NP
_DW = 16


def _sc_mesh():
    return plsc.VectorSubcoreMesh(
        core_axis_name="c", subcore_axis_name="s",
        num_cores=_NC, num_subcores=_NS)



def _deg_body(dst_hbm, zeros_hbm, ones_hbm, out_hbm, dst_v, ones_v, acc_sh,
              sem):
    c = lax.axis_index("c")
    s = lax.axis_index("s")
    w = c * _NS + s
    pltpu.sync_copy(zeros_hbm, acc_sh.at[pl.ds(s * _RPT, _RPT)])
    pltpu.sync_copy(ones_hbm, ones_v)
    pltpu.sync_copy(dst_hbm.at[w], dst_v)
    plsc.subcore_barrier()

    @pl.loop(0, _CH)
    def _(i):
        pltpu.async_copy(ones_v, acc_sh.at[dst_v.at[i]], sem, add=True)

    @pl.loop(0, _CH)
    def _(i):
        pltpu.make_async_copy(ones_v, acc_sh.at[dst_v.at[i]], sem).wait()

    plsc.subcore_barrier()
    pltpu.sync_copy(acc_sh.at[pl.ds(s * _RPT, _RPT)],
                    out_hbm.at[c, pl.ds(s * _RPT, _RPT)])


def _degrees(dst3, zeros_deg, ones_k):
    f = pl.kernel(
        _deg_body,
        out_type=jax.ShapeDtypeStruct((_NC, _NP, _DW), jnp.float32),
        mesh=_sc_mesh(),
        compiler_params=pltpu.CompilerParams(use_tc_tiling_on_sc=False),
        scratch_types=[
            pltpu.VMEM((_CH, _K), jnp.int32),
            pltpu.VMEM((_K, _DW), jnp.float32),
            pltpu.VMEM_SHARED((_NP, _DW), jnp.float32),
            pltpu.SemaphoreType.DMA,
        ],
    )
    return f(dst3, zeros_deg, ones_k)


_NBUF = 5


def _agg_body(g_hbm, src_hbm, dst_hbm, zeros_hbm, out_hbm,
              src_v, dst_v, rows, acc_sh, gsems):
    c = lax.axis_index("c")
    s = lax.axis_index("s")
    w = c * _NS + s
    pltpu.sync_copy(zeros_hbm, acc_sh.at[pl.ds(s * _RPT, _RPT)])
    pltpu.sync_copy(src_hbm.at[w], src_v)
    pltpu.sync_copy(dst_hbm.at[w], dst_v)
    plsc.subcore_barrier()

    def start(i, b):
        pltpu.async_copy(g_hbm.at[src_v.at[i]], rows[b], gsems[b])

    def finish(i, b):
        pltpu.make_async_copy(g_hbm.at[src_v.at[i]], rows[b], gsems[b]).wait()
        pltpu.sync_copy(rows[b], acc_sh.at[dst_v.at[i]], add=True)

    for b in range(_NBUF):
        start(b, b)

    @pl.loop(0, _CH // _NBUF)
    def _(p):
        i0 = p * _NBUF
        for b in range(_NBUF):
            i = i0 + b
            finish(i, b)

            @pl.when(i + _NBUF < _CH)
            def _():
                start(i + _NBUF, b)

    plsc.subcore_barrier()
    pltpu.sync_copy(acc_sh.at[pl.ds(s * _RPT, _RPT)],
                    out_hbm.at[c, pl.ds(s * _RPT, _RPT)])


def _aggregate(g, src3, dst3, zeros_rows):
    f = pl.kernel(
        _agg_body,
        out_type=jax.ShapeDtypeStruct((_NC, _NP, _H), jnp.float32),
        mesh=_sc_mesh(),
        compiler_params=pltpu.CompilerParams(use_tc_tiling_on_sc=False),
        scratch_types=[
            pltpu.VMEM((_CH, _K), jnp.int32),
            pltpu.VMEM((_CH, _K), jnp.int32),
            [pltpu.VMEM((_K, _H), jnp.float32) for _ in range(_NBUF)],
            pltpu.VMEM_SHARED((_NP, _H), jnp.float32),
            [pltpu.SemaphoreType.DMA for _ in range(_NBUF)],
        ],
    )
    return f(g, src3, dst3, zeros_rows)



def _first_body(degp, x, W1, dinv_out, g1_out):
    di = lax.rsqrt(degp[0, :, 0:1] + degp[1, :, 0:1] + 1.0)
    h = jnp.dot(x[...], W1[...], preferred_element_type=jnp.float32)
    dinv_out[...] = di
    g1_out[...] = di * h


def _first_layer(degp, x, W1):
    return pl.pallas_call(
        _first_body,
        grid=(_NP // _R,),
        in_specs=[
            pl.BlockSpec((_NC, _R, _DW), lambda i: (0, i, 0)),
            pl.BlockSpec((_R, _D), lambda i: (i, 0)),
            pl.BlockSpec((_D, _H), lambda i: (0, 0)),
        ],
        out_specs=[
            pl.BlockSpec((_R, 1), lambda i: (i, 0)),
            pl.BlockSpec((_R, _H), lambda i: (i, 0)),
        ],
        out_shape=[
            jax.ShapeDtypeStruct((_NP, 1), jnp.float32),
            jax.ShapeDtypeStruct((_NP, _H), jnp.float32),
        ],
    )(degp, x, W1)


def _mid_body(acc, g, dinv, b, W, gn_out):
    a = acc[0] + acc[1]
    y = jnp.maximum(dinv[...] * (a + g[...]) + b[...], 0.0)
    gn_out[...] = dinv[...] * jnp.dot(y, W[...],
                                      preferred_element_type=jnp.float32)


def _mid_layer(acc, g, dinv, b, W):
    return pl.pallas_call(
        _mid_body,
        grid=(_NP // _R,),
        in_specs=[
            pl.BlockSpec((_NC, _R, _H), lambda i: (0, i, 0)),
            pl.BlockSpec((_R, _H), lambda i: (i, 0)),
            pl.BlockSpec((_R, 1), lambda i: (i, 0)),
            pl.BlockSpec((1, _H), lambda i: (0, 0)),
            pl.BlockSpec((_H, _H), lambda i: (0, 0)),
        ],
        out_specs=pl.BlockSpec((_R, _H), lambda i: (i, 0)),
        out_shape=jax.ShapeDtypeStruct((_NP, _H), jnp.float32),
    )(acc, g, dinv, b, W)


def _pool_body(acc, g, dinv, b, batch, Wl, bl, out, sums, counts):
    i = pl.program_id(0)

    @pl.when(i == 0)
    def _():
        sums[...] = jnp.zeros_like(sums)
        counts[...] = jnp.zeros_like(counts)

    y = jnp.maximum(dinv[...] * (acc[0] + acc[1] + g[...]) + b[...], 0.0)
    oh = (lax.broadcasted_iota(jnp.int32, (_R, _G), 1)
          == batch[...]).astype(jnp.float32)
    cdims = (((0,), (0,)), ((), ()))
    sums[...] += lax.dot_general(oh, y, cdims,
                                 preferred_element_type=jnp.float32)
    counts[...] += lax.dot_general(oh, jnp.ones((_R, 1), jnp.float32), cdims,
                                   preferred_element_type=jnp.float32)

    @pl.when(i == pl.num_programs(0) - 1)
    def _():
        pooled = sums[...] / jnp.maximum(counts[...], 1.0)
        out[...] = jnp.dot(pooled, Wl[...],
                           preferred_element_type=jnp.float32) + bl[...]


def _pool_classify(acc, g, dinv, b, batch2d, Wl, bl):
    return pl.pallas_call(
        _pool_body,
        grid=(_NP // _R,),
        in_specs=[
            pl.BlockSpec((_NC, _R, _H), lambda i: (0, i, 0)),
            pl.BlockSpec((_R, _H), lambda i: (i, 0)),
            pl.BlockSpec((_R, 1), lambda i: (i, 0)),
            pl.BlockSpec((1, _H), lambda i: (0, 0)),
            pl.BlockSpec((_R, 1), lambda i: (i, 0)),
            pl.BlockSpec((_H, _C), lambda i: (0, 0)),
            pl.BlockSpec((1, _C), lambda i: (0, 0)),
        ],
        out_specs=pl.BlockSpec((_G, _C), lambda i: (0, 0)),
        out_shape=jax.ShapeDtypeStruct((_G, _C), jnp.float32),
        scratch_shapes=[
            pltpu.VMEM((_G, _H), jnp.float32),
            pltpu.VMEM((_G, 1), jnp.float32),
        ],
    )(acc, g, dinv, b, batch2d, Wl, bl)



def kernel(x, edge_index, batch, W1, b1, W2, b2, W3, b3, Wl, bl):
    src3 = edge_index[0].reshape(_NW, _CH, _K)
    dst3 = edge_index[1].reshape(_NW, _CH, _K)
    x = jnp.pad(x, ((0, _NP - _N), (0, 0)))
    batch = jnp.pad(batch, (0, _NP - _N), constant_values=_G)
    zeros_deg = jnp.zeros((_RPT, _DW), jnp.float32)
    ones_k = jnp.ones((_K, _DW), jnp.float32)
    zeros_rows = jnp.zeros((_RPT, _H), jnp.float32)

    degp = _degrees(dst3, zeros_deg, ones_k)
    dinv, g1 = _first_layer(degp, x, W1)
    acc1 = _aggregate(g1, src3, dst3, zeros_rows)
    g2 = _mid_layer(acc1, g1, dinv, b1.reshape(1, _H), W2)
    acc2 = _aggregate(g2, src3, dst3, zeros_rows)
    g3 = _mid_layer(acc2, g2, dinv, b2.reshape(1, _H), W3)
    acc3 = _aggregate(g3, src3, dst3, zeros_rows)
    out = _pool_classify(acc3, g3, dinv, b3.reshape(1, _H),
                         batch.reshape(_NP, 1), Wl, bl.reshape(1, _C))
    return out

# --- scband reference (transcript-rebuilt; emitter-appended) ---
"""Pipeline reference for scband-gcn-45689862095124 (READ-ONLY COPY).

The authoritative reference and input builder live on the scoring server;
editing this copy changes nothing except your own understanding.
"""

import jax, jax.numpy as jnp
import numpy as np

N = 10000
E = 320000
D = 128
H = 64
C = 40
G = 64


def setup_inputs(seed: int = 0) -> dict:
    key = jax.random.key(seed)
    ks = jax.random.split(key, 12)
    x = jax.random.normal(ks[0], (N, D), dtype=jnp.float32)
    edge_index = jax.random.randint(ks[1], (2, E), 0, N, dtype=jnp.int32)
    batch = jnp.sort(jax.random.randint(ks[2], (N,), 0, G, dtype=jnp.int32))
    W1 = jax.random.normal(ks[3], (D, H), dtype=jnp.float32) * (1.0 / np.sqrt(D))
    b1 = jnp.zeros((H,), dtype=jnp.float32)
    W2 = jax.random.normal(ks[4], (H, H), dtype=jnp.float32) * (1.0 / np.sqrt(H))
    b2 = jnp.zeros((H,), dtype=jnp.float32)
    W3 = jax.random.normal(ks[5], (H, H), dtype=jnp.float32) * (1.0 / np.sqrt(H))
    b3 = jnp.zeros((H,), dtype=jnp.float32)
    Wl = jax.random.normal(ks[6], (H, C), dtype=jnp.float32) * (1.0 / np.sqrt(H))
    bl = jnp.zeros((C,), dtype=jnp.float32)
    return {"x": x, "edge_index": edge_index, "batch": batch,
            "W1": W1, "b1": b1, "W2": W2, "b2": b2, "W3": W3, "b3": b3,
            "Wl": Wl, "bl": bl}


def _gcn_conv(x, src, dst, W, b, num_nodes):
    # GCNConv: symmetric normalization with self-loops
    # x' = D^{-1/2} (A + I) D^{-1/2} x W + b
    loop = jnp.arange(num_nodes, dtype=src.dtype)
    s = jnp.concatenate([src, loop])
    d = jnp.concatenate([dst, loop])
    deg = jnp.zeros((num_nodes,), dtype=x.dtype).at[d].add(1.0)
    deg_inv_sqrt = jnp.where(deg > 0, deg ** -0.5, 0.0)
    norm = deg_inv_sqrt[s] * deg_inv_sqrt[d]
    h = x @ W
    msg = h[s] * norm[:, None]
    out = jnp.zeros((num_nodes, W.shape[1]), dtype=x.dtype).at[d].add(msg)
    return out + b


def reference(x, edge_index, batch, W1, b1, W2, b2, W3, b3, Wl, bl):
    src = edge_index[0]
    dst = edge_index[1]
    h = jax.nn.relu(_gcn_conv(x, src, dst, W1, b1, N))
    h = jax.nn.relu(_gcn_conv(h, src, dst, W2, b2, N))
    h = jax.nn.relu(_gcn_conv(h, src, dst, W3, b3, N))
    # global_mean_pool over graph assignment 'batch'
    sums = jax.ops.segment_sum(h, batch, num_segments=G)
    counts = jax.ops.segment_sum(jnp.ones((N,), dtype=h.dtype), batch, num_segments=G)
    counts = jnp.maximum(counts, 1.0)
    pooled = sums / counts[:, None]
    # dropout is identity in eval mode
    out = pooled @ Wl + bl
    return out

if __name__ == "__main__":
    import jax
    _d = setup_inputs()
    print(jax.jit(kernel)(*tuple(_d.values())))

</pallas_src>

<mosaic_0001>
#map = affine_map<(d0, d1) -> (0, 0, 0)>
#map1 = affine_map<(d0, d1) -> (0, 0)>
module attributes {stable_mosaic.version = 14 : i64} {
  func.func @_deg_body(%arg0: i32, %arg1: i32, %arg2: memref<32x125x80xi32, #tpu.memory_space<hbm>>, %arg3: memref<632x16xf32, #tpu.memory_space<hbm>>, %arg4: memref<80x16xf32, #tpu.memory_space<hbm>>, %arg5: memref<2x10112x16xf32, #tpu.memory_space<hbm>>, %arg6: memref<125x80xi32, #tpu.memory_space<vmem>>, %arg7: memref<80x16xf32, #tpu.memory_space<vmem>>, %arg8: memref<10112x16xf32, #tpu.memory_space<vmem_shared>>, %arg9: memref<!tpu.dma_semaphore, #tpu.memory_space<semaphore_mem>>) attributes {dimension_semantics = [#tpu.dimension_semantics<core_parallel>, #tpu.dimension_semantics<subcore_parallel>], iteration_bounds = array<i64: 2, 16>, scalar_prefetch = 0 : i64, scratch_operands = 4 : i64, tpu.core_type = #tpu.core_type<sc_vector_subcore>, window_params = [{transform_indices = #map}, {transform_indices = #map1}, {transform_indices = #map1}, {transform_indices = #map}]} {
    %mul3A = arith.constant 16 : i32
    %mul3A_0 = arith.muli %arg0, %mul3A : i32
    %add3A = arith.addi %mul3A_0, %arg1 : i32
    %mul3A_1 = arith.constant 632 : i32
    %mul3A_2 = arith.muli %arg1, %mul3A_1 : i32
    "tpu.region"() ({
      %run_scoped3A = tpu.sem_alloc : memref<!tpu.dma_semaphore, #tpu.memory_space<semaphore_mem>>
      %dma_start3A = arith.constant 0 : i32
      %dma_start3A_17 = tpu.memref_slice %arg8[%mul3A_2, %dma_start3A] : memref<10112x16xf32, #tpu.memory_space<vmem_shared>> -> memref<632x16xf32, #tpu.memory_space<vmem_shared>>
      tpu.enqueue_dma source(%arg3 : memref<632x16xf32, #tpu.memory_space<hbm>>) target(%dma_start3A_17 : memref<632x16xf32, #tpu.memory_space<vmem_shared>>) target_semaphore(%run_scoped3A : memref<!tpu.dma_semaphore, #tpu.memory_space<semaphore_mem>>)
      %dma_wait3A = arith.constant 0 : i32
      %dma_wait3A_18 = tpu.memref_slice %arg8[%mul3A_2, %dma_wait3A] : memref<10112x16xf32, #tpu.memory_space<vmem_shared>> -> memref<632x16xf32, #tpu.memory_space<vmem_shared>>
      tpu.wait_dma2 semaphore(%run_scoped3A : memref<!tpu.dma_semaphore, #tpu.memory_space<semaphore_mem>>) src(%arg3 : memref<632x16xf32, #tpu.memory_space<hbm>>) dst(%dma_wait3A_18 : memref<632x16xf32, #tpu.memory_space<vmem_shared>>)
      tpu.yield
    }) : () -> ()
    "tpu.region"() ({
      %run_scoped3A = tpu.sem_alloc : memref<!tpu.dma_semaphore, #tpu.memory_space<semaphore_mem>>
      tpu.enqueue_dma source(%arg4 : memref<80x16xf32, #tpu.memory_space<hbm>>) target(%arg7 : memref<80x16xf32, #tpu.memory_space<vmem>>) target_semaphore(%run_scoped3A : memref<!tpu.dma_semaphore, #tpu.memory_space<semaphore_mem>>)
      tpu.wait_dma2 semaphore(%run_scoped3A : memref<!tpu.dma_semaphore, #tpu.memory_space<semaphore_mem>>) src(%arg4 : memref<80x16xf32, #tpu.memory_space<hbm>>) dst(%arg7 : memref<80x16xf32, #tpu.memory_space<vmem>>)
      tpu.yield
    }) : () -> ()
    "tpu.region"() ({
      %run_scoped3A = tpu.sem_alloc : memref<!tpu.dma_semaphore, #tpu.memory_space<semaphore_mem>>
      %dma_start3A = arith.constant 0 : i32
      %dma_start3A_17 = arith.constant 0 : i32
      %dma_start3A_18 = tpu.memref_slice %arg2[%add3A, %dma_start3A, %dma_start3A_17] : memref<32x125x80xi32, #tpu.memory_space<hbm>> -> memref<1x125x80xi32, #tpu.memory_space<hbm>>
      %dma_start3A_19 = tpu.memref_squeeze %dma_start3A_18 : memref<1x125x80xi32, #tpu.memory_space<hbm>> -> memref<125x80xi32, #tpu.memory_space<hbm>>
      %dma_start3A_20 = arith.constant 0 : i32
      %dma_start3A_21 = arith.constant 0 : i32
      %dma_start3A_22 = tpu.memref_slice %arg2[%add3A, %dma_start3A_20, %dma_start3A_21] : memref<32x125x80xi32, #tpu.memory_space<hbm>> -> memref<1x125x80xi32, #tpu.memory_space<hbm>>
      %dma_start3A_23 = tpu.memref_squeeze %dma_start3A_22 : memref<1x125x80xi32, #tpu.memory_space<hbm>> -> memref<125x80xi32, #tpu.memory_space<hbm>>
      tpu.enqueue_dma source(%dma_start3A_23 : memref<125x80xi32, #tpu.memory_space<hbm>>) target(%arg6 : memref<125x80xi32, #tpu.memory_space<vmem>>) target_semaphore(%run_scoped3A : memref<!tpu.dma_semaphore, #tpu.memory_space<semaphore_mem>>)
      %dma_wait3A = arith.constant 0 : i32
      %dma_wait3A_24 = arith.constant 0 : i32
      %dma_wait3A_25 = tpu.memref_slice %arg2[%add3A, %dma_wait3A, %dma_wait3A_24] : memref<32x125x80xi32, #tpu.memory_space<hbm>> -> memref<1x125x80xi32, #tpu.memory_space<hbm>>
      %dma_wait3A_26 = tpu.memref_squeeze %dma_wait3A_25 : memref<1x125x80xi32, #tpu.memory_space<hbm>> -> memref<125x80xi32, #tpu.memory_space<hbm>>
      %dma_wait3A_27 = arith.constant 0 : i32
      %dma_wait3A_28 = arith.constant 0 : i32
      %dma_wait3A_29 = tpu.memref_slice %arg2[%add3A, %dma_wait3A_27, %dma_wait3A_28] : memref<32x125x80xi32, #tpu.memory_space<hbm>> -> memref<1x125x80xi32, #tpu.memory_space<hbm>>
      %dma_wait3A_30 = tpu.memref_squeeze %dma_wait3A_29 : memref<1x125x80xi32, #tpu.memory_space<hbm>> -> memref<125x80xi32, #tpu.memory_space<hbm>>
      tpu.wait_dma2 semaphore(%run_scoped3A : memref<!tpu.dma_semaphore, #tpu.memory_space<semaphore_mem>>) src(%dma_wait3A_30 : memref<125x80xi32, #tpu.memory_space<hbm>>) dst(%arg6 : memref<125x80xi32, #tpu.memory_space<vmem>>)
      tpu.yield
    }) : () -> ()
    %barrier3A = arith.constant 0 : index
    tpu.barrier barrier_id(%barrier3A)
    %scan3A = arith.constant 0 : i32
    %scan3A_3 = arith.constant 125 : i32
    %scan3A_4 = arith.addi %scan3A, %scan3A_3 : i32
    %scan3A_5 = arith.constant 1 : i32
    scf.for %scan3A_17 = %scan3A to %scan3A_4 step %scan3A_5  : i32 {
      %mul3A_18 = arith.constant 1 : i32
      %mul3A_19 = arith.muli %scan3A_17, %mul3A_18 : i32
      %add3A_20 = arith.constant 0 : i32
      %add3A_21 = arith.addi %add3A_20, %mul3A_19 : i32
      %dma_start3A = arith.constant 0 : i32
      %dma_start3A_22 = tpu.memref_slice %arg6[%add3A_21, %dma_start3A] : memref<125x80xi32, #tpu.memory_space<vmem>> -> memref<1x80xi32, #tpu.memory_space<vmem>>
      %dma_start3A_23 = tpu.memref_squeeze %dma_start3A_22 : memref<1x80xi32, #tpu.memory_space<vmem>> -> memref<80xi32, #tpu.memory_space<vmem>>
      %dma_start3A_24 = arith.constant 0 : i32
      %dma_start3A_25 = arith.constant 0 : i32
      %dma_start3A_26 = tpu.memref_slice %arg8[%dma_start3A_24, %dma_start3A_25] : memref<10112x16xf32, #tpu.memory_space<vmem_shared>> -> memref<10112x16xf32, #tpu.memory_space<vmem_shared>>
      tpu.enqueue_indirect_dma source(%arg7 : memref<80x16xf32, #tpu.memory_space<vmem>>) target(%dma_start3A_26 : memref<10112x16xf32, #tpu.memory_space<vmem_shared>>) offsets(%dma_start3A_23 : memref<80xi32, #tpu.memory_space<vmem>>) semaphore(%arg9 : memref<!tpu.dma_semaphore, #tpu.memory_space<semaphore_mem>>) {add = true}
    }
    %scan3A_6 = arith.constant 125 : i32
    %scan3A_7 = arith.constant 0 : i32
    %scan3A_8 = arith.constant 125 : i32
    %scan3A_9 = arith.addi %scan3A_7, %scan3A_8 : i32
    %scan3A_10 = arith.constant 1 : i32
    scf.for %scan3A_17 = %scan3A_7 to %scan3A_9 step %scan3A_10  : i32 {
      %mul3A_18 = arith.constant 1 : i32
      %mul3A_19 = arith.muli %scan3A_17, %mul3A_18 : i32
      %add3A_20 = arith.constant 0 : i32
      %add3A_21 = arith.addi %add3A_20, %mul3A_19 : i32
      %dma_wait3A = arith.constant 0 : i32
      %dma_wait3A_22 = tpu.memref_slice %arg6[%add3A_21, %dma_wait3A] : memref<125x80xi32, #tpu.memory_space<vmem>> -> memref<1x80xi32, #tpu.memory_space<vmem>>
      %dma_wait3A_23 = tpu.memref_squeeze %dma_wait3A_22 : memref<1x80xi32, #tpu.memory_space<vmem>> -> memref<80xi32, #tpu.memory_space<vmem>>
      %dma_wait3A_24 = arith.constant 0 : i32
      %dma_wait3A_25 = arith.constant 0 : i32
      %dma_wait3A_26 = tpu.memref_slice %arg8[%dma_wait3A_24, %dma_wait3A_25] : memref<10112x16xf32, #tpu.memory_space<vmem_shared>> -> memref<10112x16xf32, #tpu.memory_space<vmem_shared>>
      tpu.wait_indirect_dma semaphore(%arg9 : memref<!tpu.dma_semaphore, #tpu.memory_space<semaphore_mem>>) src(%arg7 : memref<80x16xf32, #tpu.memory_space<vmem>>) dst(%dma_wait3A_26 : memref<10112x16xf32, #tpu.memory_space<vmem_shared>>)
    }
    %scan3A_11 = arith.constant 125 : i32
    %barrier3A_12 = arith.constant 0 : index
    tpu.barrier barrier_id(%barrier3A_12)
    %mul3A_13 = arith.constant 632 : i32
    %mul3A_14 = arith.muli %arg1, %mul3A_13 : i32
    %mul3A_15 = arith.constant 632 : i32
    %mul3A_16 = arith.muli %arg1, %mul3A_15 : i32
    "tpu.region"() ({
      %run_scoped3A = tpu.sem_alloc : memref<!tpu.dma_semaphore, #tpu.memory_space<semaphore_mem>>
      %dma_start3A = arith.constant 0 : i32
      %dma_start3A_17 = tpu.memref_slice %arg5[%arg0, %mul3A_16, %dma_start3A] : memref<2x10112x16xf32, #tpu.memory_space<hbm>> -> memref<1x632x16xf32, #tpu.memory_space<hbm>>
      %dma_start3A_18 = tpu.memref_squeeze %dma_start3A_17 : memref<1x632x16xf32, #tpu.memory_space<hbm>> -> memref<632x16xf32, #tpu.memory_space<hbm>>
      %dma_start3A_19 = arith.constant 0 : i32
      %dma_start3A_20 = tpu.memref_slice %arg8[%mul3A_14, %dma_start3A_19] : memref<10112x16xf32, #tpu.memory_space<vmem_shared>> -> memref<632x16xf32, #tpu.memory_space<vmem_shared>>
      tpu.enqueue_dma source(%dma_start3A_20 : memref<632x16xf32, #tpu.memory_space<vmem_shared>>) target(%dma_start3A_18 : memref<632x16xf32, #tpu.memory_space<hbm>>) target_semaphore(%run_scoped3A : memref<!tpu.dma_semaphore, #tpu.memory_space<semaphore_mem>>)
      %dma_wait3A = arith.constant 0 : i32
      %dma_wait3A_21 = tpu.memref_slice %arg5[%arg0, %mul3A_16, %dma_wait3A] : memref<2x10112x16xf32, #tpu.memory_space<hbm>> -> memref<1x632x16xf32, #tpu.memory_space<hbm>>
      %dma_wait3A_22 = tpu.memref_squeeze %dma_wait3A_21 : memref<1x632x16xf32, #tpu.memory_space<hbm>> -> memref<632x16xf32, #tpu.memory_space<hbm>>
      %dma_wait3A_23 = arith.constant 0 : i32
      %dma_wait3A_24 = tpu.memref_slice %arg8[%mul3A_14, %dma_wait3A_23] : memref<10112x16xf32, #tpu.memory_space<vmem_shared>> -> memref<632x16xf32, #tpu.memory_space<vmem_shared>>
      tpu.wait_dma2 semaphore(%run_scoped3A : memref<!tpu.dma_semaphore, #tpu.memory_space<semaphore_mem>>) src(%dma_wait3A_24 : memref<632x16xf32, #tpu.memory_space<vmem_shared>>) dst(%dma_wait3A_22 : memref<632x16xf32, #tpu.memory_space<hbm>>)
      tpu.yield
    }) : () -> ()
    return
  }
}

#map = affine_map<(d0, d1) -> (0, 0)>
#map1 = affine_map<(d0, d1) -> (0, 0, 0)>
module attributes {stable_mosaic.version = 14 : i64} {
  func.func @_agg_body(%arg0: i32, %arg1: i32, %arg2: memref<10112x64xf32, #tpu.memory_space<hbm>>, %arg3: memref<32x125x80xi32, #tpu.memory_space<hbm>>, %arg4: memref<32x125x80xi32, #tpu.memory_space<hbm>>, %arg5: memref<632x64xf32, #tpu.memory_space<hbm>>, %arg6: memref<2x10112x64xf32, #tpu.memory_space<hbm>>, %arg7: memref<125x80xi32, #tpu.memory_space<vmem>>, %arg8: memref<125x80xi32, #tpu.memory_space<vmem>>, %arg9: memref<80x64xf32, #tpu.memory_space<vmem>>, %arg10: memref<80x64xf32, #tpu.memory_space<vmem>>, %arg11: memref<80x64xf32, #tpu.memory_space<vmem>>, %arg12: memref<80x64xf32, #tpu.memory_space<vmem>>, %arg13: memref<80x64xf32, #tpu.memory_space<vmem>>, %arg14: memref<10112x64xf32, #tpu.memory_space<vmem_shared>>, %arg15: memref<!tpu.dma_semaphore, #tpu.memory_space<semaphore_mem>>, %arg16: memref<!tpu.dma_semaphore, #tpu.memory_space<semaphore_mem>>, %arg17: memref<!tpu.dma_semaphore, #tpu.memory_space<semaphore_mem>>, %arg18: memref<!tpu.dma_semaphore, #tpu.memory_space<semaphore_mem>>, %arg19: memref<!tpu.dma_semaphore, #tpu.memory_space<semaphore_mem>>) attributes {dimension_semantics = [#tpu.dimension_semantics<core_parallel>, #tpu.dimension_semantics<subcore_parallel>], iteration_bounds = array<i64: 2, 16>, scalar_prefetch = 0 : i64, scratch_operands = 13 : i64, tpu.core_type = #tpu.core_type<sc_vector_subcore>, window_params = [{transform_indices = #map}, {transform_indices = #map1}, {transform_indices = #map1}, {transform_indices = #map}, {transform_indices = #map1}]} {
    %mul3A = arith.constant 16 : i32
    %mul3A_0 = arith.muli %arg0, %mul3A : i32
    %add3A = arith.addi %mul3A_0, %arg1 : i32
    %mul3A_1 = arith.constant 632 : i32
    %mul3A_2 = arith.muli %arg1, %mul3A_1 : i32
    "tpu.region"() ({
      %run_scoped3A = tpu.sem_alloc : memref<!tpu.dma_semaphore, #tpu.memory_space<semaphore_mem>>
      %dma_start3A_46 = arith.constant 0 : i32
      %dma_start3A_47 = tpu.memref_slice %arg14[%mul3A_2, %dma_start3A_46] : memref<10112x64xf32, #tpu.memory_space<vmem_shared>> -> memref<632x64xf32, #tpu.memory_space<vmem_shared>>
      tpu.enqueue_dma source(%arg5 : memref<632x64xf32, #tpu.memory_space<hbm>>) target(%dma_start3A_47 : memref<632x64xf32, #tpu.memory_space<vmem_shared>>) target_semaphore(%run_scoped3A : memref<!tpu.dma_semaphore, #tpu.memory_space<semaphore_mem>>)
      %dma_wait3A = arith.constant 0 : i32
      %dma_wait3A_48 = tpu.memref_slice %arg14[%mul3A_2, %dma_wait3A] : memref<10112x64xf32, #tpu.memory_space<vmem_shared>> -> memref<632x64xf32, #tpu.memory_space<vmem_shared>>
      tpu.wait_dma2 semaphore(%run_scoped3A : memref<!tpu.dma_semaphore, #tpu.memory_space<semaphore_mem>>) src(%arg5 : memref<632x64xf32, #tpu.memory_space<hbm>>) dst(%dma_wait3A_48 : memref<632x64xf32, #tpu.memory_space<vmem_shared>>)
      tpu.yield
    }) : () -> ()
    "tpu.region"() ({
      %run_scoped3A = tpu.sem_alloc : memref<!tpu.dma_semaphore, #tpu.memory_space<semaphore_mem>>
      %dma_start3A_46 = arith.constant 0 : i32
      %dma_start3A_47 = arith.constant 0 : i32
      %dma_start3A_48 = tpu.memref_slice %arg3[%add3A, %dma_start3A_46, %dma_start3A_47] : memref<32x125x80xi32, #tpu.memory_space<hbm>> -> memref<1x125x80xi32, #tpu.memory_space<hbm>>
      %dma_start3A_49 = tpu.memref_squeeze %dma_start3A_48 : memref<1x125x80xi32, #tpu.memory_space<hbm>> -> memref<125x80xi32, #tpu.memory_space<hbm>>
      %dma_start3A_50 = arith.constant 0 : i32
      %dma_start3A_51 = arith.constant 0 : i32
      %dma_start3A_52 = tpu.memref_slice %arg3[%add3A, %dma_start3A_50, %dma_start3A_51] : memref<32x125x80xi32, #tpu.memory_space<hbm>> -> memref<1x125x80xi32, #tpu.memory_space<hbm>>
      %dma_start3A_53 = tpu.memref_squeeze %dma_start3A_52 : memref<1x125x80xi32, #tpu.memory_space<hbm>> -> memref<125x80xi32, #tpu.memory_space<hbm>>
      tpu.enqueue_dma source(%dma_start3A_53 : memref<125x80xi32, #tpu.memory_space<hbm>>) target(%arg7 : memref<125x80xi32, #tpu.memory_space<vmem>>) target_semaphore(%run_scoped3A : memref<!tpu.dma_semaphore, #tpu.memory_space<semaphore_mem>>)
      %dma_wait3A = arith.constant 0 : i32
      %dma_wait3A_54 = arith.constant 0 : i32
      %dma_wait3A_55 = tpu.memref_slice %arg3[%add3A, %dma_wait3A, %dma_wait3A_54] : memref<32x125x80xi32, #tpu.memory_space<hbm>> -> memref<1x125x80xi32, #tpu.memory_space<hbm>>
      %dma_wait3A_56 = tpu.memref_squeeze %dma_wait3A_55 : memref<1x125x80xi32, #tpu.memory_space<hbm>> -> memref<125x80xi32, #tpu.memory_space<hbm>>
      %dma_wait3A_57 = arith.constant 0 : i32
      %dma_wait3A_58 = arith.constant 0 : i32
      %dma_wait3A_59 = tpu.memref_slice %arg3[%add3A, %dma_wait3A_57, %dma_wait3A_58] : memref<32x125x80xi32, #tpu.memory_space<hbm>> -> memref<1x125x80xi32, #tpu.memory_space<hbm>>
      %dma_wait3A_60 = tpu.memref_squeeze %dma_wait3A_59 : memref<1x125x80xi32, #tpu.memory_space<hbm>> -> memref<125x80xi32, #tpu.memory_space<hbm>>
      tpu.wait_dma2 semaphore(%run_scoped3A : memref<!tpu.dma_semaphore, #tpu.memory_space<semaphore_mem>>) src(%dma_wait3A_60 : memref<125x80xi32, #tpu.memory_space<hbm>>) dst(%arg7 : memref<125x80xi32, #tpu.memory_space<vmem>>)
      tpu.yield
    }) : () -> ()
    "tpu.region"() ({
      %run_scoped3A = tpu.sem_alloc : memref<!tpu.dma_semaphore, #tpu.memory_space<semaphore_mem>>
      %dma_start3A_46 = arith.constant 0 : i32
      %dma_start3A_47 = arith.constant 0 : i32
      %dma_start3A_48 = tpu.memref_slice %arg4[%add3A, %dma_start3A_46, %dma_start3A_47] : memref<32x125x80xi32, #tpu.memory_space<hbm>> -> memref<1x125x80xi32, #tpu.memory_space<hbm>>
      %dma_start3A_49 = tpu.memref_squeeze %dma_start3A_48 : memref<1x125x80xi32, #tpu.memory_space<hbm>> -> memref<125x80xi32, #tpu.memory_space<hbm>>
      %dma_start3A_50 = arith.constant 0 : i32
      %dma_start3A_51 = arith.constant 0 : i32
      %dma_start3A_52 = tpu.memref_slice %arg4[%add3A, %dma_start3A_50, %dma_start3A_51] : memref<32x125x80xi32, #tpu.memory_space<hbm>> -> memref<1x125x80xi32, #tpu.memory_space<hbm>>
      %dma_start3A_53 = tpu.memref_squeeze %dma_start3A_52 : memref<1x125x80xi32, #tpu.memory_space<hbm>> -> memref<125x80xi32, #tpu.memory_space<hbm>>
      tpu.enqueue_dma source(%dma_start3A_53 : memref<125x80xi32, #tpu.memory_space<hbm>>) target(%arg8 : memref<125x80xi32, #tpu.memory_space<vmem>>) target_semaphore(%run_scoped3A : memref<!tpu.dma_semaphore, #tpu.memory_space<semaphore_mem>>)
      %dma_wait3A = arith.constant 0 : i32
      %dma_wait3A_54 = arith.constant 0 : i32
      %dma_wait3A_55 = tpu.memref_slice %arg4[%add3A, %dma_wait3A, %dma_wait3A_54] : memref<32x125x80xi32, #tpu.memory_space<hbm>> -> memref<1x125x80xi32, #tpu.memory_space<hbm>>
      %dma_wait3A_56 = tpu.memref_squeeze %dma_wait3A_55 : memref<1x125x80xi32, #tpu.memory_space<hbm>> -> memref<125x80xi32, #tpu.memory_space<hbm>>
      %dma_wait3A_57 = arith.constant 0 : i32
      %dma_wait3A_58 = arith.constant 0 : i32
      %dma_wait3A_59 = tpu.memref_slice %arg4[%add3A, %dma_wait3A_57, %dma_wait3A_58] : memref<32x125x80xi32, #tpu.memory_space<hbm>> -> memref<1x125x80xi32, #tpu.memory_space<hbm>>
      %dma_wait3A_60 = tpu.memref_squeeze %dma_wait3A_59 : memref<1x125x80xi32, #tpu.memory_space<hbm>> -> memref<125x80xi32, #tpu.memory_space<hbm>>
      tpu.wait_dma2 semaphore(%run_scoped3A : memref<!tpu.dma_semaphore, #tpu.memory_space<semaphore_mem>>) src(%dma_wait3A_60 : memref<125x80xi32, #tpu.memory_space<hbm>>) dst(%arg8 : memref<125x80xi32, #tpu.memory_space<vmem>>)
      tpu.yield
    }) : () -> ()
    %barrier3A = arith.constant 0 : index
    tpu.barrier barrier_id(%barrier3A)
    %dma_start3A = arith.constant 0 : i32
    %dma_start3A_3 = arith.constant 0 : i32
    %dma_start3A_4 = tpu.memref_slice %arg7[%dma_start3A, %dma_start3A_3] : memref<125x80xi32, #tpu.memory_space<vmem>> -> memref<1x80xi32, #tpu.memory_space<vmem>>
    %dma_start3A_5 = tpu.memref_squeeze %dma_start3A_4 : memref<1x80xi32, #tpu.memory_space<vmem>> -> memref<80xi32, #tpu.memory_space<vmem>>
    %dma_start3A_6 = arith.constant 0 : i32
    %dma_start3A_7 = arith.constant 0 : i32
    %dma_start3A_8 = tpu.memref_slice %arg2[%dma_start3A_6, %dma_start3A_7] : memref<10112x64xf32, #tpu.memory_space<hbm>> -> memref<10112x64xf32, #tpu.memory_space<hbm>>
    tpu.enqueue_indirect_dma source(%dma_start3A_8 : memref<10112x64xf32, #tpu.memory_space<hbm>>) target(%arg9 : memref<80x64xf32, #tpu.memory_space<vmem>>) offsets(%dma_start3A_5 : memref<80xi32, #tpu.memory_space<vmem>>) semaphore(%arg15 : memref<!tpu.dma_semaphore, #tpu.memory_space<semaphore_mem>>)
    %dma_start3A_9 = arith.constant 1 : i32
    %dma_start3A_10 = arith.constant 0 : i32
    %dma_start3A_11 = tpu.memref_slice %arg7[%dma_start3A_9, %dma_start3A_10] : memref<125x80xi32, #tpu.memory_space<vmem>> -> memref<1x80xi32, #tpu.memory_space<vmem>>
    %dma_start3A_12 = tpu.memref_squeeze %dma_start3A_11 : memref<1x80xi32, #tpu.memory_space<vmem>> -> memref<80xi32, #tpu.memory_space<vmem>>
    %dma_start3A_13 = arith.constant 0 : i32
    %dma_start3A_14 = arith.constant 0 : i32
    %dma_start3A_15 = tpu.memref_slice %arg2[%dma_start3A_13, %dma_start3A_14] : memref<10112x64xf32, #tpu.memory_space<hbm>> -> memref<10112x64xf32, #tpu.memory_space<hbm>>
    tpu.enqueue_indirect_dma source(%dma_start3A_15 : memref<10112x64xf32, #tpu.memory_space<hbm>>) target(%arg10 : memref<80x64xf32, #tpu.memory_space<vmem>>) offsets(%dma_start3A_12 : memref<80xi32, #tpu.memory_space<vmem>>) semaphore(%arg16 : memref<!tpu.dma_semaphore, #tpu.memory_space<semaphore_mem>>)
    %dma_start3A_16 = arith.constant 2 : i32
    %dma_start3A_17 = arith.constant 0 : i32
    %dma_start3A_18 = tpu.memref_slice %arg7[%dma_start3A_16, %dma_start3A_17] : memref<125x80xi32, #tpu.memory_space<vmem>> -> memref<1x80xi32, #tpu.memory_space<vmem>>
    %dma_start3A_19 = tpu.memref_squeeze %dma_start3A_18 : memref<1x80xi32, #tpu.memory_space<vmem>> -> memref<80xi32, #tpu.memory_space<vmem>>
    %dma_start3A_20 = arith.constant 0 : i32
    %dma_start3A_21 = arith.constant 0 : i32
    %dma_start3A_22 = tpu.memref_slice %arg2[%dma_start3A_20, %dma_start3A_21] : memref<10112x64xf32, #tpu.memory_space<hbm>> -> memref<10112x64xf32, #tpu.memory_space<hbm>>
    tpu.enqueue_indirect_dma source(%dma_start3A_22 : memref<10112x64xf32, #tpu.memory_space<hbm>>) target(%arg11 : memref<80x64xf32, #tpu.memory_space<vmem>>) offsets(%dma_start3A_19 : memref<80xi32, #tpu.memory_space<vmem>>) semaphore(%arg17 : memref<!tpu.dma_semaphore, #tpu.memory_space<semaphore_mem>>)
    %dma_start3A_23 = arith.constant 3 : i32
    %dma_start3A_24 = arith.constant 0 : i32
    %dma_start3A_25 = tpu.memref_slice %arg7[%dma_start3A_23, %dma_start3A_24] : memref<125x80xi32, #tpu.memory_space<vmem>> -> memref<1x80xi32, #tpu.memory_space<vmem>>
    %dma_start3A_26 = tpu.memref_squeeze %dma_start3A_25 : memref<1x80xi32, #tpu.memory_space<vmem>> -> memref<80xi32, #tpu.memory_space<vmem>>
    %dma_start3A_27 = arith.constant 0 : i32
    %dma_start3A_28 = arith.constant 0 : i32
    %dma_start3A_29 = tpu.memref_slice %arg2[%dma_start3A_27, %dma_start3A_28] : memref<10112x64xf32, #tpu.memory_space<hbm>> -> memref<10112x64xf32, #tpu.memory_space<hbm>>
    tpu.enqueue_indirect_dma source(%dma_start3A_29 : memref<10112x64xf32, #tpu.memory_space<hbm>>) target(%arg12 : memref<80x64xf32, #tpu.memory_space<vmem>>) offsets(%dma_start3A_26 : memref<80xi32, #tpu.memory_space<vmem>>) semaphore(%arg18 : memref<!tpu.dma_semaphore, #tpu.memory_space<semaphore_mem>>)
    %dma_start3A_30 = arith.constant 4 : i32
    %dma_start3A_31 = arith.constant 0 : i32
    %dma_start3A_32 = tpu.memref_slice %arg7[%dma_start3A_30, %dma_start3A_31] : memref<125x80xi32, #tpu.memory_space<vmem>> -> memref<1x80xi32, #tpu.memory_space<vmem>>
    %dma_start3A_33 = tpu.memref_squeeze %dma_start3A_32 : memref<1x80xi32, #tpu.memory_space<vmem>> -> memref<80xi32, #tpu.memory_space<vmem>>
    %dma_start3A_34 = arith.constant 0 : i32
    %dma_start3A_35 = arith.constant 0 : i32
    %dma_start3A_36 = tpu.memref_slice %arg2[%dma_start3A_34, %dma_start3A_35] : memref<10112x64xf32, #tpu.memory_space<hbm>> -> memref<10112x64xf32, #tpu.memory_space<hbm>>
    tpu.enqueue_indirect_dma source(%dma_start3A_36 : memref<10112x64xf32, #tpu.memory_space<hbm>>) target(%arg13 : memref<80x64xf32, #tpu.memory_space<vmem>>) offsets(%dma_start3A_33 : memref<80xi32, #tpu.memory_space<vmem>>) semaphore(%arg19 : memref<!tpu.dma_semaphore, #tpu.memory_space<semaphore_mem>>)
    %scan3A = arith.constant 0 : i32
    %scan3A_37 = arith.constant 25 : i32
    %scan3A_38 = arith.addi %scan3A, %scan3A_37 : i32
    %scan3A_39 = arith.constant 1 : i32
    scf.for %scan3A_46 = %scan3A to %scan3A_38 step %scan3A_39  : i32 {
      %mul3A_47 = arith.constant 1 : i32
      %mul3A_48 = arith.muli %scan3A_46, %mul3A_47 : i32
      %add3A_49 = arith.constant 0 : i32
      %add3A_50 = arith.addi %add3A_49, %mul3A_48 : i32
      %mul3A_51 = arith.constant 5 : i32
      %mul3A_52 = arith.muli %add3A_50, %mul3A_51 : i32
      %add3A_53 = arith.constant 0 : i32
      %add3A_54 = arith.addi %mul3A_52, %add3A_53 : i32
      %dma_wait3A = arith.constant 0 : i32
      %dma_wait3A_55 = tpu.memref_slice %arg7[%add3A_54, %dma_wait3A] : memref<125x80xi32, #tpu.memory_space<vmem>> -> memref<1x80xi32, #tpu.memory_space<vmem>>
      %dma_wait3A_56 = tpu.memref_squeeze %dma_wait3A_55 : memref<1x80xi32, #tpu.memory_space<vmem>> -> memref<80xi32, #tpu.memory_space<vmem>>
      %dma_wait3A_57 = arith.constant 0 : i32
      %dma_wait3A_58 = arith.constant 0 : i32
      %dma_wait3A_59 = tpu.memref_slice %arg2[%dma_wait3A_57, %dma_wait3A_58] : memref<10112x64xf32, #tpu.memory_space<hbm>> -> memref<10112x64xf32, #tpu.memory_space<hbm>>
      tpu.wait_indirect_dma semaphore(%arg15 : memref<!tpu.dma_semaphore, #tpu.memory_space<semaphore_mem>>) src(%dma_wait3A_59 : memref<10112x64xf32, #tpu.memory_space<hbm>>) dst(%arg9 : memref<80x64xf32, #tpu.memory_space<vmem>>)
      "tpu.region"() ({
        %run_scoped3A = tpu.sem_alloc : memref<!tpu.dma_semaphore, #tpu.memory_space<semaphore_mem>>
        %dma_start3A_124 = arith.constant 0 : i32
        %dma_start3A_125 = tpu.memref_slice %arg8[%add3A_54, %dma_start3A_124] : memref<125x80xi32, #tpu.memory_space<vmem>> -> memref<1x80xi32, #tpu.memory_space<vmem>>
        %dma_start3A_126 = tpu.memref_squeeze %dma_start3A_125 : memref<1x80xi32, #tpu.memory_space<vmem>> -> memref<80xi32, #tpu.memory_space<vmem>>
        %dma_start3A_127 = arith.constant 0 : i32
        %dma_start3A_128 = arith.constant 0 : i32
        %dma_start3A_129 = tpu.memref_slice %arg14[%dma_start3A_127, %dma_start3A_128] : memref<10112x64xf32, #tpu.memory_space<vmem_shared>> -> memref<10112x64xf32, #tpu.memory_space<vmem_shared>>
        tpu.enqueue_indirect_dma source(%arg9 : memref<80x64xf32, #tpu.memory_space<vmem>>) target(%dma_start3A_129 : memref<10112x64xf32, #tpu.memory_space<vmem_shared>>) offsets(%dma_start3A_126 : memref<80xi32, #tpu.memory_space<vmem>>) semaphore(%run_scoped3A : memref<!tpu.dma_semaphore, #tpu.memory_space<semaphore_mem>>) {add = true}
        %dma_wait3A_130 = arith.constant 0 : i32
        %dma_wait3A_131 = tpu.memref_slice %arg8[%add3A_54, %dma_wait3A_130] : memref<125x80xi32, #tpu.memory_space<vmem>> -> memref<1x80xi32, #tpu.memory_space<vmem>>
        %dma_wait3A_132 = tpu.memref_squeeze %dma_wait3A_131 : memref<1x80xi32, #tpu.memory_space<vmem>> -> memref<80xi32, #tpu.memory_space<vmem>>
        %dma_wait3A_133 = arith.constant 0 : i32
        %dma_wait3A_134 = arith.constant 0 : i32
        %dma_wait3A_135 = tpu.memref_slice %arg14[%dma_wait3A_133, %dma_wait3A_134] : memref<10112x64xf32, #tpu.memory_space<vmem_shared>> -> memref<10112x64xf32, #tpu.memory_space<vmem_shared>>
        tpu.wait_indirect_dma semaphore(%run_scoped3A : memref<!tpu.dma_semaphore, #tpu.memory_space<semaphore_mem>>) src(%arg9 : memref<80x64xf32, #tpu.memory_space<vmem>>) dst(%dma_wait3A_135 : memref<10112x64xf32, #tpu.memory_space<vmem_shared>>)
        tpu.yield
      }) : () -> ()
      %add3A_60 = arith.constant 5 : i32
      %add3A_61 = arith.addi %add3A_54, %add3A_60 : i32
      %lt3A = arith.constant 125 : i32
      %lt3A_62 = arith.cmpi slt, %add3A_61, %lt3A : i32
      %convert_element_type3A = arith.extui %lt3A_62 : i1 to i32
      %cond3A = arith.constant 0 : i32
      %cond3A_63 = arith.cmpi ne, %convert_element_type3A, %cond3A : i32
      scf.if %cond3A_63 {
        %add3A_124 = arith.constant 5 : i32
        %add3A_125 = arith.addi %add3A_54, %add3A_124 : i32
        %dma_start3A_126 = arith.constant 0 : i32
        %dma_start3A_127 = tpu.memref_slice %arg7[%add3A_125, %dma_start3A_126] : memref<125x80xi32, #tpu.memory_space<vmem>> -> memref<1x80xi32, #tpu.memory_space<vmem>>
        %dma_start3A_128 = tpu.memref_squeeze %dma_start3A_127 : memref<1x80xi32, #tpu.memory_space<vmem>> -> memref<80xi32, #tpu.memory_space<vmem>>
        %dma_start3A_129 = arith.constant 0 : i32
        %dma_start3A_130 = arith.constant 0 : i32
        %dma_start3A_131 = tpu.memref_slice %arg2[%dma_start3A_129, %dma_start3A_130] : memref<10112x64xf32, #tpu.memory_space<hbm>> -> memref<10112x64xf32, #tpu.memory_space<hbm>>
        tpu.enqueue_indirect_dma source(%dma_start3A_131 : memref<10112x64xf32, #tpu.memory_space<hbm>>) target(%arg9 : memref<80x64xf32, #tpu.memory_space<vmem>>) offsets(%dma_start3A_128 : memref<80xi32, #tpu.memory_space<vmem>>) semaphore(%arg15 : memref<!tpu.dma_semaphore, #tpu.memory_space<semaphore_mem>>)
      } else {
      }
      %add3A_64 = arith.constant 1 : i32
      %add3A_65 = arith.addi %mul3A_52, %add3A_64 : i32
      %dma_wait3A_66 = arith.constant 0 : i32
      %dma_wait3A_67 = tpu.memref_slice %arg7[%add3A_65, %dma_wait3A_66] : memref<125x80xi32, #tpu.memory_space<vmem>> -> memref<1x80xi32, #tpu.memory_space<vmem>>
      %dma_wait3A_68 = tpu.memref_squeeze %dma_wait3A_67 : memref<1x80xi32, #tpu.memory_space<vmem>> -> memref<80xi32, #tpu.memory_space<vmem>>
      %dma_wait3A_69 = arith.constant 0 : i32
      %dma_wait3A_70 = arith.constant 0 : i32
      %dma_wait3A_71 = tpu.memref_slice %arg2[%dma_wait3A_69, %dma_wait3A_70] : memref<10112x64xf32, #tpu.memory_space<hbm>> -> memref<10112x64xf32, #tpu.memory_space<hbm>>
      tpu.wait_indirect_dma semaphore(%arg16 : memref<!tpu.dma_semaphore, #tpu.memory_space<semaphore_mem>>) src(%dma_wait3A_71 : memref<10112x64xf32, #tpu.memory_space<hbm>>) dst(%arg10 : memref<80x64xf32, #tpu.memory_space<vmem>>)
      "tpu.region"() ({
        %run_scoped3A = tpu.sem_alloc : memref<!tpu.dma_semaphore, #tpu.memory_space<semaphore_mem>>
        %dma_start3A_124 = arith.constant 0 : i32
        %dma_start3A_125 = tpu.memref_slice %arg8[%add3A_65, %dma_start3A_124] : memref<125x80xi32, #tpu.memory_space<vmem>> -> memref<1x80xi32, #tpu.memory_space<vmem>>
        %dma_start3A_126 = tpu.memref_squeeze %dma_start3A_125 : memref<1x80xi32, #tpu.memory_space<vmem>> -> memref<80xi32, #tpu.memory_space<vmem>>
        %dma_start3A_127 = arith.constant 0 : i32
        %dma_start3A_128 = arith.constant 0 : i32
        %dma_start3A_129 = tpu.memref_slice %arg14[%dma_start3A_127, %dma_start3A_128] : memref<10112x64xf32, #tpu.memory_space<vmem_shared>> -> memref<10112x64xf32, #tpu.memory_space<vmem_shared>>
        tpu.enqueue_indirect_dma source(%arg10 : memref<80x64xf32, #tpu.memory_space<vmem>>) target(%dma_start3A_129 : memref<10112x64xf32, #tpu.memory_space<vmem_shared>>) offsets(%dma_start3A_126 : memref<80xi32, #tpu.memory_space<vmem>>) semaphore(%run_scoped3A : memref<!tpu.dma_semaphore, #tpu.memory_space<semaphore_mem>>) {add = true}
        %dma_wait3A_130 = arith.constant 0 : i32
        %dma_wait3A_131 = tpu.memref_slice %arg8[%add3A_65, %dma_wait3A_130] : memref<125x80xi32, #tpu.memory_space<vmem>> -> memref<1x80xi32, #tpu.memory_space<vmem>>
        %dma_wait3A_132 = tpu.memref_squeeze %dma_wait3A_131 : memref<1x80xi32, #tpu.memory_space<vmem>> -> memref<80xi32, #tpu.memory_space<vmem>>
        %dma_wait3A_133 = arith.constant 0 : i32
        %dma_wait3A_134 = arith.constant 0 : i32
        %dma_wait3A_135 = tpu.memref_slice %arg14[%dma_wait3A_133, %dma_wait3A_134] : memref<10112x64xf32, #tpu.memory_space<vmem_shared>> -> memref<10112x64xf32, #tpu.memory_space<vmem_shared>>
        tpu.wait_indirect_dma semaphore(%run_scoped3A : memref<!tpu.dma_semaphore, #tpu.memory_space<semaphore_mem>>) src(%arg10 : memref<80x64xf32, #tpu.memory_space<vmem>>) dst(%dma_wait3A_135 : memref<10112x64xf32, #tpu.memory_space<vmem_shared>>)
        tpu.yield
      }) : () -> ()
      %add3A_72 = arith.constant 5 : i32
      %add3A_73 = arith.addi %add3A_65, %add3A_72 : i32
      %lt3A_74 = arith.constant 125 : i32
      %lt3A_75 = arith.cmpi slt, %add3A_73, %lt3A_74 : i32
      %convert_element_type3A_76 = arith.extui %lt3A_75 : i1 to i32
      %cond3A_77 = arith.constant 0 : i32
      %cond3A_78 = arith.cmpi ne, %convert_element_type3A_76, %cond3A_77 : i32
      scf.if %cond3A_78 {
        %add3A_124 = arith.constant 5 : i32
        %add3A_125 = arith.addi %add3A_65, %add3A_124 : i32
        %dma_start3A_126 = arith.constant 0 : i32
        %dma_start3A_127 = tpu.memref_slice %arg7[%add3A_125, %dma_start3A_126] : memref<125x80xi32, #tpu.memory_space<vmem>> -> memref<1x80xi32, #tpu.memory_space<vmem>>
        %dma_start3A_128 = tpu.memref_squeeze %dma_start3A_127 : memref<1x80xi32, #tpu.memory_space<vmem>> -> memref<80xi32, #tpu.memory_space<vmem>>
        %dma_start3A_129 = arith.constant 0 : i32
        %dma_start3A_130 = arith.constant 0 : i32
        %dma_start3A_131 = tpu.memref_slice %arg2[%dma_start3A_129, %dma_start3A_130] : memref<10112x64xf32, #tpu.memory_space<hbm>> -> memref<10112x64xf32, #tpu.memory_space<hbm>>
        tpu.enqueue_indirect_dma source(%dma_start3A_131 : memref<10112x64xf32, #tpu.memory_space<hbm>>) target(%arg10 : memref<80x64xf32, #tpu.memory_space<vmem>>) offsets(%dma_start3A_128 : memref<80xi32, #tpu.memory_space<vmem>>) semaphore(%arg16 : memref<!tpu.dma_semaphore, #tpu.memory_space<semaphore_mem>>)
      } else {
      }
      %add3A_79 = arith.constant 2 : i32
      %add3A_80 = arith.addi %mul3A_52, %add3A_79 : i32
      %dma_wait3A_81 = arith.constant 0 : i32
      %dma_wait3A_82 = tpu.memref_slice %arg7[%add3A_80, %dma_wait3A_81] : memref<125x80xi32, #tpu.memory_space<vmem>> -> memref<1x80xi32, #tpu.memory_space<vmem>>
      %dma_wait3A_83 = tpu.memref_squeeze %dma_wait3A_82 : memref<1x80xi32, #tpu.memory_space<vmem>> -> memref<80xi32, #tpu.memory_space<vmem>>
      %dma_wait3A_84 = arith.constant 0 : i32
      %dma_wait3A_85 = arith.constant 0 : i32
      %dma_wait3A_86 = tpu.memref_slice %arg2[%dma_wait3A_84, %dma_wait3A_85] : memref<10112x64xf32, #tpu.memory_space<hbm>> -> memref<10112x64xf32, #tpu.memory_space<hbm>>
      tpu.wait_indirect_dma semaphore(%arg17 : memref<!tpu.dma_semaphore, #tpu.memory_space<semaphore_mem>>) src(%dma_wait3A_86 : memref<10112x64xf32, #tpu.memory_space<hbm>>) dst(%arg11 : memref<80x64xf32, #tpu.memory_space<vmem>>)
      "tpu.region"() ({
        %run_scoped3A = tpu.sem_alloc : memref<!tpu.dma_semaphore, #tpu.memory_space<semaphore_mem>>
        %dma_start3A_124 = arith.constant 0 : i32
        %dma_start3A_125 = tpu.memref_slice %arg8[%add3A_80, %dma_start3A_124] : memref<125x80xi32, #tpu.memory_space<vmem>> -> memref<1x80xi32, #tpu.memory_space<vmem>>
        %dma_start3A_126 = tpu.memref_squeeze %dma_start3A_125 : memref<1x80xi32, #tpu.memory_space<vmem>> -> memref<80xi32, #tpu.memory_space<vmem>>
        %dma_start3A_127 = arith.constant 0 : i32
        %dma_start3A_128 = arith.constant 0 : i32
        %dma_start3A_129 = tpu.memref_slice %arg14[%dma_start3A_127, %dma_start3A_128] : memref<10112x64xf32, #tpu.memory_space<vmem_shared>> -> memref<10112x64xf32, #tpu.memory_space<vmem_shared>>
        tpu.enqueue_indirect_dma source(%arg11 : memref<80x64xf32, #tpu.memory_space<vmem>>) target(%dma_start3A_129 : memref<10112x64xf32, #tpu.memory_space<vmem_shared>>) offsets(%dma_start3A_126 : memref<80xi32, #tpu.memory_space<vmem>>) semaphore(%run_scoped3A : memref<!tpu.dma_semaphore, #tpu.memory_space<semaphore_mem>>) {add = true}
        %dma_wait3A_130 = arith.constant 0 : i32
        %dma_wait3A_131 = tpu.memref_slice %arg8[%add3A_80, %dma_wait3A_130] : memref<125x80xi32, #tpu.memory_space<vmem>> -> memref<1x80xi32, #tpu.memory_space<vmem>>
        %dma_wait3A_132 = tpu.memref_squeeze %dma_wait3A_131 : memref<1x80xi32, #tpu.memory_space<vmem>> -> memref<80xi32, #tpu.memory_space<vmem>>
        %dma_wait3A_133 = arith.constant 0 : i32
        %dma_wait3A_134 = arith.constant 0 : i32
        %dma_wait3A_135 = tpu.memref_slice %arg14[%dma_wait3A_133, %dma_wait3A_134] : memref<10112x64xf32, #tpu.memory_space<vmem_shared>> -> memref<10112x64xf32, #tpu.memory_space<vmem_shared>>
        tpu.wait_indirect_dma semaphore(%run_scoped3A : memref<!tpu.dma_semaphore, #tpu.memory_space<semaphore_mem>>) src(%arg11 : memref<80x64xf32, #tpu.memory_space<vmem>>) dst(%dma_wait3A_135 : memref<10112x64xf32, #tpu.memory_space<vmem_shared>>)
        tpu.yield
      }) : () -> ()
      %add3A_87 = arith.constant 5 : i32
      %add3A_88 = arith.addi %add3A_80, %add3A_87 : i32
      %lt3A_89 = arith.constant 125 : i32
      %lt3A_90 = arith.cmpi slt, %add3A_88, %lt3A_89 : i32
      %convert_element_type3A_91 = arith.extui %lt3A_90 : i1 to i32
      %cond3A_92 = arith.constant 0 : i32
      %cond3A_93 = arith.cmpi ne, %convert_element_type3A_91, %cond3A_92 : i32
      scf.if %cond3A_93 {
        %add3A_124 = arith.constant 5 : i32
        %add3A_125 = arith.addi %add3A_80, %add3A_124 : i32
        %dma_start3A_126 = arith.constant 0 : i32
        %dma_start3A_127 = tpu.memref_slice %arg7[%add3A_125, %dma_start3A_126] : memref<125x80xi32, #tpu.memory_space<vmem>> -> memref<1x80xi32, #tpu.memory_space<vmem>>
        %dma_start3A_128 = tpu.memref_squeeze %dma_start3A_127 : memref<1x80xi32, #tpu.memory_space<vmem>> -> memref<80xi32, #tpu.memory_space<vmem>>
        %dma_start3A_129 = arith.constant 0 : i32
        %dma_start3A_130 = arith.constant 0 : i32
        %dma_start3A_131 = tpu.memref_slice %arg2[%dma_start3A_129, %dma_start3A_130] : memref<10112x64xf32, #tpu.memory_space<hbm>> -> memref<10112x64xf32, #tpu.memory_space<hbm>>
        tpu.enqueue_indirect_dma source(%dma_start3A_131 : memref<10112x64xf32, #tpu.memory_space<hbm>>) target(%arg11 : memref<80x64xf32, #tpu.memory_space<vmem>>) offsets(%dma_start3A_128 : memref<80xi32, #tpu.memory_space<vmem>>) semaphore(%arg17 : memref<!tpu.dma_semaphore, #tpu.memory_space<semaphore_mem>>)
      } else {
      }
      %add3A_94 = arith.constant 3 : i32
      %add3A_95 = arith.addi %mul3A_52, %add3A_94 : i32
      %dma_wait3A_96 = arith.constant 0 : i32
      %dma_wait3A_97 = tpu.memref_slice %arg7[%add3A_95, %dma_wait3A_96] : memref<125x80xi32, #tpu.memory_space<vmem>> -> memref<1x80xi32, #tpu.memory_space<vmem>>
      %dma_wait3A_98 = tpu.memref_squeeze %dma_wait3A_97 : memref<1x80xi32, #tpu.memory_space<vmem>> -> memref<80xi32, #tpu.memory_space<vmem>>
      %dma_wait3A_99 = arith.constant 0 : i32
      %dma_wait3A_100 = arith.constant 0 : i32
      %dma_wait3A_101 = tpu.memref_slice %arg2[%dma_wait3A_99, %dma_wait3A_100] : memref<10112x64xf32, #tpu.memory_space<hbm>> -> memref<10112x64xf32, #tpu.memory_space<hbm>>
      tpu.wait_indirect_dma semaphore(%arg18 : memref<!tpu.dma_semaphore, #tpu.memory_space<semaphore_mem>>) src(%dma_wait3A_101 : memref<10112x64xf32, #tpu.memory_space<hbm>>) dst(%arg12 : memref<80x64xf32, #tpu.memory_space<vmem>>)
      "tpu.region"() ({
        %run_scoped3A = tpu.sem_alloc : memref<!tpu.dma_semaphore, #tpu.memory_space<semaphore_mem>>
        %dma_start3A_124 = arith.constant 0 : i32
        %dma_start3A_125 = tpu.memref_slice %arg8[%add3A_95, %dma_start3A_124] : memref<125x80xi32, #tpu.memory_space<vmem>> -> memref<1x80xi32, #tpu.memory_space<vmem>>
        %dma_start3A_126 = tpu.memref_squeeze %dma_start3A_125 : memref<1x80xi32, #tpu.memory_space<vmem>> -> memref<80xi32, #tpu.memory_space<vmem>>
        %dma_start3A_127 = arith.constant 0 : i32
        %dma_start3A_128 = arith.constant 0 : i32
        %dma_start3A_129 = tpu.memref_slice %arg14[%dma_start3A_127, %dma_start3A_128] : memref<10112x64xf32, #tpu.memory_space<vmem_shared>> -> memref<10112x64xf32, #tpu.memory_space<vmem_shared>>
        tpu.enqueue_indirect_dma source(%arg12 : memref<80x64xf32, #tpu.memory_space<vmem>>) target(%dma_start3A_129 : memref<10112x64xf32, #tpu.memory_space<vmem_shared>>) offsets(%dma_start3A_126 : memref<80xi32, #tpu.memory_space<vmem>>) semaphore(%run_scoped3A : memref<!tpu.dma_semaphore, #tpu.memory_space<semaphore_mem>>) {add = true}
        %dma_wait3A_130 = arith.constant 0 : i32
        %dma_wait3A_131 = tpu.memref_slice %arg8[%add3A_95, %dma_wait3A_130] : memref<125x80xi32, #tpu.memory_space<vmem>> -> memref<1x80xi32, #tpu.memory_space<vmem>>
        %dma_wait3A_132 = tpu.memref_squeeze %dma_wait3A_131 : memref<1x80xi32, #tpu.memory_space<vmem>> -> memref<80xi32, #tpu.memory_space<vmem>>
        %dma_wait3A_133 = arith.constant 0 : i32
        %dma_wait3A_134 = arith.constant 0 : i32
        %dma_wait3A_135 = tpu.memref_slice %arg14[%dma_wait3A_133, %dma_wait3A_134] : memref<10112x64xf32, #tpu.memory_space<vmem_shared>> -> memref<10112x64xf32, #tpu.memory_space<vmem_shared>>
        tpu.wait_indirect_dma semaphore(%run_scoped3A : memref<!tpu.dma_semaphore, #tpu.memory_space<semaphore_mem>>) src(%arg12 : memref<80x64xf32, #tpu.memory_space<vmem>>) dst(%dma_wait3A_135 : memref<10112x64xf32, #tpu.memory_space<vmem_shared>>)
        tpu.yield
      }) : () -> ()
      %add3A_102 = arith.constant 5 : i32
      %add3A_103 = arith.addi %add3A_95, %add3A_102 : i32
      %lt3A_104 = arith.constant 125 : i32
      %lt3A_105 = arith.cmpi slt, %add3A_103, %lt3A_104 : i32
      %convert_element_type3A_106 = arith.extui %lt3A_105 : i1 to i32
      %cond3A_107 = arith.constant 0 : i32
      %cond3A_108 = arith.cmpi ne, %convert_element_type3A_106, %cond3A_107 : i32
      scf.if %cond3A_108 {
        %add3A_124 = arith.constant 5 : i32
        %add3A_125 = arith.addi %add3A_95, %add3A_124 : i32
        %dma_start3A_126 = arith.constant 0 : i32
        %dma_start3A_127 = tpu.memref_slice %arg7[%add3A_125, %dma_start3A_126] : memref<125x80xi32, #tpu.memory_space<vmem>> -> memref<1x80xi32, #tpu.memory_space<vmem>>
        %dma_start3A_128 = tpu.memref_squeeze %dma_start3A_127 : memref<1x80xi32, #tpu.memory_space<vmem>> -> memref<80xi32, #tpu.memory_space<vmem>>
        %dma_start3A_129 = arith.constant 0 : i32
        %dma_start3A_130 = arith.constant 0 : i32
        %dma_start3A_131 = tpu.memref_slice %arg2[%dma_start3A_129, %dma_start3A_130] : memref<10112x64xf32, #tpu.memory_space<hbm>> -> memref<10112x64xf32, #tpu.memory_space<hbm>>
        tpu.enqueue_indirect_dma source(%dma_start3A_131 : memref<10112x64xf32, #tpu.memory_space<hbm>>) target(%arg12 : memref<80x64xf32, #tpu.memory_space<vmem>>) offsets(%dma_start3A_128 : memref<80xi32, #tpu.memory_space<vmem>>) semaphore(%arg18 : memref<!tpu.dma_semaphore, #tpu.memory_space<semaphore_mem>>)
      } else {
      }
      %add3A_109 = arith.constant 4 : i32
      %add3A_110 = arith.addi %mul3A_52, %add3A_109 : i32
      %dma_wait3A_111 = arith.constant 0 : i32
      %dma_wait3A_112 = tpu.memref_slice %arg7[%add3A_110, %dma_wait3A_111] : memref<125x80xi32, #tpu.memory_space<vmem>> -> memref<1x80xi32, #tpu.memory_space<vmem>>
      %dma_wait3A_113 = tpu.memref_squeeze %dma_wait3A_112 : memref<1x80xi32, #tpu.memory_space<vmem>> -> memref<80xi32, #tpu.memory_space<vmem>>
      %dma_wait3A_114 = arith.constant 0 : i32
      %dma_wait3A_115 = arith.constant 0 : i32
      %dma_wait3A_116 = tpu.memref_slice %arg2[%dma_wait3A_114, %dma_wait3A_115] : memref<10112x64xf32, #tpu.memory_space<hbm>> -> memref<10112x64xf32, #tpu.memory_space<hbm>>
      tpu.wait_indirect_dma semaphore(%arg19 : memref<!tpu.dma_semaphore, #tpu.memory_space<semaphore_mem>>) src(%dma_wait3A_116 : memref<10112x64xf32, #tpu.memory_space<hbm>>) dst(%arg13 : memref<80x64xf32, #tpu.memory_space<vmem>>)
      "tpu.region"() ({
        %run_scoped3A = tpu.sem_alloc : memref<!tpu.dma_semaphore, #tpu.memory_space<semaphore_mem>>
        %dma_start3A_124 = arith.constant 0 : i32
        %dma_start3A_125 = tpu.memref_slice %arg8[%add3A_110, %dma_start3A_124] : memref<125x80xi32, #tpu.memory_space<vmem>> -> memref<1x80xi32, #tpu.memory_space<vmem>>
        %dma_start3A_126 = tpu.memref_squeeze %dma_start3A_125 : memref<1x80xi32, #tpu.memory_space<vmem>> -> memref<80xi32, #tpu.memory_space<vmem>>
        %dma_start3A_127 = arith.constant 0 : i32
        %dma_start3A_128 = arith.constant 0 : i32
        %dma_start3A_129 = tpu.memref_slice %arg14[%dma_start3A_127, %dma_start3A_128] : memref<10112x64xf32, #tpu.memory_space<vmem_shared>> -> memref<10112x64xf32, #tpu.memory_space<vmem_shared>>
        tpu.enqueue_indirect_dma source(%arg13 : memref<80x64xf32, #tpu.memory_space<vmem>>) target(%dma_start3A_129 : memref<10112x64xf32, #tpu.memory_space<vmem_shared>>) offsets(%dma_start3A_126 : memref<80xi32, #tpu.memory_space<vmem>>) semaphore(%run_scoped3A : memref<!tpu.dma_semaphore, #tpu.memory_space<semaphore_mem>>) {add = true}
        %dma_wait3A_130 = arith.constant 0 : i32
        %dma_wait3A_131 = tpu.memref_slice %arg8[%add3A_110, %dma_wait3A_130] : memref<125x80xi32, #tpu.memory_space<vmem>> -> memref<1x80xi32, #tpu.memory_space<vmem>>
        %dma_wait3A_132 = tpu.memref_squeeze %dma_wait3A_131 : memref<1x80xi32, #tpu.memory_space<vmem>> -> memref<80xi32, #tpu.memory_space<vmem>>
        %dma_wait3A_133 = arith.constant 0 : i32
        %dma_wait3A_134 = arith.constant 0 : i32
        %dma_wait3A_135 = tpu.memref_slice %arg14[%dma_wait3A_133, %dma_wait3A_134] : memref<10112x64xf32, #tpu.memory_space<vmem_shared>> -> memref<10112x64xf32, #tpu.memory_space<vmem_shared>>
        tpu.wait_indirect_dma semaphore(%run_scoped3A : memref<!tpu.dma_semaphore, #tpu.memory_space<semaphore_mem>>) src(%arg13 : memref<80x64xf32, #tpu.memory_space<vmem>>) dst(%dma_wait3A_135 : memref<10112x64xf32, #tpu.memory_space<vmem_shared>>)
        tpu.yield
      }) : () -> ()
      %add3A_117 = arith.constant 5 : i32
      %add3A_118 = arith.addi %add3A_110, %add3A_117 : i32
      %lt3A_119 = arith.constant 125 : i32
      %lt3A_120 = arith.cmpi slt, %add3A_118, %lt3A_119 : i32
      %convert_element_type3A_121 = arith.extui %lt3A_120 : i1 to i32
      %cond3A_122 = arith.constant 0 : i32
      %cond3A_123 = arith.cmpi ne, %convert_element_type3A_121, %cond3A_122 : i32
      scf.if %cond3A_123 {
        %add3A_124 = arith.constant 5 : i32
        %add3A_125 = arith.addi %add3A_110, %add3A_124 : i32
        %dma_start3A_126 = arith.constant 0 : i32
        %dma_start3A_127 = tpu.memref_slice %arg7[%add3A_125, %dma_start3A_126] : memref<125x80xi32, #tpu.memory_space<vmem>> -> memref<1x80xi32, #tpu.memory_space<vmem>>
        %dma_start3A_128 = tpu.memref_squeeze %dma_start3A_127 : memref<1x80xi32, #tpu.memory_space<vmem>> -> memref<80xi32, #tpu.memory_space<vmem>>
        %dma_start3A_129 = arith.constant 0 : i32
        %dma_start3A_130 = arith.constant 0 : i32
        %dma_start3A_131 = tpu.memref_slice %arg2[%dma_start3A_129, %dma_start3A_130] : memref<10112x64xf32, #tpu.memory_space<hbm>> -> memref<10112x64xf32, #tpu.memory_space<hbm>>
        tpu.enqueue_indirect_dma source(%dma_start3A_131 : memref<10112x64xf32, #tpu.memory_space<hbm>>) target(%arg13 : memref<80x64xf32, #tpu.memory_space<vmem>>) offsets(%dma_start3A_128 : memref<80xi32, #tpu.memory_space<vmem>>) semaphore(%arg19 : memref<!tpu.dma_semaphore, #tpu.memory_space<semaphore_mem>>)
      } else {
      }
    }
    %scan3A_40 = arith.constant 25 : i32
    %barrier3A_41 = arith.constant 0 : index
    tpu.barrier barrier_id(%barrier3A_41)
    %mul3A_42 = arith.constant 632 : i32
    %mul3A_43 = arith.muli %arg1, %mul3A_42 : i32
    %mul3A_44 = arith.constant 632 : i32
    %mul3A_45 = arith.muli %arg1, %mul3A_44 : i32
    "tpu.region"() ({
      %run_scoped3A = tpu.sem_alloc : memref<!tpu.dma_semaphore, #tpu.memory_space<semaphore_mem>>
      %dma_start3A_46 = arith.constant 0 : i32
      %dma_start3A_47 = tpu.memref_slice %arg6[%arg0, %mul3A_45, %dma_start3A_46] : memref<2x10112x64xf32, #tpu.memory_space<hbm>> -> memref<1x632x64xf32, #tpu.memory_space<hbm>>
      %dma_start3A_48 = tpu.memref_squeeze %dma_start3A_47 : memref<1x632x64xf32, #tpu.memory_space<hbm>> -> memref<632x64xf32, #tpu.memory_space<hbm>>
      %dma_start3A_49 = arith.constant 0 : i32
      %dma_start3A_50 = tpu.memref_slice %arg14[%mul3A_43, %dma_start3A_49] : memref<10112x64xf32, #tpu.memory_space<vmem_shared>> -> memref<632x64xf32, #tpu.memory_space<vmem_shared>>
      tpu.enqueue_dma source(%dma_start3A_50 : memref<632x64xf32, #tpu.memory_space<vmem_shared>>) target(%dma_start3A_48 : memref<632x64xf32, #tpu.memory_space<hbm>>) target_semaphore(%run_scoped3A : memref<!tpu.dma_semaphore, #tpu.memory_space<semaphore_mem>>)
      %dma_wait3A = arith.constant 0 : i32
      %dma_wait3A_51 = tpu.memref_slice %arg6[%arg0, %mul3A_45, %dma_wait3A] : memref<2x10112x64xf32, #tpu.memory_space<hbm>> -> memref<1x632x64xf32, #tpu.memory_space<hbm>>
      %dma_wait3A_52 = tpu.memref_squeeze %dma_wait3A_51 : memref<1x632x64xf32, #tpu.memory_space<hbm>> -> memref<632x64xf32, #tpu.memory_space<hbm>>
      %dma_wait3A_53 = arith.constant 0 : i32
      %dma_wait3A_54 = tpu.memref_slice %arg14[%mul3A_43, %dma_wait3A_53] : memref<10112x64xf32, #tpu.memory_space<vmem_shared>> -> memref<632x64xf32, #tpu.memory_space<vmem_shared>>
      tpu.wait_dma2 semaphore(%run_scoped3A : memref<!tpu.dma_semaphore, #tpu.memory_space<semaphore_mem>>) src(%dma_wait3A_54 : memref<632x64xf32, #tpu.memory_space<vmem_shared>>) dst(%dma_wait3A_52 : memref<632x64xf32, #tpu.memory_space<hbm>>)
      tpu.yield
    }) : () -> ()
    return
  }
}

#map = affine_map<(d0, d1) -> (0, 0)>
#map1 = affine_map<(d0, d1) -> (0, 0, 0)>
module attributes {stable_mosaic.version = 14 : i64} {
  func.func @_agg_body(%arg0: i32, %arg1: i32, %arg2: memref<10112x64xf32, #tpu.memory_space<hbm>>, %arg3: memref<32x125x80xi32, #tpu.memory_space<hbm>>, %arg4: memref<32x125x80xi32, #tpu.memory_space<hbm>>, %arg5: memref<632x64xf32, #tpu.memory_space<hbm>>, %arg6: memref<2x10112x64xf32, #tpu.memory_space<hbm>>, %arg7: memref<125x80xi32, #tpu.memory_space<vmem>>, %arg8: memref<125x80xi32, #tpu.memory_space<vmem>>, %arg9: memref<80x64xf32, #tpu.memory_space<vmem>>, %arg10: memref<80x64xf32, #tpu.memory_space<vmem>>, %arg11: memref<80x64xf32, #tpu.memory_space<vmem>>, %arg12: memref<80x64xf32, #tpu.memory_space<vmem>>, %arg13: memref<80x64xf32, #tpu.memory_space<vmem>>, %arg14: memref<10112x64xf32, #tpu.memory_space<vmem_shared>>, %arg15: memref<!tpu.dma_semaphore, #tpu.memory_space<semaphore_mem>>, %arg16: memref<!tpu.dma_semaphore, #tpu.memory_space<semaphore_mem>>, %arg17: memref<!tpu.dma_semaphore, #tpu.memory_space<semaphore_mem>>, %arg18: memref<!tpu.dma_semaphore, #tpu.memory_space<semaphore_mem>>, %arg19: memref<!tpu.dma_semaphore, #tpu.memory_space<semaphore_mem>>) attributes {dimension_semantics = [#tpu.dimension_semantics<core_parallel>, #tpu.dimension_semantics<subcore_parallel>], iteration_bounds = array<i64: 2, 16>, scalar_prefetch = 0 : i64, scratch_operands = 13 : i64, tpu.core_type = #tpu.core_type<sc_vector_subcore>, window_params = [{transform_indices = #map}, {transform_indices = #map1}, {transform_indices = #map1}, {transform_indices = #map}, {transform_indices = #map1}]} {
    %mul3A = arith.constant 16 : i32
    %mul3A_0 = arith.muli %arg0, %mul3A : i32
    %add3A = arith.addi %mul3A_0, %arg1 : i32
    %mul3A_1 = arith.constant 632 : i32
    %mul3A_2 = arith.muli %arg1, %mul3A_1 : i32
    "tpu.region"() ({
      %run_scoped3A = tpu.sem_alloc : memref<!tpu.dma_semaphore, #tpu.memory_space<semaphore_mem>>
      %dma_start3A_46 = arith.constant 0 : i32
      %dma_start3A_47 = tpu.memref_slice %arg14[%mul3A_2, %dma_start3A_46] : memref<10112x64xf32, #tpu.memory_space<vmem_shared>> -> memref<632x64xf32, #tpu.memory_space<vmem_shared>>
      tpu.enqueue_dma source(%arg5 : memref<632x64xf32, #tpu.memory_space<hbm>>) target(%dma_start3A_47 : memref<632x64xf32, #tpu.memory_space<vmem_shared>>) target_semaphore(%run_scoped3A : memref<!tpu.dma_semaphore, #tpu.memory_space<semaphore_mem>>)
      %dma_wait3A = arith.constant 0 : i32
      %dma_wait3A_48 = tpu.memref_slice %arg14[%mul3A_2, %dma_wait3A] : memref<10112x64xf32, #tpu.memory_space<vmem_shared>> -> memref<632x64xf32, #tpu.memory_space<vmem_shared>>
      tpu.wait_dma2 semaphore(%run_scoped3A : memref<!tpu.dma_semaphore, #tpu.memory_space<semaphore_mem>>) src(%arg5 : memref<632x64xf32, #tpu.memory_space<hbm>>) dst(%dma_wait3A_48 : memref<632x64xf32, #tpu.memory_space<vmem_shared>>)
      tpu.yield
    }) : () -> ()
    "tpu.region"() ({
      %run_scoped3A = tpu.sem_alloc : memref<!tpu.dma_semaphore, #tpu.memory_space<semaphore_mem>>
      %dma_start3A_46 = arith.constant 0 : i32
      %dma_start3A_47 = arith.constant 0 : i32
      %dma_start3A_48 = tpu.memref_slice %arg3[%add3A, %dma_start3A_46, %dma_start3A_47] : memref<32x125x80xi32, #tpu.memory_space<hbm>> -> memref<1x125x80xi32, #tpu.memory_space<hbm>>
      %dma_start3A_49 = tpu.memref_squeeze %dma_start3A_48 : memref<1x125x80xi32, #tpu.memory_space<hbm>> -> memref<125x80xi32, #tpu.memory_space<hbm>>
      %dma_start3A_50 = arith.constant 0 : i32
      %dma_start3A_51 = arith.constant 0 : i32
      %dma_start3A_52 = tpu.memref_slice %arg3[%add3A, %dma_start3A_50, %dma_start3A_51] : memref<32x125x80xi32, #tpu.memory_space<hbm>> -> memref<1x125x80xi32, #tpu.memory_space<hbm>>
      %dma_start3A_53 = tpu.memref_squeeze %dma_start3A_52 : memref<1x125x80xi32, #tpu.memory_space<hbm>> -> memref<125x80xi32, #tpu.memory_space<hbm>>
      tpu.enqueue_dma source(%dma_start3A_53 : memref<125x80xi32, #tpu.memory_space<hbm>>) target(%arg7 : memref<125x80xi32, #tpu.memory_space<vmem>>) target_semaphore(%run_scoped3A : memref<!tpu.dma_semaphore, #tpu.memory_space<semaphore_mem>>)
      %dma_wait3A = arith.constant 0 : i32
      %dma_wait3A_54 = arith.constant 0 : i32
      %dma_wait3A_55 = tpu.memref_slice %arg3[%add3A, %dma_wait3A, %dma_wait3A_54] : memref<32x125x80xi32, #tpu.memory_space<hbm>> -> memref<1x125x80xi32, #tpu.memory_space<hbm>>
      %dma_wait3A_56 = tpu.memref_squeeze %dma_wait3A_55 : memref<1x125x80xi32, #tpu.memory_space<hbm>> -> memref<125x80xi32, #tpu.memory_space<hbm>>
      %dma_wait3A_57 = arith.constant 0 : i32
      %dma_wait3A_58 = arith.constant 0 : i32
      %dma_wait3A_59 = tpu.memref_slice %arg3[%add3A, %dma_wait3A_57, %dma_wait3A_58] : memref<32x125x80xi32, #tpu.memory_space<hbm>> -> memref<1x125x80xi32, #tpu.memory_space<hbm>>
      %dma_wait3A_60 = tpu.memref_squeeze %dma_wait3A_59 : memref<1x125x80xi32, #tpu.memory_space<hbm>> -> memref<125x80xi32, #tpu.memory_space<hbm>>
      tpu.wait_dma2 semaphore(%run_scoped3A : memref<!tpu.dma_semaphore, #tpu.memory_space<semaphore_mem>>) src(%dma_wait3A_60 : memref<125x80xi32, #tpu.memory_space<hbm>>) dst(%arg7 : memref<125x80xi32, #tpu.memory_space<vmem>>)
      tpu.yield
    }) : () -> ()
    "tpu.region"() ({
      %run_scoped3A = tpu.sem_alloc : memref<!tpu.dma_semaphore, #tpu.memory_space<semaphore_mem>>
      %dma_start3A_46 = arith.constant 0 : i32
      %dma_start3A_47 = arith.constant 0 : i32
      %dma_start3A_48 = tpu.memref_slice %arg4[%add3A, %dma_start3A_46, %dma_start3A_47] : memref<32x125x80xi32, #tpu.memory_space<hbm>> -> memref<1x125x80xi32, #tpu.memory_space<hbm>>
      %dma_start3A_49 = tpu.memref_squeeze %dma_start3A_48 : memref<1x125x80xi32, #tpu.memory_space<hbm>> -> memref<125x80xi32, #tpu.memory_space<hbm>>
      %dma_start3A_50 = arith.constant 0 : i32
      %dma_start3A_51 = arith.constant 0 : i32
      %dma_start3A_52 = tpu.memref_slice %arg4[%add3A, %dma_start3A_50, %dma_start3A_51] : memref<32x125x80xi32, #tpu.memory_space<hbm>> -> memref<1x125x80xi32, #tpu.memory_space<hbm>>
      %dma_start3A_53 = tpu.memref_squeeze %dma_start3A_52 : memref<1x125x80xi32, #tpu.memory_space<hbm>> -> memref<125x80xi32, #tpu.memory_space<hbm>>
      tpu.enqueue_dma source(%dma_start3A_53 : memref<125x80xi32, #tpu.memory_space<hbm>>) target(%arg8 : memref<125x80xi32, #tpu.memory_space<vmem>>) target_semaphore(%run_scoped3A : memref<!tpu.dma_semaphore, #tpu.memory_space<semaphore_mem>>)
      %dma_wait3A = arith.constant 0 : i32
      %dma_wait3A_54 = arith.constant 0 : i32
      %dma_wait3A_55 = tpu.memref_slice %arg4[%add3A, %dma_wait3A, %dma_wait3A_54] : memref<32x125x80xi32, #tpu.memory_space<hbm>> -> memref<1x125x80xi32, #tpu.memory_space<hbm>>
      %dma_wait3A_56 = tpu.memref_squeeze %dma_wait3A_55 : memref<1x125x80xi32, #tpu.memory_space<hbm>> -> memref<125x80xi32, #tpu.memory_space<hbm>>
      %dma_wait3A_57 = arith.constant 0 : i32
      %dma_wait3A_58 = arith.constant 0 : i32
      %dma_wait3A_59 = tpu.memref_slice %arg4[%add3A, %dma_wait3A_57, %dma_wait3A_58] : memref<32x125x80xi32, #tpu.memory_space<hbm>> -> memref<1x125x80xi32, #tpu.memory_space<hbm>>
      %dma_wait3A_60 = tpu.memref_squeeze %dma_wait3A_59 : memref<1x125x80xi32, #tpu.memory_space<hbm>> -> memref<125x80xi32, #tpu.memory_space<hbm>>
      tpu.wait_dma2 semaphore(%run_scoped3A : memref<!tpu.dma_semaphore, #tpu.memory_space<semaphore_mem>>) src(%dma_wait3A_60 : memref<125x80xi32, #tpu.memory_space<hbm>>) dst(%arg8 : memref<125x80xi32, #tpu.memory_space<vmem>>)
      tpu.yield
    }) : () -> ()
    %barrier3A = arith.constant 0 : index
    tpu.barrier barrier_id(%barrier3A)
    %dma_start3A = arith.constant 0 : i32
    %dma_start3A_3 = arith.constant 0 : i32
    %dma_start3A_4 = tpu.memref_slice %arg7[%dma_start3A, %dma_start3A_3] : memref<125x80xi32, #tpu.memory_space<vmem>> -> memref<1x80xi32, #tpu.memory_space<vmem>>
    %dma_start3A_5 = tpu.memref_squeeze %dma_start3A_4 : memref<1x80xi32, #tpu.memory_space<vmem>> -> memref<80xi32, #tpu.memory_space<vmem>>
    %dma_start3A_6 = arith.constant 0 : i32
    %dma_start3A_7 = arith.constant 0 : i32
    %dma_start3A_8 = tpu.memref_slice %arg2[%dma_start3A_6, %dma_start3A_7] : memref<10112x64xf32, #tpu.memory_space<hbm>> -> memref<10112x64xf32, #tpu.memory_space<hbm>>
    tpu.enqueue_indirect_dma source(%dma_start3A_8 : memref<10112x64xf32, #tpu.memory_space<hbm>>) target(%arg9 : memref<80x64xf32, #tpu.memory_space<vmem>>) offsets(%dma_start3A_5 : memref<80xi32, #tpu.memory_space<vmem>>) semaphore(%arg15 : memref<!tpu.dma_semaphore, #tpu.memory_space<semaphore_mem>>)
    %dma_start3A_9 = arith.constant 1 : i32
    %dma_start3A_10 = arith.constant 0 : i32
    %dma_start3A_11 = tpu.memref_slice %arg7[%dma_start3A_9, %dma_start3A_10] : memref<125x80xi32, #tpu.memory_space<vmem>> -> memref<1x80xi32, #tpu.memory_space<vmem>>
    %dma_start3A_12 = tpu.memref_squeeze %dma_start3A_11 : memref<1x80xi32, #tpu.memory_space<vmem>> -> memref<80xi32, #tpu.memory_space<vmem>>
    %dma_start3A_13 = arith.constant 0 : i32
    %dma_start3A_14 = arith.constant 0 : i32
    %dma_start3A_15 = tpu.memref_slice %arg2[%dma_start3A_13, %dma_start3A_14] : memref<10112x64xf32, #tpu.memory_space<hbm>> -> memref<10112x64xf32, #tpu.memory_space<hbm>>
    tpu.enqueue_indirect_dma source(%dma_start3A_15 : memref<10112x64xf32, #tpu.memory_space<hbm>>) target(%arg10 : memref<80x64xf32, #tpu.memory_space<vmem>>) offsets(%dma_start3A_12 : memref<80xi32, #tpu.memory_space<vmem>>) semaphore(%arg16 : memref<!tpu.dma_semaphore, #tpu.memory_space<semaphore_mem>>)
    %dma_start3A_16 = arith.constant 2 : i32
    %dma_start3A_17 = arith.constant 0 : i32
    %dma_start3A_18 = tpu.memref_slice %arg7[%dma_start3A_16, %dma_start3A_17] : memref<125x80xi32, #tpu.memory_space<vmem>> -> memref<1x80xi32, #tpu.memory_space<vmem>>
    %dma_start3A_19 = tpu.memref_squeeze %dma_start3A_18 : memref<1x80xi32, #tpu.memory_space<vmem>> -> memref<80xi32, #tpu.memory_space<vmem>>
    %dma_start3A_20 = arith.constant 0 : i32
    %dma_start3A_21 = arith.constant 0 : i32
    %dma_start3A_22 = tpu.memref_slice %arg2[%dma_start3A_20, %dma_start3A_21] : memref<10112x64xf32, #tpu.memory_space<hbm>> -> memref<10112x64xf32, #tpu.memory_space<hbm>>
    tpu.enqueue_indirect_dma source(%dma_start3A_22 : memref<10112x64xf32, #tpu.memory_space<hbm>>) target(%arg11 : memref<80x64xf32, #tpu.memory_space<vmem>>) offsets(%dma_start3A_19 : memref<80xi32, #tpu.memory_space<vmem>>) semaphore(%arg17 : memref<!tpu.dma_semaphore, #tpu.memory_space<semaphore_mem>>)
    %dma_start3A_23 = arith.constant 3 : i32
    %dma_start3A_24 = arith.constant 0 : i32
    %dma_start3A_25 = tpu.memref_slice %arg7[%dma_start3A_23, %dma_start3A_24] : memref<125x80xi32, #tpu.memory_space<vmem>> -> memref<1x80xi32, #tpu.memory_space<vmem>>
    %dma_start3A_26 = tpu.memref_squeeze %dma_start3A_25 : memref<1x80xi32, #tpu.memory_space<vmem>> -> memref<80xi32, #tpu.memory_space<vmem>>
    %dma_start3A_27 = arith.constant 0 : i32
    %dma_start3A_28 = arith.constant 0 : i32
    %dma_start3A_29 = tpu.memref_slice %arg2[%dma_start3A_27, %dma_start3A_28] : memref<10112x64xf32, #tpu.memory_space<hbm>> -> memref<10112x64xf32, #tpu.memory_space<hbm>>
    tpu.enqueue_indirect_dma source(%dma_start3A_29 : memref<10112x64xf32, #tpu.memory_space<hbm>>) target(%arg12 : memref<80x64xf32, #tpu.memory_space<vmem>>) offsets(%dma_start3A_26 : memref<80xi32, #tpu.memory_space<vmem>>) semaphore(%arg18 : memref<!tpu.dma_semaphore, #tpu.memory_space<semaphore_mem>>)
    %dma_start3A_30 = arith.constant 4 : i32
    %dma_start3A_31 = arith.constant 0 : i32
    %dma_start3A_32 = tpu.memref_slice %arg7[%dma_start3A_30, %dma_start3A_31] : memref<125x80xi32, #tpu.memory_space<vmem>> -> memref<1x80xi32, #tpu.memory_space<vmem>>
    %dma_start3A_33 = tpu.memref_squeeze %dma_start3A_32 : memref<1x80xi32, #tpu.memory_space<vmem>> -> memref<80xi32, #tpu.memory_space<vmem>>
    %dma_start3A_34 = arith.constant 0 : i32
    %dma_start3A_35 = arith.constant 0 : i32
    %dma_start3A_36 = tpu.memref_slice %arg2[%dma_start3A_34, %dma_start3A_35] : memref<10112x64xf32, #tpu.memory_space<hbm>> -> memref<10112x64xf32, #tpu.memory_space<hbm>>
    tpu.enqueue_indirect_dma source(%dma_start3A_36 : memref<10112x64xf32, #tpu.memory_space<hbm>>) target(%arg13 : memref<80x64xf32, #tpu.memory_space<vmem>>) offsets(%dma_start3A_33 : memref<80xi32, #tpu.memory_space<vmem>>) semaphore(%arg19 : memref<!tpu.dma_semaphore, #tpu.memory_space<semaphore_mem>>)
    %scan3A = arith.constant 0 : i32
    %scan3A_37 = arith.constant 25 : i32
    %scan3A_38 = arith.addi %scan3A, %scan3A_37 : i32
    %scan3A_39 = arith.constant 1 : i32
    scf.for %scan3A_46 = %scan3A to %scan3A_38 step %scan3A_39  : i32 {
      %mul3A_47 = arith.constant 1 : i32
      %mul3A_48 = arith.muli %scan3A_46, %mul3A_47 : i32
      %add3A_49 = arith.constant 0 : i32
      %add3A_50 = arith.addi %add3A_49, %mul3A_48 : i32
      %mul3A_51 = arith.constant 5 : i32
      %mul3A_52 = arith.muli %add3A_50, %mul3A_51 : i32
      %add3A_53 = arith.constant 0 : i32
      %add3A_54 = arith.addi %mul3A_52, %add3A_53 : i32
      %dma_wait3A = arith.constant 0 : i32
      %dma_wait3A_55 = tpu.memref_slice %arg7[%add3A_54, %dma_wait3A] : memref<125x80xi32, #tpu.memory_space<vmem>> -> memref<1x80xi32, #tpu.memory_space<vmem>>
      %dma_wait3A_56 = tpu.memref_squeeze %dma_wait3A_55 : memref<1x80xi32, #tpu.memory_space<vmem>> -> memref<80xi32, #tpu.memory_space<vmem>>
      %dma_wait3A_57 = arith.constant 0 : i32
      %dma_wait3A_58 = arith.constant 0 : i32
      %dma_wait3A_59 = tpu.memref_slice %arg2[%dma_wait3A_57, %dma_wait3A_58] : memref<10112x64xf32, #tpu.memory_space<hbm>> -> memref<10112x64xf32, #tpu.memory_space<hbm>>
      tpu.wait_indirect_dma semaphore(%arg15 : memref<!tpu.dma_semaphore, #tpu.memory_space<semaphore_mem>>) src(%dma_wait3A_59 : memref<10112x64xf32, #tpu.memory_space<hbm>>) dst(%arg9 : memref<80x64xf32, #tpu.memory_space<vmem>>)
      "tpu.region"() ({
        %run_scoped3A = tpu.sem_alloc : memref<!tpu.dma_semaphore, #tpu.memory_space<semaphore_mem>>
        %dma_start3A_124 = arith.constant 0 : i32
        %dma_start3A_125 = tpu.memref_slice %arg8[%add3A_54, %dma_start3A_124] : memref<125x80xi32, #tpu.memory_space<vmem>> -> memref<1x80xi32, #tpu.memory_space<vmem>>
        %dma_start3A_126 = tpu.memref_squeeze %dma_start3A_125 : memref<1x80xi32, #tpu.memory_space<vmem>> -> memref<80xi32, #tpu.memory_space<vmem>>
        %dma_start3A_127 = arith.constant 0 : i32
        %dma_start3A_128 = arith.constant 0 : i32
        %dma_start3A_129 = tpu.memref_slice %arg14[%dma_start3A_127, %dma_start3A_128] : memref<10112x64xf32, #tpu.memory_space<vmem_shared>> -> memref<10112x64xf32, #tpu.memory_space<vmem_shared>>
        tpu.enqueue_indirect_dma source(%arg9 : memref<80x64xf32, #tpu.memory_space<vmem>>) target(%dma_start3A_129 : memref<10112x64xf32, #tpu.memory_space<vmem_shared>>) offsets(%dma_start3A_126 : memref<80xi32, #tpu.memory_space<vmem>>) semaphore(%run_scoped3A : memref<!tpu.dma_semaphore, #tpu.memory_space<semaphore_mem>>) {add = true}
        %dma_wait3A_130 = arith.constant 0 : i32
        %dma_wait3A_131 = tpu.memref_slice %arg8[%add3A_54, %dma_wait3A_130] : memref<125x80xi32, #tpu.memory_space<vmem>> -> memref<1x80xi32, #tpu.memory_space<vmem>>
        %dma_wait3A_132 = tpu.memref_squeeze %dma_wait3A_131 : memref<1x80xi32, #tpu.memory_space<vmem>> -> memref<80xi32, #tpu.memory_space<vmem>>
        %dma_wait3A_133 = arith.constant 0 : i32
        %dma_wait3A_134 = arith.constant 0 : i32
        %dma_wait3A_135 = tpu.memref_slice %arg14[%dma_wait3A_133, %dma_wait3A_134] : memref<10112x64xf32, #tpu.memory_space<vmem_shared>> -> memref<10112x64xf32, #tpu.memory_space<vmem_shared>>
        tpu.wait_indirect_dma semaphore(%run_scoped3A : memref<!tpu.dma_semaphore, #tpu.memory_space<semaphore_mem>>) src(%arg9 : memref<80x64xf32, #tpu.memory_space<vmem>>) dst(%dma_wait3A_135 : memref<10112x64xf32, #tpu.memory_space<vmem_shared>>)
        tpu.yield
      }) : () -> ()
      %add3A_60 = arith.constant 5 : i32
      %add3A_61 = arith.addi %add3A_54, %add3A_60 : i32
      %lt3A = arith.constant 125 : i32
      %lt3A_62 = arith.cmpi slt, %add3A_61, %lt3A : i32
      %convert_element_type3A = arith.extui %lt3A_62 : i1 to i32
      %cond3A = arith.constant 0 : i32
      %cond3A_63 = arith.cmpi ne, %convert_element_type3A, %cond3A : i32
      scf.if %cond3A_63 {
        %add3A_124 = arith.constant 5 : i32
        %add3A_125 = arith.addi %add3A_54, %add3A_124 : i32
        %dma_start3A_126 = arith.constant 0 : i32
        %dma_start3A_127 = tpu.memref_slice %arg7[%add3A_125, %dma_start3A_126] : memref<125x80xi32, #tpu.memory_space<vmem>> -> memref<1x80xi32, #tpu.memory_space<vmem>>
        %dma_start3A_128 = tpu.memref_squeeze %dma_start3A_127 : memref<1x80xi32, #tpu.memory_space<vmem>> -> memref<80xi32, #tpu.memory_space<vmem>>
        %dma_start3A_129 = arith.constant 0 : i32
        %dma_start3A_130 = arith.constant 0 : i32
        %dma_start3A_131 = tpu.memref_slice %arg2[%dma_start3A_129, %dma_start3A_130] : memref<10112x64xf32, #tpu.memory_space<hbm>> -> memref<10112x64xf32, #tpu.memory_space<hbm>>
        tpu.enqueue_indirect_dma source(%dma_start3A_131 : memref<10112x64xf32, #tpu.memory_space<hbm>>) target(%arg9 : memref<80x64xf32, #tpu.memory_space<vmem>>) offsets(%dma_start3A_128 : memref<80xi32, #tpu.memory_space<vmem>>) semaphore(%arg15 : memref<!tpu.dma_semaphore, #tpu.memory_space<semaphore_mem>>)
      } else {
      }
      %add3A_64 = arith.constant 1 : i32
      %add3A_65 = arith.addi %mul3A_52, %add3A_64 : i32
      %dma_wait3A_66 = arith.constant 0 : i32
      %dma_wait3A_67 = tpu.memref_slice %arg7[%add3A_65, %dma_wait3A_66] : memref<125x80xi32, #tpu.memory_space<vmem>> -> memref<1x80xi32, #tpu.memory_space<vmem>>
      %dma_wait3A_68 = tpu.memref_squeeze %dma_wait3A_67 : memref<1x80xi32, #tpu.memory_space<vmem>> -> memref<80xi32, #tpu.memory_space<vmem>>
      %dma_wait3A_69 = arith.constant 0 : i32
      %dma_wait3A_70 = arith.constant 0 : i32
      %dma_wait3A_71 = tpu.memref_slice %arg2[%dma_wait3A_69, %dma_wait3A_70] : memref<10112x64xf32, #tpu.memory_space<hbm>> -> memref<10112x64xf32, #tpu.memory_space<hbm>>
      tpu.wait_indirect_dma semaphore(%arg16 : memref<!tpu.dma_semaphore, #tpu.memory_space<semaphore_mem>>) src(%dma_wait3A_71 : memref<10112x64xf32, #tpu.memory_space<hbm>>) dst(%arg10 : memref<80x64xf32, #tpu.memory_space<vmem>>)
      "tpu.region"() ({
        %run_scoped3A = tpu.sem_alloc : memref<!tpu.dma_semaphore, #tpu.memory_space<semaphore_mem>>
        %dma_start3A_124 = arith.constant 0 : i32
        %dma_start3A_125 = tpu.memref_slice %arg8[%add3A_65, %dma_start3A_124] : memref<125x80xi32, #tpu.memory_space<vmem>> -> memref<1x80xi32, #tpu.memory_space<vmem>>
        %dma_start3A_126 = tpu.memref_squeeze %dma_start3A_125 : memref<1x80xi32, #tpu.memory_space<vmem>> -> memref<80xi32, #tpu.memory_space<vmem>>
        %dma_start3A_127 = arith.constant 0 : i32
        %dma_start3A_128 = arith.constant 0 : i32
        %dma_start3A_129 = tpu.memref_slice %arg14[%dma_start3A_127, %dma_start3A_128] : memref<10112x64xf32, #tpu.memory_space<vmem_shared>> -> memref<10112x64xf32, #tpu.memory_space<vmem_shared>>
        tpu.enqueue_indirect_dma source(%arg10 : memref<80x64xf32, #tpu.memory_space<vmem>>) target(%dma_start3A_129 : memref<10112x64xf32, #tpu.memory_space<vmem_shared>>) offsets(%dma_start3A_126 : memref<80xi32, #tpu.memory_space<vmem>>) semaphore(%run_scoped3A : memref<!tpu.dma_semaphore, #tpu.memory_space<semaphore_mem>>) {add = true}
        %dma_wait3A_130 = arith.constant 0 : i32
        %dma_wait3A_131 = tpu.memref_slice %arg8[%add3A_65, %dma_wait3A_130] : memref<125x80xi32, #tpu.memory_space<vmem>> -> memref<1x80xi32, #tpu.memory_space<vmem>>
        %dma_wait3A_132 = tpu.memref_squeeze %dma_wait3A_131 : memref<1x80xi32, #tpu.memory_space<vmem>> -> memref<80xi32, #tpu.memory_space<vmem>>
        %dma_wait3A_133 = arith.constant 0 : i32
        %dma_wait3A_134 = arith.constant 0 : i32
        %dma_wait3A_135 = tpu.memref_slice %arg14[%dma_wait3A_133, %dma_wait3A_134] : memref<10112x64xf32, #tpu.memory_space<vmem_shared>> -> memref<10112x64xf32, #tpu.memory_space<vmem_shared>>
        tpu.wait_indirect_dma semaphore(%run_scoped3A : memref<!tpu.dma_semaphore, #tpu.memory_space<semaphore_mem>>) src(%arg10 : memref<80x64xf32, #tpu.memory_space<vmem>>) dst(%dma_wait3A_135 : memref<10112x64xf32, #tpu.memory_space<vmem_shared>>)
        tpu.yield
      }) : () -> ()
      %add3A_72 = arith.constant 5 : i32
      %add3A_73 = arith.addi %add3A_65, %add3A_72 : i32
      %lt3A_74 = arith.constant 125 : i32
      %lt3A_75 = arith.cmpi slt, %add3A_73, %lt3A_74 : i32
      %convert_element_type3A_76 = arith.extui %lt3A_75 : i1 to i32
      %cond3A_77 = arith.constant 0 : i32
      %cond3A_78 = arith.cmpi ne, %convert_element_type3A_76, %cond3A_77 : i32
      scf.if %cond3A_78 {
        %add3A_124 = arith.constant 5 : i32
        %add3A_125 = arith.addi %add3A_65, %add3A_124 : i32
        %dma_start3A_126 = arith.constant 0 : i32
        %dma_start3A_127 = tpu.memref_slice %arg7[%add3A_125, %dma_start3A_126] : memref<125x80xi32, #tpu.memory_space<vmem>> -> memref<1x80xi32, #tpu.memory_space<vmem>>
        %dma_start3A_128 = tpu.memref_squeeze %dma_start3A_127 : memref<1x80xi32, #tpu.memory_space<vmem>> -> memref<80xi32, #tpu.memory_space<vmem>>
        %dma_start3A_129 = arith.constant 0 : i32
        %dma_start3A_130 = arith.constant 0 : i32
        %dma_start3A_131 = tpu.memref_slice %arg2[%dma_start3A_129, %dma_start3A_130] : memref<10112x64xf32, #tpu.memory_space<hbm>> -> memref<10112x64xf32, #tpu.memory_space<hbm>>
        tpu.enqueue_indirect_dma source(%dma_start3A_131 : memref<10112x64xf32, #tpu.memory_space<hbm>>) target(%arg10 : memref<80x64xf32, #tpu.memory_space<vmem>>) offsets(%dma_start3A_128 : memref<80xi32, #tpu.memory_space<vmem>>) semaphore(%arg16 : memref<!tpu.dma_semaphore, #tpu.memory_space<semaphore_mem>>)
      } else {
      }
      %add3A_79 = arith.constant 2 : i32
      %add3A_80 = arith.addi %mul3A_52, %add3A_79 : i32
      %dma_wait3A_81 = arith.constant 0 : i32
      %dma_wait3A_82 = tpu.memref_slice %arg7[%add3A_80, %dma_wait3A_81] : memref<125x80xi32, #tpu.memory_space<vmem>> -> memref<1x80xi32, #tpu.memory_space<vmem>>
      %dma_wait3A_83 = tpu.memref_squeeze %dma_wait3A_82 : memref<1x80xi32, #tpu.memory_space<vmem>> -> memref<80xi32, #tpu.memory_space<vmem>>
      %dma_wait3A_84 = arith.constant 0 : i32
      %dma_wait3A_85 = arith.constant 0 : i32
      %dma_wait3A_86 = tpu.memref_slice %arg2[%dma_wait3A_84, %dma_wait3A_85] : memref<10112x64xf32, #tpu.memory_space<hbm>> -> memref<10112x64xf32, #tpu.memory_space<hbm>>
      tpu.wait_indirect_dma semaphore(%arg17 : memref<!tpu.dma_semaphore, #tpu.memory_space<semaphore_mem>>) src(%dma_wait3A_86 : memref<10112x64xf32, #tpu.memory_space<hbm>>) dst(%arg11 : memref<80x64xf32, #tpu.memory_space<vmem>>)
      "tpu.region"() ({
        %run_scoped3A = tpu.sem_alloc : memref<!tpu.dma_semaphore, #tpu.memory_space<semaphore_mem>>
        %dma_start3A_124 = arith.constant 0 : i32
        %dma_start3A_125 = tpu.memref_slice %arg8[%add3A_80, %dma_start3A_124] : memref<125x80xi32, #tpu.memory_space<vmem>> -> memref<1x80xi32, #tpu.memory_space<vmem>>
        %dma_start3A_126 = tpu.memref_squeeze %dma_start3A_125 : memref<1x80xi32, #tpu.memory_space<vmem>> -> memref<80xi32, #tpu.memory_space<vmem>>
        %dma_start3A_127 = arith.constant 0 : i32
        %dma_start3A_128 = arith.constant 0 : i32
        %dma_start3A_129 = tpu.memref_slice %arg14[%dma_start3A_127, %dma_start3A_128] : memref<10112x64xf32, #tpu.memory_space<vmem_shared>> -> memref<10112x64xf32, #tpu.memory_space<vmem_shared>>
        tpu.enqueue_indirect_dma source(%arg11 : memref<80x64xf32, #tpu.memory_space<vmem>>) target(%dma_start3A_129 : memref<10112x64xf32, #tpu.memory_space<vmem_shared>>) offsets(%dma_start3A_126 : memref<80xi32, #tpu.memory_space<vmem>>) semaphore(%run_scoped3A : memref<!tpu.dma_semaphore, #tpu.memory_space<semaphore_mem>>) {add = true}
        %dma_wait3A_130 = arith.constant 0 : i32
        %dma_wait3A_131 = tpu.memref_slice %arg8[%add3A_80, %dma_wait3A_130] : memref<125x80xi32, #tpu.memory_space<vmem>> -> memref<1x80xi32, #tpu.memory_space<vmem>>
        %dma_wait3A_132 = tpu.memref_squeeze %dma_wait3A_131 : memref<1x80xi32, #tpu.memory_space<vmem>> -> memref<80xi32, #tpu.memory_space<vmem>>
        %dma_wait3A_133 = arith.constant 0 : i32
        %dma_wait3A_134 = arith.constant 0 : i32
        %dma_wait3A_135 = tpu.memref_slice %arg14[%dma_wait3A_133, %dma_wait3A_134] : memref<10112x64xf32, #tpu.memory_space<vmem_shared>> -> memref<10112x64xf32, #tpu.memory_space<vmem_shared>>
        tpu.wait_indirect_dma semaphore(%run_scoped3A : memref<!tpu.dma_semaphore, #tpu.memory_space<semaphore_mem>>) src(%arg11 : memref<80x64xf32, #tpu.memory_space<vmem>>) dst(%dma_wait3A_135 : memref<10112x64xf32, #tpu.memory_space<vmem_shared>>)
        tpu.yield
      }) : () -> ()
      %add3A_87 = arith.constant 5 : i32
      %add3A_88 = arith.addi %add3A_80, %add3A_87 : i32
      %lt3A_89 = arith.constant 125 : i32
      %lt3A_90 = arith.cmpi slt, %add3A_88, %lt3A_89 : i32
      %convert_element_type3A_91 = arith.extui %lt3A_90 : i1 to i32
      %cond3A_92 = arith.constant 0 : i32
      %cond3A_93 = arith.cmpi ne, %convert_element_type3A_91, %cond3A_92 : i32
      scf.if %cond3A_93 {
        %add3A_124 = arith.constant 5 : i32
        %add3A_125 = arith.addi %add3A_80, %add3A_124 : i32
        %dma_start3A_126 = arith.constant 0 : i32
        %dma_start3A_127 = tpu.memref_slice %arg7[%add3A_125, %dma_start3A_126] : memref<125x80xi32, #tpu.memory_space<vmem>> -> memref<1x80xi32, #tpu.memory_space<vmem>>
        %dma_start3A_128 = tpu.memref_squeeze %dma_start3A_127 : memref<1x80xi32, #tpu.memory_space<vmem>> -> memref<80xi32, #tpu.memory_space<vmem>>
        %dma_start3A_129 = arith.constant 0 : i32
        %dma_start3A_130 = arith.constant 0 : i32
        %dma_start3A_131 = tpu.memref_slice %arg2[%dma_start3A_129, %dma_start3A_130] : memref<10112x64xf32, #tpu.memory_space<hbm>> -> memref<10112x64xf32, #tpu.memory_space<hbm>>
        tpu.enqueue_indirect_dma source(%dma_start3A_131 : memref<10112x64xf32, #tpu.memory_space<hbm>>) target(%arg11 : memref<80x64xf32, #tpu.memory_space<vmem>>) offsets(%dma_start3A_128 : memref<80xi32, #tpu.memory_space<vmem>>) semaphore(%arg17 : memref<!tpu.dma_semaphore, #tpu.memory_space<semaphore_mem>>)
      } else {
      }
      %add3A_94 = arith.constant 3 : i32
      %add3A_95 = arith.addi %mul3A_52, %add3A_94 : i32
      %dma_wait3A_96 = arith.constant 0 : i32
      %dma_wait3A_97 = tpu.memref_slice %arg7[%add3A_95, %dma_wait3A_96] : memref<125x80xi32, #tpu.memory_space<vmem>> -> memref<1x80xi32, #tpu.memory_space<vmem>>
      %dma_wait3A_98 = tpu.memref_squeeze %dma_wait3A_97 : memref<1x80xi32, #tpu.memory_space<vmem>> -> memref<80xi32, #tpu.memory_space<vmem>>
      %dma_wait3A_99 = arith.constant 0 : i32
      %dma_wait3A_100 = arith.constant 0 : i32
      %dma_wait3A_101 = tpu.memref_slice %arg2[%dma_wait3A_99, %dma_wait3A_100] : memref<10112x64xf32, #tpu.memory_space<hbm>> -> memref<10112x64xf32, #tpu.memory_space<hbm>>
      tpu.wait_indirect_dma semaphore(%arg18 : memref<!tpu.dma_semaphore, #tpu.memory_space<semaphore_mem>>) src(%dma_wait3A_101 : memref<10112x64xf32, #tpu.memory_space<hbm>>) dst(%arg12 : memref<80x64xf32, #tpu.memory_space<vmem>>)
      "tpu.region"() ({
        %run_scoped3A = tpu.sem_alloc : memref<!tpu.dma_semaphore, #tpu.memory_space<semaphore_mem>>
        %dma_start3A_124 = arith.constant 0 : i32
        %dma_start3A_125 = tpu.memref_slice %arg8[%add3A_95, %dma_start3A_124] : memref<125x80xi32, #tpu.memory_space<vmem>> -> memref<1x80xi32, #tpu.memory_space<vmem>>
        %dma_start3A_126 = tpu.memref_squeeze %dma_start3A_125 : memref<1x80xi32, #tpu.memory_space<vmem>> -> memref<80xi32, #tpu.memory_space<vmem>>
        %dma_start3A_127 = arith.constant 0 : i32
        %dma_start3A_128 = arith.constant 0 : i32
        %dma_start3A_129 = tpu.memref_slice %arg14[%dma_start3A_127, %dma_start3A_128] : memref<10112x64xf32, #tpu.memory_space<vmem_shared>> -> memref<10112x64xf32, #tpu.memory_space<vmem_shared>>
        tpu.enqueue_indirect_dma source(%arg12 : memref<80x64xf32, #tpu.memory_space<vmem>>) target(%dma_start3A_129 : memref<10112x64xf32, #tpu.memory_space<vmem_shared>>) offsets(%dma_start3A_126 : memref<80xi32, #tpu.memory_space<vmem>>) semaphore(%run_scoped3A : memref<!tpu.dma_semaphore, #tpu.memory_space<semaphore_mem>>) {add = true}
        %dma_wait3A_130 = arith.constant 0 : i32
        %dma_wait3A_131 = tpu.memref_slice %arg8[%add3A_95, %dma_wait3A_130] : memref<125x80xi32, #tpu.memory_space<vmem>> -> memref<1x80xi32, #tpu.memory_space<vmem>>
        %dma_wait3A_132 = tpu.memref_squeeze %dma_wait3A_131 : memref<1x80xi32, #tpu.memory_space<vmem>> -> memref<80xi32, #tpu.memory_space<vmem>>
        %dma_wait3A_133 = arith.constant 0 : i32
        %dma_wait3A_134 = arith.constant 0 : i32
        %dma_wait3A_135 = tpu.memref_slice %arg14[%dma_wait3A_133, %dma_wait3A_134] : memref<10112x64xf32, #tpu.memory_space<vmem_shared>> -> memref<10112x64xf32, #tpu.memory_space<vmem_shared>>
        tpu.wait_indirect_dma semaphore(%run_scoped3A : memref<!tpu.dma_semaphore, #tpu.memory_space<semaphore_mem>>) src(%arg12 : memref<80x64xf32, #tpu.memory_space<vmem>>) dst(%dma_wait3A_135 : memref<10112x64xf32, #tpu.memory_space<vmem_shared>>)
        tpu.yield
      }) : () -> ()
      %add3A_102 = arith.constant 5 : i32
      %add3A_103 = arith.addi %add3A_95, %add3A_102 : i32
      %lt3A_104 = arith.constant 125 : i32
      %lt3A_105 = arith.cmpi slt, %add3A_103, %lt3A_104 : i32
      %convert_element_type3A_106 = arith.extui %lt3A_105 : i1 to i32
      %cond3A_107 = arith.constant 0 : i32
      %cond3A_108 = arith.cmpi ne, %convert_element_type3A_106, %cond3A_107 : i32
      scf.if %cond3A_108 {
        %add3A_124 = arith.constant 5 : i32
        %add3A_125 = arith.addi %add3A_95, %add3A_124 : i32
        %dma_start3A_126 = arith.constant 0 : i32
        %dma_start3A_127 = tpu.memref_slice %arg7[%add3A_125, %dma_start3A_126] : memref<125x80xi32, #tpu.memory_space<vmem>> -> memref<1x80xi32, #tpu.memory_space<vmem>>
        %dma_start3A_128 = tpu.memref_squeeze %dma_start3A_127 : memref<1x80xi32, #tpu.memory_space<vmem>> -> memref<80xi32, #tpu.memory_space<vmem>>
        %dma_start3A_129 = arith.constant 0 : i32
        %dma_start3A_130 = arith.constant 0 : i32
        %dma_start3A_131 = tpu.memref_slice %arg2[%dma_start3A_129, %dma_start3A_130] : memref<10112x64xf32, #tpu.memory_space<hbm>> -> memref<10112x64xf32, #tpu.memory_space<hbm>>
        tpu.enqueue_indirect_dma source(%dma_start3A_131 : memref<10112x64xf32, #tpu.memory_space<hbm>>) target(%arg12 : memref<80x64xf32, #tpu.memory_space<vmem>>) offsets(%dma_start3A_128 : memref<80xi32, #tpu.memory_space<vmem>>) semaphore(%arg18 : memref<!tpu.dma_semaphore, #tpu.memory_space<semaphore_mem>>)
      } else {
      }
      %add3A_109 = arith.constant 4 : i32
      %add3A_110 = arith.addi %mul3A_52, %add3A_109 : i32
      %dma_wait3A_111 = arith.constant 0 : i32
      %dma_wait3A_112 = tpu.memref_slice %arg7[%add3A_110, %dma_wait3A_111] : memref<125x80xi32, #tpu.memory_space<vmem>> -> memref<1x80xi32, #tpu.memory_space<vmem>>
      %dma_wait3A_113 = tpu.memref_squeeze %dma_wait3A_112 : memref<1x80xi32, #tpu.memory_space<vmem>> -> memref<80xi32, #tpu.memory_space<vmem>>
      %dma_wait3A_114 = arith.constant 0 : i32
      %dma_wait3A_115 = arith.constant 0 : i32
      %dma_wait3A_116 = tpu.memref_slice %arg2[%dma_wait3A_114, %dma_wait3A_115] : memref<10112x64xf32, #tpu.memory_space<hbm>> -> memref<10112x64xf32, #tpu.memory_space<hbm>>
      tpu.wait_indirect_dma semaphore(%arg19 : memref<!tpu.dma_semaphore, #tpu.memory_space<semaphore_mem>>) src(%dma_wait3A_116 : memref<10112x64xf32, #tpu.memory_space<hbm>>) dst(%arg13 : memref<80x64xf32, #tpu.memory_space<vmem>>)
      "tpu.region"() ({
        %run_scoped3A = tpu.sem_alloc : memref<!tpu.dma_semaphore, #tpu.memory_space<semaphore_mem>>
        %dma_start3A_124 = arith.constant 0 : i32
        %dma_start3A_125 = tpu.memref_slice %arg8[%add3A_110, %dma_start3A_124] : memref<125x80xi32, #tpu.memory_space<vmem>> -> memref<1x80xi32, #tpu.memory_space<vmem>>
        %dma_start3A_126 = tpu.memref_squeeze %dma_start3A_125 : memref<1x80xi32, #tpu.memory_space<vmem>> -> memref<80xi32, #tpu.memory_space<vmem>>
        %dma_start3A_127 = arith.constant 0 : i32
        %dma_start3A_128 = arith.constant 0 : i32
        %dma_start3A_129 = tpu.memref_slice %arg14[%dma_start3A_127, %dma_start3A_128] : memref<10112x64xf32, #tpu.memory_space<vmem_shared>> -> memref<10112x64xf32, #tpu.memory_space<vmem_shared>>
        tpu.enqueue_indirect_dma source(%arg13 : memref<80x64xf32, #tpu.memory_space<vmem>>) target(%dma_start3A_129 : memref<10112x64xf32, #tpu.memory_space<vmem_shared>>) offsets(%dma_start3A_126 : memref<80xi32, #tpu.memory_space<vmem>>) semaphore(%run_scoped3A : memref<!tpu.dma_semaphore, #tpu.memory_space<semaphore_mem>>) {add = true}
        %dma_wait3A_130 = arith.constant 0 : i32
        %dma_wait3A_131 = tpu.memref_slice %arg8[%add3A_110, %dma_wait3A_130] : memref<125x80xi32, #tpu.memory_space<vmem>> -> memref<1x80xi32, #tpu.memory_space<vmem>>
        %dma_wait3A_132 = tpu.memref_squeeze %dma_wait3A_131 : memref<1x80xi32, #tpu.memory_space<vmem>> -> memref<80xi32, #tpu.memory_space<vmem>>
        %dma_wait3A_133 = arith.constant 0 : i32
        %dma_wait3A_134 = arith.constant 0 : i32
        %dma_wait3A_135 = tpu.memref_slice %arg14[%dma_wait3A_133, %dma_wait3A_134] : memref<10112x64xf32, #tpu.memory_space<vmem_shared>> -> memref<10112x64xf32, #tpu.memory_space<vmem_shared>>
        tpu.wait_indirect_dma semaphore(%run_scoped3A : memref<!tpu.dma_semaphore, #tpu.memory_space<semaphore_mem>>) src(%arg13 : memref<80x64xf32, #tpu.memory_space<vmem>>) dst(%dma_wait3A_135 : memref<10112x64xf32, #tpu.memory_space<vmem_shared>>)
        tpu.yield
      }) : () -> ()
      %add3A_117 = arith.constant 5 : i32
      %add3A_118 = arith.addi %add3A_110, %add3A_117 : i32
      %lt3A_119 = arith.constant 125 : i32
      %lt3A_120 = arith.cmpi slt, %add3A_118, %lt3A_119 : i32
      %convert_element_type3A_121 = arith.extui %lt3A_120 : i1 to i32
      %cond3A_122 = arith.constant 0 : i32
      %cond3A_123 = arith.cmpi ne, %convert_element_type3A_121, %cond3A_122 : i32
      scf.if %cond3A_123 {
        %add3A_124 = arith.constant 5 : i32
        %add3A_125 = arith.addi %add3A_110, %add3A_124 : i32
        %dma_start3A_126 = arith.constant 0 : i32
        %dma_start3A_127 = tpu.memref_slice %arg7[%add3A_125, %dma_start3A_126] : memref<125x80xi32, #tpu.memory_space<vmem>> -> memref<1x80xi32, #tpu.memory_space<vmem>>
        %dma_start3A_128 = tpu.memref_squeeze %dma_start3A_127 : memref<1x80xi32, #tpu.memory_space<vmem>> -> memref<80xi32, #tpu.memory_space<vmem>>
        %dma_start3A_129 = arith.constant 0 : i32
        %dma_start3A_130 = arith.constant 0 : i32
        %dma_start3A_131 = tpu.memref_slice %arg2[%dma_start3A_129, %dma_start3A_130] : memref<10112x64xf32, #tpu.memory_space<hbm>> -> memref<10112x64xf32, #tpu.memory_space<hbm>>
        tpu.enqueue_indirect_dma source(%dma_start3A_131 : memref<10112x64xf32, #tpu.memory_space<hbm>>) target(%arg13 : memref<80x64xf32, #tpu.memory_space<vmem>>) offsets(%dma_start3A_128 : memref<80xi32, #tpu.memory_space<vmem>>) semaphore(%arg19 : memref<!tpu.dma_semaphore, #tpu.memory_space<semaphore_mem>>)
      } else {
      }
    }
    %scan3A_40 = arith.constant 25 : i32
    %barrier3A_41 = arith.constant 0 : index
    tpu.barrier barrier_id(%barrier3A_41)
    %mul3A_42 = arith.constant 632 : i32
    %mul3A_43 = arith.muli %arg1, %mul3A_42 : i32
    %mul3A_44 = arith.constant 632 : i32
    %mul3A_45 = arith.muli %arg1, %mul3A_44 : i32
    "tpu.region"() ({
      %run_scoped3A = tpu.sem_alloc : memref<!tpu.dma_semaphore, #tpu.memory_space<semaphore_mem>>
      %dma_start3A_46 = arith.constant 0 : i32
      %dma_start3A_47 = tpu.memref_slice %arg6[%arg0, %mul3A_45, %dma_start3A_46] : memref<2x10112x64xf32, #tpu.memory_space<hbm>> -> memref<1x632x64xf32, #tpu.memory_space<hbm>>
      %dma_start3A_48 = tpu.memref_squeeze %dma_start3A_47 : memref<1x632x64xf32, #tpu.memory_space<hbm>> -> memref<632x64xf32, #tpu.memory_space<hbm>>
      %dma_start3A_49 = arith.constant 0 : i32
      %dma_start3A_50 = tpu.memref_slice %arg14[%mul3A_43, %dma_start3A_49] : memref<10112x64xf32, #tpu.memory_space<vmem_shared>> -> memref<632x64xf32, #tpu.memory_space<vmem_shared>>
      tpu.enqueue_dma source(%dma_start3A_50 : memref<632x64xf32, #tpu.memory_space<vmem_shared>>) target(%dma_start3A_48 : memref<632x64xf32, #tpu.memory_space<hbm>>) target_semaphore(%run_scoped3A : memref<!tpu.dma_semaphore, #tpu.memory_space<semaphore_mem>>)
      %dma_wait3A = arith.constant 0 : i32
      %dma_wait3A_51 = tpu.memref_slice %arg6[%arg0, %mul3A_45, %dma_wait3A] : memref<2x10112x64xf32, #tpu.memory_space<hbm>> -> memref<1x632x64xf32, #tpu.memory_space<hbm>>
      %dma_wait3A_52 = tpu.memref_squeeze %dma_wait3A_51 : memref<1x632x64xf32, #tpu.memory_space<hbm>> -> memref<632x64xf32, #tpu.memory_space<hbm>>
      %dma_wait3A_53 = arith.constant 0 : i32
      %dma_wait3A_54 = tpu.memref_slice %arg14[%mul3A_43, %dma_wait3A_53] : memref<10112x64xf32, #tpu.memory_space<vmem_shared>> -> memref<632x64xf32, #tpu.memory_space<vmem_shared>>
      tpu.wait_dma2 semaphore(%run_scoped3A : memref<!tpu.dma_semaphore, #tpu.memory_space<semaphore_mem>>) src(%dma_wait3A_54 : memref<632x64xf32, #tpu.memory_space<vmem_shared>>) dst(%dma_wait3A_52 : memref<632x64xf32, #tpu.memory_space<hbm>>)
      tpu.yield
    }) : () -> ()
    return
  }
}

#map = affine_map<(d0, d1) -> (0, 0)>
#map1 = affine_map<(d0, d1) -> (0, 0, 0)>
module attributes {stable_mosaic.version = 14 : i64} {
  func.func @_agg_body(%arg0: i32, %arg1: i32, %arg2: memref<10112x64xf32, #tpu.memory_space<hbm>>, %arg3: memref<32x125x80xi32, #tpu.memory_space<hbm>>, %arg4: memref<32x125x80xi32, #tpu.memory_space<hbm>>, %arg5: memref<632x64xf32, #tpu.memory_space<hbm>>, %arg6: memref<2x10112x64xf32, #tpu.memory_space<hbm>>, %arg7: memref<125x80xi32, #tpu.memory_space<vmem>>, %arg8: memref<125x80xi32, #tpu.memory_space<vmem>>, %arg9: memref<80x64xf32, #tpu.memory_space<vmem>>, %arg10: memref<80x64xf32, #tpu.memory_space<vmem>>, %arg11: memref<80x64xf32, #tpu.memory_space<vmem>>, %arg12: memref<80x64xf32, #tpu.memory_space<vmem>>, %arg13: memref<80x64xf32, #tpu.memory_space<vmem>>, %arg14: memref<10112x64xf32, #tpu.memory_space<vmem_shared>>, %arg15: memref<!tpu.dma_semaphore, #tpu.memory_space<semaphore_mem>>, %arg16: memref<!tpu.dma_semaphore, #tpu.memory_space<semaphore_mem>>, %arg17: memref<!tpu.dma_semaphore, #tpu.memory_space<semaphore_mem>>, %arg18: memref<!tpu.dma_semaphore, #tpu.memory_space<semaphore_mem>>, %arg19: memref<!tpu.dma_semaphore, #tpu.memory_space<semaphore_mem>>) attributes {dimension_semantics = [#tpu.dimension_semantics<core_parallel>, #tpu.dimension_semantics<subcore_parallel>], iteration_bounds = array<i64: 2, 16>, scalar_prefetch = 0 : i64, scratch_operands = 13 : i64, tpu.core_type = #tpu.core_type<sc_vector_subcore>, window_params = [{transform_indices = #map}, {transform_indices = #map1}, {transform_indices = #map1}, {transform_indices = #map}, {transform_indices = #map1}]} {
    %mul3A = arith.constant 16 : i32
    %mul3A_0 = arith.muli %arg0, %mul3A : i32
    %add3A = arith.addi %mul3A_0, %arg1 : i32
    %mul3A_1 = arith.constant 632 : i32
    %mul3A_2 = arith.muli %arg1, %mul3A_1 : i32
    "tpu.region"() ({
      %run_scoped3A = tpu.sem_alloc : memref<!tpu.dma_semaphore, #tpu.memory_space<semaphore_mem>>
      %dma_start3A_46 = arith.constant 0 : i32
      %dma_start3A_47 = tpu.memref_slice %arg14[%mul3A_2, %dma_start3A_46] : memref<10112x64xf32, #tpu.memory_space<vmem_shared>> -> memref<632x64xf32, #tpu.memory_space<vmem_shared>>
      tpu.enqueue_dma source(%arg5 : memref<632x64xf32, #tpu.memory_space<hbm>>) target(%dma_start3A_47 : memref<632x64xf32, #tpu.memory_space<vmem_shared>>) target_semaphore(%run_scoped3A : memref<!tpu.dma_semaphore, #tpu.memory_space<semaphore_mem>>)
      %dma_wait3A = arith.constant 0 : i32
      %dma_wait3A_48 = tpu.memref_slice %arg14[%mul3A_2, %dma_wait3A] : memref<10112x64xf32, #tpu.memory_space<vmem_shared>> -> memref<632x64xf32, #tpu.memory_space<vmem_shared>>
      tpu.wait_dma2 semaphore(%run_scoped3A : memref<!tpu.dma_semaphore, #tpu.memory_space<semaphore_mem>>) src(%arg5 : memref<632x64xf32, #tpu.memory_space<hbm>>) dst(%dma_wait3A_48 : memref<632x64xf32, #tpu.memory_space<vmem_shared>>)
      tpu.yield
    }) : () -> ()
    "tpu.region"() ({
      %run_scoped3A = tpu.sem_alloc : memref<!tpu.dma_semaphore, #tpu.memory_space<semaphore_mem>>
      %dma_start3A_46 = arith.constant 0 : i32
      %dma_start3A_47 = arith.constant 0 : i32
      %dma_start3A_48 = tpu.memref_slice %arg3[%add3A, %dma_start3A_46, %dma_start3A_47] : memref<32x125x80xi32, #tpu.memory_space<hbm>> -> memref<1x125x80xi32, #tpu.memory_space<hbm>>
      %dma_start3A_49 = tpu.memref_squeeze %dma_start3A_48 : memref<1x125x80xi32, #tpu.memory_space<hbm>> -> memref<125x80xi32, #tpu.memory_space<hbm>>
      %dma_start3A_50 = arith.constant 0 : i32
      %dma_start3A_51 = arith.constant 0 : i32
      %dma_start3A_52 = tpu.memref_slice %arg3[%add3A, %dma_start3A_50, %dma_start3A_51] : memref<32x125x80xi32, #tpu.memory_space<hbm>> -> memref<1x125x80xi32, #tpu.memory_space<hbm>>
      %dma_start3A_53 = tpu.memref_squeeze %dma_start3A_52 : memref<1x125x80xi32, #tpu.memory_space<hbm>> -> memref<125x80xi32, #tpu.memory_space<hbm>>
      tpu.enqueue_dma source(%dma_start3A_53 : memref<125x80xi32, #tpu.memory_space<hbm>>) target(%arg7 : memref<125x80xi32, #tpu.memory_space<vmem>>) target_semaphore(%run_scoped3A : memref<!tpu.dma_semaphore, #tpu.memory_space<semaphore_mem>>)
      %dma_wait3A = arith.constant 0 : i32
      %dma_wait3A_54 = arith.constant 0 : i32
      %dma_wait3A_55 = tpu.memref_slice %arg3[%add3A, %dma_wait3A, %dma_wait3A_54] : memref<32x125x80xi32, #tpu.memory_space<hbm>> -> memref<1x125x80xi32, #tpu.memory_space<hbm>>
      %dma_wait3A_56 = tpu.memref_squeeze %dma_wait3A_55 : memref<1x125x80xi32, #tpu.memory_space<hbm>> -> memref<125x80xi32, #tpu.memory_space<hbm>>
      %dma_wait3A_57 = arith.constant 0 : i32
      %dma_wait3A_58 = arith.constant 0 : i32
      %dma_wait3A_59 = tpu.memref_slice %arg3[%add3A, %dma_wait3A_57, %dma_wait3A_58] : memref<32x125x80xi32, #tpu.memory_space<hbm>> -> memref<1x125x80xi32, #tpu.memory_space<hbm>>
      %dma_wait3A_60 = tpu.memref_squeeze %dma_wait3A_59 : memref<1x125x80xi32, #tpu.memory_space<hbm>> -> memref<125x80xi32, #tpu.memory_space<hbm>>
      tpu.wait_dma2 semaphore(%run_scoped3A : memref<!tpu.dma_semaphore, #tpu.memory_space<semaphore_mem>>) src(%dma_wait3A_60 : memref<125x80xi32, #tpu.memory_space<hbm>>) dst(%arg7 : memref<125x80xi32, #tpu.memory_space<vmem>>)
      tpu.yield
    }) : () -> ()
    "tpu.region"() ({
      %run_scoped3A = tpu.sem_alloc : memref<!tpu.dma_semaphore, #tpu.memory_space<semaphore_mem>>
      %dma_start3A_46 = arith.constant 0 : i32
      %dma_start3A_47 = arith.constant 0 : i32
      %dma_start3A_48 = tpu.memref_slice %arg4[%add3A, %dma_start3A_46, %dma_start3A_47] : memref<32x125x80xi32, #tpu.memory_space<hbm>> -> memref<1x125x80xi32, #tpu.memory_space<hbm>>
      %dma_start3A_49 = tpu.memref_squeeze %dma_start3A_48 : memref<1x125x80xi32, #tpu.memory_space<hbm>> -> memref<125x80xi32, #tpu.memory_space<hbm>>
      %dma_start3A_50 = arith.constant 0 : i32
      %dma_start3A_51 = arith.constant 0 : i32
      %dma_start3A_52 = tpu.memref_slice %arg4[%add3A, %dma_start3A_50, %dma_start3A_51] : memref<32x125x80xi32, #tpu.memory_space<hbm>> -> memref<1x125x80xi32, #tpu.memory_space<hbm>>
      %dma_start3A_53 = tpu.memref_squeeze %dma_start3A_52 : memref<1x125x80xi32, #tpu.memory_space<hbm>> -> memref<125x80xi32, #tpu.memory_space<hbm>>
      tpu.enqueue_dma source(%dma_start3A_53 : memref<125x80xi32, #tpu.memory_space<hbm>>) target(%arg8 : memref<125x80xi32, #tpu.memory_space<vmem>>) target_semaphore(%run_scoped3A : memref<!tpu.dma_semaphore, #tpu.memory_space<semaphore_mem>>)
      %dma_wait3A = arith.constant 0 : i32
      %dma_wait3A_54 = arith.constant 0 : i32
      %dma_wait3A_55 = tpu.memref_slice %arg4[%add3A, %dma_wait3A, %dma_wait3A_54] : memref<32x125x80xi32, #tpu.memory_space<hbm>> -> memref<1x125x80xi32, #tpu.memory_space<hbm>>
      %dma_wait3A_56 = tpu.memref_squeeze %dma_wait3A_55 : memref<1x125x80xi32, #tpu.memory_space<hbm>> -> memref<125x80xi32, #tpu.memory_space<hbm>>
      %dma_wait3A_57 = arith.constant 0 : i32
      %dma_wait3A_58 = arith.constant 0 : i32
      %dma_wait3A_59 = tpu.memref_slice %arg4[%add3A, %dma_wait3A_57, %dma_wait3A_58] : memref<32x125x80xi32, #tpu.memory_space<hbm>> -> memref<1x125x80xi32, #tpu.memory_space<hbm>>
      %dma_wait3A_60 = tpu.memref_squeeze %dma_wait3A_59 : memref<1x125x80xi32, #tpu.memory_space<hbm>> -> memref<125x80xi32, #tpu.memory_space<hbm>>
      tpu.wait_dma2 semaphore(%run_scoped3A : memref<!tpu.dma_semaphore, #tpu.memory_space<semaphore_mem>>) src(%dma_wait3A_60 : memref<125x80xi32, #tpu.memory_space<hbm>>) dst(%arg8 : memref<125x80xi32, #tpu.memory_space<vmem>>)
      tpu.yield
    }) : () -> ()
    %barrier3A = arith.constant 0 : index
    tpu.barrier barrier_id(%barrier3A)
    %dma_start3A = arith.constant 0 : i32
    %dma_start3A_3 = arith.constant 0 : i32
    %dma_start3A_4 = tpu.memref_slice %arg7[%dma_start3A, %dma_start3A_3] : memref<125x80xi32, #tpu.memory_space<vmem>> -> memref<1x80xi32, #tpu.memory_space<vmem>>
    %dma_start3A_5 = tpu.memref_squeeze %dma_start3A_4 : memref<1x80xi32, #tpu.memory_space<vmem>> -> memref<80xi32, #tpu.memory_space<vmem>>
    %dma_start3A_6 = arith.constant 0 : i32
    %dma_start3A_7 = arith.constant 0 : i32
    %dma_start3A_8 = tpu.memref_slice %arg2[%dma_start3A_6, %dma_start3A_7] : memref<10112x64xf32, #tpu.memory_space<hbm>> -> memref<10112x64xf32, #tpu.memory_space<hbm>>
    tpu.enqueue_indirect_dma source(%dma_start3A_8 : memref<10112x64xf32, #tpu.memory_space<hbm>>) target(%arg9 : memref<80x64xf32, #tpu.memory_space<vmem>>) offsets(%dma_start3A_5 : memref<80xi32, #tpu.memory_space<vmem>>) semaphore(%arg15 : memref<!tpu.dma_semaphore, #tpu.memory_space<semaphore_mem>>)
    %dma_start3A_9 = arith.constant 1 : i32
    %dma_start3A_10 = arith.constant 0 : i32
    %dma_start3A_11 = tpu.memref_slice %arg7[%dma_start3A_9, %dma_start3A_10] : memref<125x80xi32, #tpu.memory_space<vmem>> -> memref<1x80xi32, #tpu.memory_space<vmem>>
    %dma_start3A_12 = tpu.memref_squeeze %dma_start3A_11 : memref<1x80xi32, #tpu.memory_space<vmem>> -> memref<80xi32, #tpu.memory_space<vmem>>
    %dma_start3A_13 = arith.constant 0 : i32
    %dma_start3A_14 = arith.constant 0 : i32
    %dma_start3A_15 = tpu.memref_slice %arg2[%dma_start3A_13, %dma_start3A_14] : memref<10112x64xf32, #tpu.memory_space<hbm>> -> memref<10112x64xf32, #tpu.memory_space<hbm>>
    tpu.enqueue_indirect_dma source(%dma_start3A_15 : memref<10112x64xf32, #tpu.memory_space<hbm>>) target(%arg10 : memref<80x64xf32, #tpu.memory_space<vmem>>) offsets(%dma_start3A_12 : memref<80xi32, #tpu.memory_space<vmem>>) semaphore(%arg16 : memref<!tpu.dma_semaphore, #tpu.memory_space<semaphore_mem>>)
    %dma_start3A_16 = arith.constant 2 : i32
    %dma_start3A_17 = arith.constant 0 : i32
    %dma_start3A_18 = tpu.memref_slice %arg7[%dma_start3A_16, %dma_start3A_17] : memref<125x80xi32, #tpu.memory_space<vmem>> -> memref<1x80xi32, #tpu.memory_space<vmem>>
    %dma_start3A_19 = tpu.memref_squeeze %dma_start3A_18 : memref<1x80xi32, #tpu.memory_space<vmem>> -> memref<80xi32, #tpu.memory_space<vmem>>
    %dma_start3A_20 = arith.constant 0 : i32
    %dma_start3A_21 = arith.constant 0 : i32
    %dma_start3A_22 = tpu.memref_slice %arg2[%dma_start3A_20, %dma_start3A_21] : memref<10112x64xf32, #tpu.memory_space<hbm>> -> memref<10112x64xf32, #tpu.memory_space<hbm>>
    tpu.enqueue_indirect_dma source(%dma_start3A_22 : memref<10112x64xf32, #tpu.memory_space<hbm>>) target(%arg11 : memref<80x64xf32, #tpu.memory_space<vmem>>) offsets(%dma_start3A_19 : memref<80xi32, #tpu.memory_space<vmem>>) semaphore(%arg17 : memref<!tpu.dma_semaphore, #tpu.memory_space<semaphore_mem>>)
    %dma_start3A_23 = arith.constant 3 : i32
    %dma_start3A_24 = arith.constant 0 : i32
    %dma_start3A_25 = tpu.memref_slice %arg7[%dma_start3A_23, %dma_start3A_24] : memref<125x80xi32, #tpu.memory_space<vmem>> -> memref<1x80xi32, #tpu.memory_space<vmem>>
    %dma_start3A_26 = tpu.memref_squeeze %dma_start3A_25 : memref<1x80xi32, #tpu.memory_space<vmem>> -> memref<80xi32, #tpu.memory_space<vmem>>
    %dma_start3A_27 = arith.constant 0 : i32
    %dma_start3A_28 = arith.constant 0 : i32
    %dma_start3A_29 = tpu.memref_slice %arg2[%dma_start3A_27, %dma_start3A_28] : memref<10112x64xf32, #tpu.memory_space<hbm>> -> memref<10112x64xf32, #tpu.memory_space<hbm>>
    tpu.enqueue_indirect_dma source(%dma_start3A_29 : memref<10112x64xf32, #tpu.memory_space<hbm>>) target(%arg12 : memref<80x64xf32, #tpu.memory_space<vmem>>) offsets(%dma_start3A_26 : memref<80xi32, #tpu.memory_space<vmem>>) semaphore(%arg18 : memref<!tpu.dma_semaphore, #tpu.memory_space<semaphore_mem>>)
    %dma_start3A_30 = arith.constant 4 : i32
    %dma_start3A_31 = arith.constant 0 : i32
    %dma_start3A_32 = tpu.memref_slice %arg7[%dma_start3A_30, %dma_start3A_31] : memref<125x80xi32, #tpu.memory_space<vmem>> -> memref<1x80xi32, #tpu.memory_space<vmem>>
    %dma_start3A_33 = tpu.memref_squeeze %dma_start3A_32 : memref<1x80xi32, #tpu.memory_space<vmem>> -> memref<80xi32, #tpu.memory_space<vmem>>
    %dma_start3A_34 = arith.constant 0 : i32
    %dma_start3A_35 = arith.constant 0 : i32
    %dma_start3A_36 = tpu.memref_slice %arg2[%dma_start3A_34, %dma_start3A_35] : memref<10112x64xf32, #tpu.memory_space<hbm>> -> memref<10112x64xf32, #tpu.memory_space<hbm>>
    tpu.enqueue_indirect_dma source(%dma_start3A_36 : memref<10112x64xf32, #tpu.memory_space<hbm>>) target(%arg13 : memref<80x64xf32, #tpu.memory_space<vmem>>) offsets(%dma_start3A_33 : memref<80xi32, #tpu.memory_space<vmem>>) semaphore(%arg19 : memref<!tpu.dma_semaphore, #tpu.memory_space<semaphore_mem>>)
    %scan3A = arith.constant 0 : i32
    %scan3A_37 = arith.constant 25 : i32
    %scan3A_38 = arith.addi %scan3A, %scan3A_37 : i32
    %scan3A_39 = arith.constant 1 : i32
    scf.for %scan3A_46 = %scan3A to %scan3A_38 step %scan3A_39  : i32 {
      %mul3A_47 = arith.constant 1 : i32
      %mul3A_48 = arith.muli %scan3A_46, %mul3A_47 : i32
      %add3A_49 = arith.constant 0 : i32
      %add3A_50 = arith.addi %add3A_49, %mul3A_48 : i32
      %mul3A_51 = arith.constant 5 : i32
      %mul3A_52 = arith.muli %add3A_50, %mul3A_51 : i32
      %add3A_53 = arith.constant 0 : i32
      %add3A_54 = arith.addi %mul3A_52, %add3A_53 : i32
      %dma_wait3A = arith.constant 0 : i32
      %dma_wait3A_55 = tpu.memref_slice %arg7[%add3A_54, %dma_wait3A] : memref<125x80xi32, #tpu.memory_space<vmem>> -> memref<1x80xi32, #tpu.memory_space<vmem>>
      %dma_wait3A_56 = tpu.memref_squeeze %dma_wait3A_55 : memref<1x80xi32, #tpu.memory_space<vmem>> -> memref<80xi32, #tpu.memory_space<vmem>>
      %dma_wait3A_57 = arith.constant 0 : i32
      %dma_wait3A_58 = arith.constant 0 : i32
      %dma_wait3A_59 = tpu.memref_slice %arg2[%dma_wait3A_57, %dma_wait3A_58] : memref<10112x64xf32, #tpu.memory_space<hbm>> -> memref<10112x64xf32, #tpu.memory_space<hbm>>
      tpu.wait_indirect_dma semaphore(%arg15 : memref<!tpu.dma_semaphore, #tpu.memory_space<semaphore_mem>>) src(%dma_wait3A_59 : memref<10112x64xf32, #tpu.memory_space<hbm>>) dst(%arg9 : memref<80x64xf32, #tpu.memory_space<vmem>>)
      "tpu.region"() ({
        %run_scoped3A = tpu.sem_alloc : memref<!tpu.dma_semaphore, #tpu.memory_space<semaphore_mem>>
        %dma_start3A_124 = arith.constant 0 : i32
        %dma_start3A_125 = tpu.memref_slice %arg8[%add3A_54, %dma_start3A_124] : memref<125x80xi32, #tpu.memory_space<vmem>> -> memref<1x80xi32, #tpu.memory_space<vmem>>
        %dma_start3A_126 = tpu.memref_squeeze %dma_start3A_125 : memref<1x80xi32, #tpu.memory_space<vmem>> -> memref<80xi32, #tpu.memory_space<vmem>>
        %dma_start3A_127 = arith.constant 0 : i32
        %dma_start3A_128 = arith.constant 0 : i32
        %dma_start3A_129 = tpu.memref_slice %arg14[%dma_start3A_127, %dma_start3A_128] : memref<10112x64xf32, #tpu.memory_space<vmem_shared>> -> memref<10112x64xf32, #tpu.memory_space<vmem_shared>>
        tpu.enqueue_indirect_dma source(%arg9 : memref<80x64xf32, #tpu.memory_space<vmem>>) target(%dma_start3A_129 : memref<10112x64xf32, #tpu.memory_space<vmem_shared>>) offsets(%dma_start3A_126 : memref<80xi32, #tpu.memory_space<vmem>>) semaphore(%run_scoped3A : memref<!tpu.dma_semaphore, #tpu.memory_space<semaphore_mem>>) {add = true}
        %dma_wait3A_130 = arith.constant 0 : i32
        %dma_wait3A_131 = tpu.memref_slice %arg8[%add3A_54, %dma_wait3A_130] : memref<125x80xi32, #tpu.memory_space<vmem>> -> memref<1x80xi32, #tpu.memory_space<vmem>>
        %dma_wait3A_132 = tpu.memref_squeeze %dma_wait3A_131 : memref<1x80xi32, #tpu.memory_space<vmem>> -> memref<80xi32, #tpu.memory_space<vmem>>
        %dma_wait3A_133 = arith.constant 0 : i32
        %dma_wait3A_134 = arith.constant 0 : i32
        %dma_wait3A_135 = tpu.memref_slice %arg14[%dma_wait3A_133, %dma_wait3A_134] : memref<10112x64xf32, #tpu.memory_space<vmem_shared>> -> memref<10112x64xf32, #tpu.memory_space<vmem_shared>>
        tpu.wait_indirect_dma semaphore(%run_scoped3A : memref<!tpu.dma_semaphore, #tpu.memory_space<semaphore_mem>>) src(%arg9 : memref<80x64xf32, #tpu.memory_space<vmem>>) dst(%dma_wait3A_135 : memref<10112x64xf32, #tpu.memory_space<vmem_shared>>)
        tpu.yield
      }) : () -> ()
      %add3A_60 = arith.constant 5 : i32
      %add3A_61 = arith.addi %add3A_54, %add3A_60 : i32
      %lt3A = arith.constant 125 : i32
      %lt3A_62 = arith.cmpi slt, %add3A_61, %lt3A : i32
      %convert_element_type3A = arith.extui %lt3A_62 : i1 to i32
      %cond3A = arith.constant 0 : i32
      %cond3A_63 = arith.cmpi ne, %convert_element_type3A, %cond3A : i32
      scf.if %cond3A_63 {
        %add3A_124 = arith.constant 5 : i32
        %add3A_125 = arith.addi %add3A_54, %add3A_124 : i32
        %dma_start3A_126 = arith.constant 0 : i32
        %dma_start3A_127 = tpu.memref_slice %arg7[%add3A_125, %dma_start3A_126] : memref<125x80xi32, #tpu.memory_space<vmem>> -> memref<1x80xi32, #tpu.memory_space<vmem>>
        %dma_start3A_128 = tpu.memref_squeeze %dma_start3A_127 : memref<1x80xi32, #tpu.memory_space<vmem>> -> memref<80xi32, #tpu.memory_space<vmem>>
        %dma_start3A_129 = arith.constant 0 : i32
        %dma_start3A_130 = arith.constant 0 : i32
        %dma_start3A_131 = tpu.memref_slice %arg2[%dma_start3A_129, %dma_start3A_130] : memref<10112x64xf32, #tpu.memory_space<hbm>> -> memref<10112x64xf32, #tpu.memory_space<hbm>>
        tpu.enqueue_indirect_dma source(%dma_start3A_131 : memref<10112x64xf32, #tpu.memory_space<hbm>>) target(%arg9 : memref<80x64xf32, #tpu.memory_space<vmem>>) offsets(%dma_start3A_128 : memref<80xi32, #tpu.memory_space<vmem>>) semaphore(%arg15 : memref<!tpu.dma_semaphore, #tpu.memory_space<semaphore_mem>>)
      } else {
      }
      %add3A_64 = arith.constant 1 : i32
      %add3A_65 = arith.addi %mul3A_52, %add3A_64 : i32
      %dma_wait3A_66 = arith.constant 0 : i32
      %dma_wait3A_67 = tpu.memref_slice %arg7[%add3A_65, %dma_wait3A_66] : memref<125x80xi32, #tpu.memory_space<vmem>> -> memref<1x80xi32, #tpu.memory_space<vmem>>
      %dma_wait3A_68 = tpu.memref_squeeze %dma_wait3A_67 : memref<1x80xi32, #tpu.memory_space<vmem>> -> memref<80xi32, #tpu.memory_space<vmem>>
      %dma_wait3A_69 = arith.constant 0 : i32
      %dma_wait3A_70 = arith.constant 0 : i32
      %dma_wait3A_71 = tpu.memref_slice %arg2[%dma_wait3A_69, %dma_wait3A_70] : memref<10112x64xf32, #tpu.memory_space<hbm>> -> memref<10112x64xf32, #tpu.memory_space<hbm>>
      tpu.wait_indirect_dma semaphore(%arg16 : memref<!tpu.dma_semaphore, #tpu.memory_space<semaphore_mem>>) src(%dma_wait3A_71 : memref<10112x64xf32, #tpu.memory_space<hbm>>) dst(%arg10 : memref<80x64xf32, #tpu.memory_space<vmem>>)
      "tpu.region"() ({
        %run_scoped3A = tpu.sem_alloc : memref<!tpu.dma_semaphore, #tpu.memory_space<semaphore_mem>>
        %dma_start3A_124 = arith.constant 0 : i32
        %dma_start3A_125 = tpu.memref_slice %arg8[%add3A_65, %dma_start3A_124] : memref<125x80xi32, #tpu.memory_space<vmem>> -> memref<1x80xi32, #tpu.memory_space<vmem>>
        %dma_start3A_126 = tpu.memref_squeeze %dma_start3A_125 : memref<1x80xi32, #tpu.memory_space<vmem>> -> memref<80xi32, #tpu.memory_space<vmem>>
        %dma_start3A_127 = arith.constant 0 : i32
        %dma_start3A_128 = arith.constant 0 : i32
        %dma_start3A_129 = tpu.memref_slice %arg14[%dma_start3A_127, %dma_start3A_128] : memref<10112x64xf32, #tpu.memory_space<vmem_shared>> -> memref<10112x64xf32, #tpu.memory_space<vmem_shared>>
        tpu.enqueue_indirect_dma source(%arg10 : memref<80x64xf32, #tpu.memory_space<vmem>>) target(%dma_start3A_129 : memref<10112x64xf32, #tpu.memory_space<vmem_shared>>) offsets(%dma_start3A_126 : memref<80xi32, #tpu.memory_space<vmem>>) semaphore(%run_scoped3A : memref<!tpu.dma_semaphore, #tpu.memory_space<semaphore_mem>>) {add = true}
        %dma_wait3A_130 = arith.constant 0 : i32
        %dma_wait3A_131 = tpu.memref_slice %arg8[%add3A_65, %dma_wait3A_130] : memref<125x80xi32, #tpu.memory_space<vmem>> -> memref<1x80xi32, #tpu.memory_space<vmem>>
        %dma_wait3A_132 = tpu.memref_squeeze %dma_wait3A_131 : memref<1x80xi32, #tpu.memory_space<vmem>> -> memref<80xi32, #tpu.memory_space<vmem>>
        %dma_wait3A_133 = arith.constant 0 : i32
        %dma_wait3A_134 = arith.constant 0 : i32
        %dma_wait3A_135 = tpu.memref_slice %arg14[%dma_wait3A_133, %dma_wait3A_134] : memref<10112x64xf32, #tpu.memory_space<vmem_shared>> -> memref<10112x64xf32, #tpu.memory_space<vmem_shared>>
        tpu.wait_indirect_dma semaphore(%run_scoped3A : memref<!tpu.dma_semaphore, #tpu.memory_space<semaphore_mem>>) src(%arg10 : memref<80x64xf32, #tpu.memory_space<vmem>>) dst(%dma_wait3A_135 : memref<10112x64xf32, #tpu.memory_space<vmem_shared>>)
        tpu.yield
      }) : () -> ()
      %add3A_72 = arith.constant 5 : i32
      %add3A_73 = arith.addi %add3A_65, %add3A_72 : i32
      %lt3A_74 = arith.constant 125 : i32
      %lt3A_75 = arith.cmpi slt, %add3A_73, %lt3A_74 : i32
      %convert_element_type3A_76 = arith.extui %lt3A_75 : i1 to i32
      %cond3A_77 = arith.constant 0 : i32
      %cond3A_78 = arith.cmpi ne, %convert_element_type3A_76, %cond3A_77 : i32
      scf.if %cond3A_78 {
        %add3A_124 = arith.constant 5 : i32
        %add3A_125 = arith.addi %add3A_65, %add3A_124 : i32
        %dma_start3A_126 = arith.constant 0 : i32
        %dma_start3A_127 = tpu.memref_slice %arg7[%add3A_125, %dma_start3A_126] : memref<125x80xi32, #tpu.memory_space<vmem>> -> memref<1x80xi32, #tpu.memory_space<vmem>>
        %dma_start3A_128 = tpu.memref_squeeze %dma_start3A_127 : memref<1x80xi32, #tpu.memory_space<vmem>> -> memref<80xi32, #tpu.memory_space<vmem>>
        %dma_start3A_129 = arith.constant 0 : i32
        %dma_start3A_130 = arith.constant 0 : i32
        %dma_start3A_131 = tpu.memref_slice %arg2[%dma_start3A_129, %dma_start3A_130] : memref<10112x64xf32, #tpu.memory_space<hbm>> -> memref<10112x64xf32, #tpu.memory_space<hbm>>
        tpu.enqueue_indirect_dma source(%dma_start3A_131 : memref<10112x64xf32, #tpu.memory_space<hbm>>) target(%arg10 : memref<80x64xf32, #tpu.memory_space<vmem>>) offsets(%dma_start3A_128 : memref<80xi32, #tpu.memory_space<vmem>>) semaphore(%arg16 : memref<!tpu.dma_semaphore, #tpu.memory_space<semaphore_mem>>)
      } else {
      }
      %add3A_79 = arith.constant 2 : i32
      %add3A_80 = arith.addi %mul3A_52, %add3A_79 : i32
      %dma_wait3A_81 = arith.constant 0 : i32
      %dma_wait3A_82 = tpu.memref_slice %arg7[%add3A_80, %dma_wait3A_81] : memref<125x80xi32, #tpu.memory_space<vmem>> -> memref<1x80xi32, #tpu.memory_space<vmem>>
      %dma_wait3A_83 = tpu.memref_squeeze %dma_wait3A_82 : memref<1x80xi32, #tpu.memory_space<vmem>> -> memref<80xi32, #tpu.memory_space<vmem>>
      %dma_wait3A_84 = arith.constant 0 : i32
      %dma_wait3A_85 = arith.constant 0 : i32
      %dma_wait3A_86 = tpu.memref_slice %arg2[%dma_wait3A_84, %dma_wait3A_85] : memref<10112x64xf32, #tpu.memory_space<hbm>> -> memref<10112x64xf32, #tpu.memory_space<hbm>>
      tpu.wait_indirect_dma semaphore(%arg17 : memref<!tpu.dma_semaphore, #tpu.memory_space<semaphore_mem>>) src(%dma_wait3A_86 : memref<10112x64xf32, #tpu.memory_space<hbm>>) dst(%arg11 : memref<80x64xf32, #tpu.memory_space<vmem>>)
      "tpu.region"() ({
        %run_scoped3A = tpu.sem_alloc : memref<!tpu.dma_semaphore, #tpu.memory_space<semaphore_mem>>
        %dma_start3A_124 = arith.constant 0 : i32
        %dma_start3A_125 = tpu.memref_slice %arg8[%add3A_80, %dma_start3A_124] : memref<125x80xi32, #tpu.memory_space<vmem>> -> memref<1x80xi32, #tpu.memory_space<vmem>>
        %dma_start3A_126 = tpu.memref_squeeze %dma_start3A_125 : memref<1x80xi32, #tpu.memory_space<vmem>> -> memref<80xi32, #tpu.memory_space<vmem>>
        %dma_start3A_127 = arith.constant 0 : i32
        %dma_start3A_128 = arith.constant 0 : i32
        %dma_start3A_129 = tpu.memref_slice %arg14[%dma_start3A_127, %dma_start3A_128] : memref<10112x64xf32, #tpu.memory_space<vmem_shared>> -> memref<10112x64xf32, #tpu.memory_space<vmem_shared>>
        tpu.enqueue_indirect_dma source(%arg11 : memref<80x64xf32, #tpu.memory_space<vmem>>) target(%dma_start3A_129 : memref<10112x64xf32, #tpu.memory_space<vmem_shared>>) offsets(%dma_start3A_126 : memref<80xi32, #tpu.memory_space<vmem>>) semaphore(%run_scoped3A : memref<!tpu.dma_semaphore, #tpu.memory_space<semaphore_mem>>) {add = true}
        %dma_wait3A_130 = arith.constant 0 : i32
        %dma_wait3A_131 = tpu.memref_slice %arg8[%add3A_80, %dma_wait3A_130] : memref<125x80xi32, #tpu.memory_space<vmem>> -> memref<1x80xi32, #tpu.memory_space<vmem>>
        %dma_wait3A_132 = tpu.memref_squeeze %dma_wait3A_131 : memref<1x80xi32, #tpu.memory_space<vmem>> -> memref<80xi32, #tpu.memory_space<vmem>>
        %dma_wait3A_133 = arith.constant 0 : i32
        %dma_wait3A_134 = arith.constant 0 : i32
        %dma_wait3A_135 = tpu.memref_slice %arg14[%dma_wait3A_133, %dma_wait3A_134] : memref<10112x64xf32, #tpu.memory_space<vmem_shared>> -> memref<10112x64xf32, #tpu.memory_space<vmem_shared>>
        tpu.wait_indirect_dma semaphore(%run_scoped3A : memref<!tpu.dma_semaphore, #tpu.memory_space<semaphore_mem>>) src(%arg11 : memref<80x64xf32, #tpu.memory_space<vmem>>) dst(%dma_wait3A_135 : memref<10112x64xf32, #tpu.memory_space<vmem_shared>>)
        tpu.yield
      }) : () -> ()
      %add3A_87 = arith.constant 5 : i32
      %add3A_88 = arith.addi %add3A_80, %add3A_87 : i32
      %lt3A_89 = arith.constant 125 : i32
      %lt3A_90 = arith.cmpi slt, %add3A_88, %lt3A_89 : i32
      %convert_element_type3A_91 = arith.extui %lt3A_90 : i1 to i32
      %cond3A_92 = arith.constant 0 : i32
      %cond3A_93 = arith.cmpi ne, %convert_element_type3A_91, %cond3A_92 : i32
      scf.if %cond3A_93 {
        %add3A_124 = arith.constant 5 : i32
        %add3A_125 = arith.addi %add3A_80, %add3A_124 : i32
        %dma_start3A_126 = arith.constant 0 : i32
        %dma_start3A_127 = tpu.memref_slice %arg7[%add3A_125, %dma_start3A_126] : memref<125x80xi32, #tpu.memory_space<vmem>> -> memref<1x80xi32, #tpu.memory_space<vmem>>
        %dma_start3A_128 = tpu.memref_squeeze %dma_start3A_127 : memref<1x80xi32, #tpu.memory_space<vmem>> -> memref<80xi32, #tpu.memory_space<vmem>>
        %dma_start3A_129 = arith.constant 0 : i32
        %dma_start3A_130 = arith.constant 0 : i32
        %dma_start3A_131 = tpu.memref_slice %arg2[%dma_start3A_129, %dma_start3A_130] : memref<10112x64xf32, #tpu.memory_space<hbm>> -> memref<10112x64xf32, #tpu.memory_space<hbm>>
        tpu.enqueue_indirect_dma source(%dma_start3A_131 : memref<10112x64xf32, #tpu.memory_space<hbm>>) target(%arg11 : memref<80x64xf32, #tpu.memory_space<vmem>>) offsets(%dma_start3A_128 : memref<80xi32, #tpu.memory_space<vmem>>) semaphore(%arg17 : memref<!tpu.dma_semaphore, #tpu.memory_space<semaphore_mem>>)
      } else {
      }
      %add3A_94 = arith.constant 3 : i32
      %add3A_95 = arith.addi %mul3A_52, %add3A_94 : i32
      %dma_wait3A_96 = arith.constant 0 : i32
      %dma_wait3A_97 = tpu.memref_slice %arg7[%add3A_95, %dma_wait3A_96] : memref<125x80xi32, #tpu.memory_space<vmem>> -> memref<1x80xi32, #tpu.memory_space<vmem>>
      %dma_wait3A_98 = tpu.memref_squeeze %dma_wait3A_97 : memref<1x80xi32, #tpu.memory_space<vmem>> -> memref<80xi32, #tpu.memory_space<vmem>>
      %dma_wait3A_99 = arith.constant 0 : i32
      %dma_wait3A_100 = arith.constant 0 : i32
      %dma_wait3A_101 = tpu.memref_slice %arg2[%dma_wait3A_99, %dma_wait3A_100] : memref<10112x64xf32, #tpu.memory_space<hbm>> -> memref<10112x64xf32, #tpu.memory_space<hbm>>
      tpu.wait_indirect_dma semaphore(%arg18 : memref<!tpu.dma_semaphore, #tpu.memory_space<semaphore_mem>>) src(%dma_wait3A_101 : memref<10112x64xf32, #tpu.memory_space<hbm>>) dst(%arg12 : memref<80x64xf32, #tpu.memory_space<vmem>>)
      "tpu.region"() ({
        %run_scoped3A = tpu.sem_alloc : memref<!tpu.dma_semaphore, #tpu.memory_space<semaphore_mem>>
        %dma_start3A_124 = arith.constant 0 : i32
        %dma_start3A_125 = tpu.memref_slice %arg8[%add3A_95, %dma_start3A_124] : memref<125x80xi32, #tpu.memory_space<vmem>> -> memref<1x80xi32, #tpu.memory_space<vmem>>
        %dma_start3A_126 = tpu.memref_squeeze %dma_start3A_125 : memref<1x80xi32, #tpu.memory_space<vmem>> -> memref<80xi32, #tpu.memory_space<vmem>>
        %dma_start3A_127 = arith.constant 0 : i32
        %dma_start3A_128 = arith.constant 0 : i32
        %dma_start3A_129 = tpu.memref_slice %arg14[%dma_start3A_127, %dma_start3A_128] : memref<10112x64xf32, #tpu.memory_space<vmem_shared>> -> memref<10112x64xf32, #tpu.memory_space<vmem_shared>>
        tpu.enqueue_indirect_dma source(%arg12 : memref<80x64xf32, #tpu.memory_space<vmem>>) target(%dma_start3A_129 : memref<10112x64xf32, #tpu.memory_space<vmem_shared>>) offsets(%dma_start3A_126 : memref<80xi32, #tpu.memory_space<vmem>>) semaphore(%run_scoped3A : memref<!tpu.dma_semaphore, #tpu.memory_space<semaphore_mem>>) {add = true}
        %dma_wait3A_130 = arith.constant 0 : i32
        %dma_wait3A_131 = tpu.memref_slice %arg8[%add3A_95, %dma_wait3A_130] : memref<125x80xi32, #tpu.memory_space<vmem>> -> memref<1x80xi32, #tpu.memory_space<vmem>>
        %dma_wait3A_132 = tpu.memref_squeeze %dma_wait3A_131 : memref<1x80xi32, #tpu.memory_space<vmem>> -> memref<80xi32, #tpu.memory_space<vmem>>
        %dma_wait3A_133 = arith.constant 0 : i32
        %dma_wait3A_134 = arith.constant 0 : i32
        %dma_wait3A_135 = tpu.memref_slice %arg14[%dma_wait3A_133, %dma_wait3A_134] : memref<10112x64xf32, #tpu.memory_space<vmem_shared>> -> memref<10112x64xf32, #tpu.memory_space<vmem_shared>>
        tpu.wait_indirect_dma semaphore(%run_scoped3A : memref<!tpu.dma_semaphore, #tpu.memory_space<semaphore_mem>>) src(%arg12 : memref<80x64xf32, #tpu.memory_space<vmem>>) dst(%dma_wait3A_135 : memref<10112x64xf32, #tpu.memory_space<vmem_shared>>)
        tpu.yield
      }) : () -> ()
      %add3A_102 = arith.constant 5 : i32
      %add3A_103 = arith.addi %add3A_95, %add3A_102 : i32
      %lt3A_104 = arith.constant 125 : i32
      %lt3A_105 = arith.cmpi slt, %add3A_103, %lt3A_104 : i32
      %convert_element_type3A_106 = arith.extui %lt3A_105 : i1 to i32
      %cond3A_107 = arith.constant 0 : i32
      %cond3A_108 = arith.cmpi ne, %convert_element_type3A_106, %cond3A_107 : i32
      scf.if %cond3A_108 {
        %add3A_124 = arith.constant 5 : i32
        %add3A_125 = arith.addi %add3A_95, %add3A_124 : i32
        %dma_start3A_126 = arith.constant 0 : i32
        %dma_start3A_127 = tpu.memref_slice %arg7[%add3A_125, %dma_start3A_126] : memref<125x80xi32, #tpu.memory_space<vmem>> -> memref<1x80xi32, #tpu.memory_space<vmem>>
        %dma_start3A_128 = tpu.memref_squeeze %dma_start3A_127 : memref<1x80xi32, #tpu.memory_space<vmem>> -> memref<80xi32, #tpu.memory_space<vmem>>
        %dma_start3A_129 = arith.constant 0 : i32
        %dma_start3A_130 = arith.constant 0 : i32
        %dma_start3A_131 = tpu.memref_slice %arg2[%dma_start3A_129, %dma_start3A_130] : memref<10112x64xf32, #tpu.memory_space<hbm>> -> memref<10112x64xf32, #tpu.memory_space<hbm>>
        tpu.enqueue_indirect_dma source(%dma_start3A_131 : memref<10112x64xf32, #tpu.memory_space<hbm>>) target(%arg12 : memref<80x64xf32, #tpu.memory_space<vmem>>) offsets(%dma_start3A_128 : memref<80xi32, #tpu.memory_space<vmem>>) semaphore(%arg18 : memref<!tpu.dma_semaphore, #tpu.memory_space<semaphore_mem>>)
      } else {
      }
      %add3A_109 = arith.constant 4 : i32
      %add3A_110 = arith.addi %mul3A_52, %add3A_109 : i32
      %dma_wait3A_111 = arith.constant 0 : i32
      %dma_wait3A_112 = tpu.memref_slice %arg7[%add3A_110, %dma_wait3A_111] : memref<125x80xi32, #tpu.memory_space<vmem>> -> memref<1x80xi32, #tpu.memory_space<vmem>>
      %dma_wait3A_113 = tpu.memref_squeeze %dma_wait3A_112 : memref<1x80xi32, #tpu.memory_space<vmem>> -> memref<80xi32, #tpu.memory_space<vmem>>
      %dma_wait3A_114 = arith.constant 0 : i32
      %dma_wait3A_115 = arith.constant 0 : i32
      %dma_wait3A_116 = tpu.memref_slice %arg2[%dma_wait3A_114, %dma_wait3A_115] : memref<10112x64xf32, #tpu.memory_space<hbm>> -> memref<10112x64xf32, #tpu.memory_space<hbm>>
      tpu.wait_indirect_dma semaphore(%arg19 : memref<!tpu.dma_semaphore, #tpu.memory_space<semaphore_mem>>) src(%dma_wait3A_116 : memref<10112x64xf32, #tpu.memory_space<hbm>>) dst(%arg13 : memref<80x64xf32, #tpu.memory_space<vmem>>)
      "tpu.region"() ({
        %run_scoped3A = tpu.sem_alloc : memref<!tpu.dma_semaphore, #tpu.memory_space<semaphore_mem>>
        %dma_start3A_124 = arith.constant 0 : i32
        %dma_start3A_125 = tpu.memref_slice %arg8[%add3A_110, %dma_start3A_124] : memref<125x80xi32, #tpu.memory_space<vmem>> -> memref<1x80xi32, #tpu.memory_space<vmem>>
        %dma_start3A_126 = tpu.memref_squeeze %dma_start3A_125 : memref<1x80xi32, #tpu.memory_space<vmem>> -> memref<80xi32, #tpu.memory_space<vmem>>
        %dma_start3A_127 = arith.constant 0 : i32
        %dma_start3A_128 = arith.constant 0 : i32
        %dma_start3A_129 = tpu.memref_slice %arg14[%dma_start3A_127, %dma_start3A_128] : memref<10112x64xf32, #tpu.memory_space<vmem_shared>> -> memref<10112x64xf32, #tpu.memory_space<vmem_shared>>
        tpu.enqueue_indirect_dma source(%arg13 : memref<80x64xf32, #tpu.memory_space<vmem>>) target(%dma_start3A_129 : memref<10112x64xf32, #tpu.memory_space<vmem_shared>>) offsets(%dma_start3A_126 : memref<80xi32, #tpu.memory_space<vmem>>) semaphore(%run_scoped3A : memref<!tpu.dma_semaphore, #tpu.memory_space<semaphore_mem>>) {add = true}
        %dma_wait3A_130 = arith.constant 0 : i32
        %dma_wait3A_131 = tpu.memref_slice %arg8[%add3A_110, %dma_wait3A_130] : memref<125x80xi32, #tpu.memory_space<vmem>> -> memref<1x80xi32, #tpu.memory_space<vmem>>
        %dma_wait3A_132 = tpu.memref_squeeze %dma_wait3A_131 : memref<1x80xi32, #tpu.memory_space<vmem>> -> memref<80xi32, #tpu.memory_space<vmem>>
        %dma_wait3A_133 = arith.constant 0 : i32
        %dma_wait3A_134 = arith.constant 0 : i32
        %dma_wait3A_135 = tpu.memref_slice %arg14[%dma_wait3A_133, %dma_wait3A_134] : memref<10112x64xf32, #tpu.memory_space<vmem_shared>> -> memref<10112x64xf32, #tpu.memory_space<vmem_shared>>
        tpu.wait_indirect_dma semaphore(%run_scoped3A : memref<!tpu.dma_semaphore, #tpu.memory_space<semaphore_mem>>) src(%arg13 : memref<80x64xf32, #tpu.memory_space<vmem>>) dst(%dma_wait3A_135 : memref<10112x64xf32, #tpu.memory_space<vmem_shared>>)
        tpu.yield
      }) : () -> ()
      %add3A_117 = arith.constant 5 : i32
      %add3A_118 = arith.addi %add3A_110, %add3A_117 : i32
      %lt3A_119 = arith.constant 125 : i32
      %lt3A_120 = arith.cmpi slt, %add3A_118, %lt3A_119 : i32
      %convert_element_type3A_121 = arith.extui %lt3A_120 : i1 to i32
      %cond3A_122 = arith.constant 0 : i32
      %cond3A_123 = arith.cmpi ne, %convert_element_type3A_121, %cond3A_122 : i32
      scf.if %cond3A_123 {
        %add3A_124 = arith.constant 5 : i32
        %add3A_125 = arith.addi %add3A_110, %add3A_124 : i32
        %dma_start3A_126 = arith.constant 0 : i32
        %dma_start3A_127 = tpu.memref_slice %arg7[%add3A_125, %dma_start3A_126] : memref<125x80xi32, #tpu.memory_space<vmem>> -> memref<1x80xi32, #tpu.memory_space<vmem>>
        %dma_start3A_128 = tpu.memref_squeeze %dma_start3A_127 : memref<1x80xi32, #tpu.memory_space<vmem>> -> memref<80xi32, #tpu.memory_space<vmem>>
        %dma_start3A_129 = arith.constant 0 : i32
        %dma_start3A_130 = arith.constant 0 : i32
        %dma_start3A_131 = tpu.memref_slice %arg2[%dma_start3A_129, %dma_start3A_130] : memref<10112x64xf32, #tpu.memory_space<hbm>> -> memref<10112x64xf32, #tpu.memory_space<hbm>>
        tpu.enqueue_indirect_dma source(%dma_start3A_131 : memref<10112x64xf32, #tpu.memory_space<hbm>>) target(%arg13 : memref<80x64xf32, #tpu.memory_space<vmem>>) offsets(%dma_start3A_128 : memref<80xi32, #tpu.memory_space<vmem>>) semaphore(%arg19 : memref<!tpu.dma_semaphore, #tpu.memory_space<semaphore_mem>>)
      } else {
      }
    }
    %scan3A_40 = arith.constant 25 : i32
    %barrier3A_41 = arith.constant 0 : index
    tpu.barrier barrier_id(%barrier3A_41)
    %mul3A_42 = arith.constant 632 : i32
    %mul3A_43 = arith.muli %arg1, %mul3A_42 : i32
    %mul3A_44 = arith.constant 632 : i32
    %mul3A_45 = arith.muli %arg1, %mul3A_44 : i32
    "tpu.region"() ({
      %run_scoped3A = tpu.sem_alloc : memref<!tpu.dma_semaphore, #tpu.memory_space<semaphore_mem>>
      %dma_start3A_46 = arith.constant 0 : i32
      %dma_start3A_47 = tpu.memref_slice %arg6[%arg0, %mul3A_45, %dma_start3A_46] : memref<2x10112x64xf32, #tpu.memory_space<hbm>> -> memref<1x632x64xf32, #tpu.memory_space<hbm>>
      %dma_start3A_48 = tpu.memref_squeeze %dma_start3A_47 : memref<1x632x64xf32, #tpu.memory_space<hbm>> -> memref<632x64xf32, #tpu.memory_space<hbm>>
      %dma_start3A_49 = arith.constant 0 : i32
      %dma_start3A_50 = tpu.memref_slice %arg14[%mul3A_43, %dma_start3A_49] : memref<10112x64xf32, #tpu.memory_space<vmem_shared>> -> memref<632x64xf32, #tpu.memory_space<vmem_shared>>
      tpu.enqueue_dma source(%dma_start3A_50 : memref<632x64xf32, #tpu.memory_space<vmem_shared>>) target(%dma_start3A_48 : memref<632x64xf32, #tpu.memory_space<hbm>>) target_semaphore(%run_scoped3A : memref<!tpu.dma_semaphore, #tpu.memory_space<semaphore_mem>>)
      %dma_wait3A = arith.constant 0 : i32
      %dma_wait3A_51 = tpu.memref_slice %arg6[%arg0, %mul3A_45, %dma_wait3A] : memref<2x10112x64xf32, #tpu.memory_space<hbm>> -> memref<1x632x64xf32, #tpu.memory_space<hbm>>
      %dma_wait3A_52 = tpu.memref_squeeze %dma_wait3A_51 : memref<1x632x64xf32, #tpu.memory_space<hbm>> -> memref<632x64xf32, #tpu.memory_space<hbm>>
      %dma_wait3A_53 = arith.constant 0 : i32
      %dma_wait3A_54 = tpu.memref_slice %arg14[%mul3A_43, %dma_wait3A_53] : memref<10112x64xf32, #tpu.memory_space<vmem_shared>> -> memref<632x64xf32, #tpu.memory_space<vmem_shared>>
      tpu.wait_dma2 semaphore(%run_scoped3A : memref<!tpu.dma_semaphore, #tpu.memory_space<semaphore_mem>>) src(%dma_wait3A_54 : memref<632x64xf32, #tpu.memory_space<vmem_shared>>) dst(%dma_wait3A_52 : memref<632x64xf32, #tpu.memory_space<hbm>>)
      tpu.yield
    }) : () -> ()
    return
  }
}

module attributes {stable_mosaic.version = 14 : i64} {
  func.func @_first_body(%arg0: i32, %arg1: memref<2x10112x16xf32, #tpu.memory_space<vmem>>, %arg2: memref<10112x128xf32, #tpu.memory_space<vmem>>, %arg3: memref<128x64xf32, #tpu.memory_space<vmem>>, %arg4: memref<10112x1xf32, #tpu.memory_space<vmem>>, %arg5: memref<10112x64xf32, #tpu.memory_space<vmem>>) attributes {dimension_semantics = [#tpu.dimension_semantics<arbitrary>], iteration_bounds = array<i64: 1>, scalar_prefetch = 0 : i64, scratch_operands = 0 : i64, tpu.core_type = #tpu.core_type<tc>, window_params = [{transform_indices = @transform_0, window_bounds = array<i64: 2, 10112, 16>}, {transform_indices = @transform_1, window_bounds = array<i64: 10112, 128>}, {pipeline_mode = #tpu.pipeline_mode<synchronous>, transform_indices = @transform_2, window_bounds = array<i64: 128, 64>}, {transform_indices = @transform_3, window_bounds = array<i64: 10112, 1>}, {transform_indices = @transform_4, window_bounds = array<i64: 10112, 64>}]} {
    %get3A = arith.constant 0 : index
    %get3A_0 = arith.constant 0 : index
    %get3A_1 = arith.constant 0 : index
    %get3A_2 = vector.load %arg1[%get3A, %get3A_0, %get3A_1] : memref<2x10112x16xf32, #tpu.memory_space<vmem>>, vector<1x10112x1xf32>
    %get3A_3 = vector.shape_cast %get3A_2 : vector<1x10112x1xf32> to vector<10112x1xf32>
    %get3A_4 = arith.constant 1 : index
    %get3A_5 = arith.constant 0 : index
    %get3A_6 = arith.constant 0 : index
    %get3A_7 = vector.load %arg1[%get3A_4, %get3A_5, %get3A_6] : memref<2x10112x16xf32, #tpu.memory_space<vmem>>, vector<1x10112x1xf32>
    %get3A_8 = vector.shape_cast %get3A_7 : vector<1x10112x1xf32> to vector<10112x1xf32>
    %add3A = arith.addf %get3A_3, %get3A_8 : vector<10112x1xf32>
    %add3A_9 = arith.constant 1.000000e+00 : f32
    %add3A_10 = vector.broadcast %add3A_9 : f32 to vector<10112x1xf32>
    %add3A_11 = arith.addf %add3A, %add3A_10 : vector<10112x1xf32>
    %rsqrt3A = math.rsqrt %add3A_11 : vector<10112x1xf32>
    %get3A_12 = arith.constant 0 : index
    %get3A_13 = arith.constant 0 : index
    %get3A_14 = vector.load %arg2[%get3A_12, %get3A_13] : memref<10112x128xf32, #tpu.memory_space<vmem>>, vector<10112x128xf32>
    %get3A_15 = arith.constant 0 : index
    %get3A_16 = arith.constant 0 : index
    %get3A_17 = vector.load %arg3[%get3A_15, %get3A_16] : memref<128x64xf32, #tpu.memory_space<vmem>>, vector<128x64xf32>
    %dot_general3A = arith.constant dense<0.000000e+00> : vector<10112x64xf32>
    %dot_general3A_18 = tpu.matmul %get3A_14, %get3A_17, %dot_general3A {dimension_numbers = #tpu.dot_dimension_numbers<[1], [0], [0], [1], [0, 0, 1, 1], [], []>, transpose_lhs_hint = false} : vector<10112x128xf32>, vector<128x64xf32>, vector<10112x64xf32> -> vector<10112x64xf32>
    %swap3A = arith.constant 0 : index
    %swap3A_19 = arith.constant 0 : index
    %swap3A_20 = vector.load %arg4[%swap3A, %swap3A_19] : memref<10112x1xf32, #tpu.memory_space<vmem>>, vector<10112x1xf32>
    tpu.vector_store %arg4[%swap3A, %swap3A_19], %rsqrt3A {strides = array<i32>} : memref<10112x1xf32, #tpu.memory_space<vmem>>, vector<10112x1xf32>,
    %mul3A = vector.broadcast %rsqrt3A : vector<10112x1xf32> to vector<10112x64xf32>
    %mul3A_21 = arith.mulf %mul3A, %dot_general3A_18 : vector<10112x64xf32>
    %swap3A_22 = arith.constant 0 : index
    %swap3A_23 = arith.constant 0 : index
    %swap3A_24 = vector.load %arg5[%swap3A_22, %swap3A_23] : memref<10112x64xf32, #tpu.memory_space<vmem>>, vector<10112x64xf32>
    tpu.vector_store %arg5[%swap3A_22, %swap3A_23], %mul3A_21 {strides = array<i32>} : memref<10112x64xf32, #tpu.memory_space<vmem>>, vector<10112x64xf32>,
    return
  }
  func.func @transform_0(%arg0: i32) -> (i32, i32, i32) {
    %c0_i32 = arith.constant 0 : i32
    %c0_i32_0 = arith.constant 0 : i32
    %c0_i32_1 = arith.constant 0 : i32
    return %c0_i32, %arg0, %c0_i32_0 : i32, i32, i32
  }
  func.func @transform_1(%arg0: i32) -> (i32, i32) {
    %c0_i32 = arith.constant 0 : i32
    %c0_i32_0 = arith.constant 0 : i32
    return %arg0, %c0_i32 : i32, i32
  }
  func.func @transform_2(%arg0: i32) -> (i32, i32) {
    %c0_i32 = arith.constant 0 : i32
    %c0_i32_0 = arith.constant 0 : i32
    %c0_i32_1 = arith.constant 0 : i32
    return %c0_i32, %c0_i32_0 : i32, i32
  }
  func.func @transform_3(%arg0: i32) -> (i32, i32) {
    %c0_i32 = arith.constant 0 : i32
    %c0_i32_0 = arith.constant 0 : i32
    return %arg0, %c0_i32 : i32, i32
  }
  func.func @transform_4(%arg0: i32) -> (i32, i32) {
    %c0_i32 = arith.constant 0 : i32
    %c0_i32_0 = arith.constant 0 : i32
    return %arg0, %c0_i32 : i32, i32
  }
}

module attributes {stable_mosaic.version = 14 : i64} {
  func.func @_mid_body(%arg0: i32, %arg1: memref<2x10112x64xf32, #tpu.memory_space<vmem>>, %arg2: memref<10112x64xf32, #tpu.memory_space<vmem>>, %arg3: memref<10112x1xf32, #tpu.memory_space<vmem>>, %arg4: memref<1x64xf32, #tpu.memory_space<vmem>>, %arg5: memref<64x64xf32, #tpu.memory_space<vmem>>, %arg6: memref<10112x64xf32, #tpu.memory_space<vmem>>) attributes {dimension_semantics = [#tpu.dimension_semantics<arbitrary>], iteration_bounds = array<i64: 1>, scalar_prefetch = 0 : i64, scratch_operands = 0 : i64, tpu.core_type = #tpu.core_type<tc>, window_params = [{transform_indices = @transform_0, window_bounds = array<i64: 2, 10112, 64>}, {transform_indices = @transform_1, window_bounds = array<i64: 10112, 64>}, {transform_indices = @transform_2, window_bounds = array<i64: 10112, 1>}, {pipeline_mode = #tpu.pipeline_mode<synchronous>, transform_indices = @transform_3, window_bounds = array<i64: 1, 64>}, {pipeline_mode = #tpu.pipeline_mode<synchronous>, transform_indices = @transform_4, window_bounds = array<i64: 64, 64>}, {transform_indices = @transform_5, window_bounds = array<i64: 10112, 64>}]} {
    %get3A = arith.constant 0 : index
    %get3A_0 = arith.constant 0 : index
    %get3A_1 = arith.constant 0 : index
    %get3A_2 = vector.load %arg1[%get3A, %get3A_0, %get3A_1] : memref<2x10112x64xf32, #tpu.memory_space<vmem>>, vector<1x10112x64xf32>
    %get3A_3 = vector.shape_cast %get3A_2 : vector<1x10112x64xf32> to vector<10112x64xf32>
    %get3A_4 = arith.constant 1 : index
    %get3A_5 = arith.constant 0 : index
    %get3A_6 = arith.constant 0 : index
    %get3A_7 = vector.load %arg1[%get3A_4, %get3A_5, %get3A_6] : memref<2x10112x64xf32, #tpu.memory_space<vmem>>, vector<1x10112x64xf32>
    %get3A_8 = vector.shape_cast %get3A_7 : vector<1x10112x64xf32> to vector<10112x64xf32>
    %add3A = arith.addf %get3A_3, %get3A_8 : vector<10112x64xf32>
    %get3A_9 = arith.constant 0 : index
    %get3A_10 = arith.constant 0 : index
    %get3A_11 = vector.load %arg3[%get3A_9, %get3A_10] : memref<10112x1xf32, #tpu.memory_space<vmem>>, vector<10112x1xf32>
    %get3A_12 = arith.constant 0 : index
    %get3A_13 = arith.constant 0 : index
    %get3A_14 = vector.load %arg2[%get3A_12, %get3A_13] : memref<10112x64xf32, #tpu.memory_space<vmem>>, vector<10112x64xf32>
    %add3A_15 = arith.addf %add3A, %get3A_14 : vector<10112x64xf32>
    %mul3A = vector.broadcast %get3A_11 : vector<10112x1xf32> to vector<10112x64xf32>
    %mul3A_16 = arith.mulf %mul3A, %add3A_15 : vector<10112x64xf32>
    %get3A_17 = arith.constant 0 : index
    %get3A_18 = arith.constant 0 : index
    %get3A_19 = vector.load %arg4[%get3A_17, %get3A_18] : memref<1x64xf32, #tpu.memory_space<vmem>>, vector<1x64xf32>
    %add3A_20 = vector.broadcast %get3A_19 : vector<1x64xf32> to vector<10112x64xf32>
    %add3A_21 = arith.addf %mul3A_16, %add3A_20 : vector<10112x64xf32>
    %max3A = arith.constant 0.000000e+00 : f32
    %max3A_22 = vector.broadcast %max3A : f32 to vector<10112x64xf32>
    %max3A_23 = arith.maximumf %add3A_21, %max3A_22 : vector<10112x64xf32>
    %get3A_24 = arith.constant 0 : index
    %get3A_25 = arith.constant 0 : index
    %get3A_26 = vector.load %arg3[%get3A_24, %get3A_25] : memref<10112x1xf32, #tpu.memory_space<vmem>>, vector<10112x1xf32>
    %get3A_27 = arith.constant 0 : index
    %get3A_28 = arith.constant 0 : index
    %get3A_29 = vector.load %arg5[%get3A_27, %get3A_28] : memref<64x64xf32, #tpu.memory_space<vmem>>, vector<64x64xf32>
    %dot_general3A = arith.constant dense<0.000000e+00> : vector<10112x64xf32>
    %dot_general3A_30 = tpu.matmul %max3A_23, %get3A_29, %dot_general3A {dimension_numbers = #tpu.dot_dimension_numbers<[1], [0], [0], [1], [0, 0, 1, 1], [], []>, transpose_lhs_hint = false} : vector<10112x64xf32>, vector<64x64xf32>, vector<10112x64xf32> -> vector<10112x64xf32>
    %mul3A_31 = vector.broadcast %get3A_26 : vector<10112x1xf32> to vector<10112x64xf32>
    %mul3A_32 = arith.mulf %mul3A_31, %dot_general3A_30 : vector<10112x64xf32>
    %swap3A = arith.constant 0 : index
    %swap3A_33 = arith.constant 0 : index
    %swap3A_34 = vector.load %arg6[%swap3A, %swap3A_33] : memref<10112x64xf32, #tpu.memory_space<vmem>>, vector<10112x64xf32>
    tpu.vector_store %arg6[%swap3A, %swap3A_33], %mul3A_32 {strides = array<i32>} : memref<10112x64xf32, #tpu.memory_space<vmem>>, vector<10112x64xf32>,
    return
  }
  func.func @transform_0(%arg0: i32) -> (i32, i32, i32) {
    %c0_i32 = arith.constant 0 : i32
    %c0_i32_0 = arith.constant 0 : i32
    %c0_i32_1 = arith.constant 0 : i32
    return %c0_i32, %arg0, %c0_i32_0 : i32, i32, i32
  }
  func.func @transform_1(%arg0: i32) -> (i32, i32) {
    %c0_i32 = arith.constant 0 : i32
    %c0_i32_0 = arith.constant 0 : i32
    return %arg0, %c0_i32 : i32, i32
  }
  func.func @transform_2(%arg0: i32) -> (i32, i32) {
    %c0_i32 = arith.constant 0 : i32
    %c0_i32_0 = arith.constant 0 : i32
    return %arg0, %c0_i32 : i32, i32
  }
  func.func @transform_3(%arg0: i32) -> (i32, i32) {
    %c0_i32 = arith.constant 0 : i32
    %c0_i32_0 = arith.constant 0 : i32
    %c0_i32_1 = arith.constant 0 : i32
    return %c0_i32, %c0_i32_0 : i32, i32
  }
  func.func @transform_4(%arg0: i32) -> (i32, i32) {
    %c0_i32 = arith.constant 0 : i32
    %c0_i32_0 = arith.constant 0 : i32
    %c0_i32_1 = arith.constant 0 : i32
    return %c0_i32, %c0_i32_0 : i32, i32
  }
  func.func @transform_5(%arg0: i32) -> (i32, i32) {
    %c0_i32 = arith.constant 0 : i32
    %c0_i32_0 = arith.constant 0 : i32
    return %arg0, %c0_i32 : i32, i32
  }
}

module attributes {stable_mosaic.version = 14 : i64} {
  func.func @_pool_body(%arg0: i32, %arg1: memref<2x10112x64xf32, #tpu.memory_space<vmem>>, %arg2: memref<10112x64xf32, #tpu.memory_space<vmem>>, %arg3: memref<10112x1xf32, #tpu.memory_space<vmem>>, %arg4: memref<1x64xf32, #tpu.memory_space<vmem>>, %arg5: memref<10112x1xi32, #tpu.memory_space<vmem>>, %arg6: memref<64x40xf32, #tpu.memory_space<vmem>>, %arg7: memref<1x40xf32, #tpu.memory_space<vmem>>, %arg8: memref<64x40xf32, #tpu.memory_space<vmem>>, %arg9: memref<64x64xf32, #tpu.memory_space<vmem>>, %arg10: memref<64x1xf32, #tpu.memory_space<vmem>>) attributes {dimension_semantics = [#tpu.dimension_semantics<arbitrary>], iteration_bounds = array<i64: 1>, scalar_prefetch = 0 : i64, scratch_operands = 2 : i64, tpu.core_type = #tpu.core_type<tc>, window_params = [{transform_indices = @transform_0, window_bounds = array<i64: 2, 10112, 64>}, {transform_indices = @transform_1, window_bounds = array<i64: 10112, 64>}, {transform_indices = @transform_2, window_bounds = array<i64: 10112, 1>}, {pipeline_mode = #tpu.pipeline_mode<synchronous>, transform_indices = @transform_3, window_bounds = array<i64: 1, 64>}, {transform_indices = @transform_4, window_bounds = array<i64: 10112, 1>}, {pipeline_mode = #tpu.pipeline_mode<synchronous>, transform_indices = @transform_5, window_bounds = array<i64: 64, 40>}, {pipeline_mode = #tpu.pipeline_mode<synchronous>, transform_indices = @transform_6, window_bounds = array<i64: 1, 40>}, {pipeline_mode = #tpu.pipeline_mode<synchronous>, transform_indices = @transform_7, window_bounds = array<i64: 64, 40>}]} {
    %eq3A = arith.constant 0 : i32
    %eq3A_0 = arith.cmpi eq, %arg0, %eq3A : i32
    %convert_element_type3A = arith.extui %eq3A_0 : i1 to i32
    %cond3A = arith.constant 0 : i32
    %cond3A_1 = arith.cmpi ne, %convert_element_type3A, %cond3A : i32
    scf.if %cond3A_1 {
      %broadcast_in_dim3A_55 = arith.constant 0.000000e+00 : f32
      %broadcast_in_dim3A_56 = vector.broadcast %broadcast_in_dim3A_55 : f32 to vector<64x64xf32>
      %swap3A_57 = arith.constant 0 : index
      %swap3A_58 = arith.constant 0 : index
      %swap3A_59 = vector.load %arg9[%swap3A_57, %swap3A_58] : memref<64x64xf32, #tpu.memory_space<vmem>>, vector<64x64xf32>
      tpu.vector_store %arg9[%swap3A_57, %swap3A_58], %broadcast_in_dim3A_56 {strides = array<i32>} : memref<64x64xf32, #tpu.memory_space<vmem>>, vector<64x64xf32>,
      %broadcast_in_dim3A_60 = arith.constant 0.000000e+00 : f32
      %broadcast_in_dim3A_61 = vector.broadcast %broadcast_in_dim3A_60 : f32 to vector<64x1xf32>
      %swap3A_62 = arith.constant 0 : index
      %swap3A_63 = arith.constant 0 : index
      %swap3A_64 = vector.load %arg10[%swap3A_62, %swap3A_63] : memref<64x1xf32, #tpu.memory_space<vmem>>, vector<64x1xf32>
      tpu.vector_store %arg10[%swap3A_62, %swap3A_63], %broadcast_in_dim3A_61 {strides = array<i32>} : memref<64x1xf32, #tpu.memory_space<vmem>>, vector<64x1xf32>,
    } else {
    }
    %get3A = arith.constant 0 : index
    %get3A_2 = arith.constant 0 : index
    %get3A_3 = vector.load %arg3[%get3A, %get3A_2] : memref<10112x1xf32, #tpu.memory_space<vmem>>, vector<10112x1xf32>
    %get3A_4 = arith.constant 0 : index
    %get3A_5 = arith.constant 0 : index
    %get3A_6 = arith.constant 0 : index
    %get3A_7 = vector.load %arg1[%get3A_4, %get3A_5, %get3A_6] : memref<2x10112x64xf32, #tpu.memory_space<vmem>>, vector<1x10112x64xf32>
    %get3A_8 = vector.shape_cast %get3A_7 : vector<1x10112x64xf32> to vector<10112x64xf32>
    %get3A_9 = arith.constant 1 : index
    %get3A_10 = arith.constant 0 : index
    %get3A_11 = arith.constant 0 : index
    %get3A_12 = vector.load %arg1[%get3A_9, %get3A_10, %get3A_11] : memref<2x10112x64xf32, #tpu.memory_space<vmem>>, vector<1x10112x64xf32>
    %get3A_13 = vector.shape_cast %get3A_12 : vector<1x10112x64xf32> to vector<10112x64xf32>
    %add3A = arith.addf %get3A_8, %get3A_13 : vector<10112x64xf32>
    %get3A_14 = arith.constant 0 : index
    %get3A_15 = arith.constant 0 : index
    %get3A_16 = vector.load %arg2[%get3A_14, %get3A_15] : memref<10112x64xf32, #tpu.memory_space<vmem>>, vector<10112x64xf32>
    %add3A_17 = arith.addf %add3A, %get3A_16 : vector<10112x64xf32>
    %mul3A = vector.broadcast %get3A_3 : vector<10112x1xf32> to vector<10112x64xf32>
    %mul3A_18 = arith.mulf %mul3A, %add3A_17 : vector<10112x64xf32>
    %get3A_19 = arith.constant 0 : index
    %get3A_20 = arith.constant 0 : index
    %get3A_21 = vector.load %arg4[%get3A_19, %get3A_20] : memref<1x64xf32, #tpu.memory_space<vmem>>, vector<1x64xf32>
    %add3A_22 = vector.broadcast %get3A_21 : vector<1x64xf32> to vector<10112x64xf32>
    %add3A_23 = arith.addf %mul3A_18, %add3A_22 : vector<10112x64xf32>
    %max3A = arith.constant 0.000000e+00 : f32
    %max3A_24 = vector.broadcast %max3A : f32 to vector<10112x64xf32>
    %max3A_25 = arith.maximumf %add3A_23, %max3A_24 : vector<10112x64xf32>
    %iota3A = tpu.iota {dimensions = array<i32: 1>} : vector<10112x64xi32>
    %get3A_26 = arith.constant 0 : index
    %get3A_27 = arith.constant 0 : index
    %get3A_28 = vector.load %arg5[%get3A_26, %get3A_27] : memref<10112x1xi32, #tpu.memory_space<vmem>>, vector<10112x1xi32>
    %eq3A_29 = vector.broadcast %get3A_28 : vector<10112x1xi32> to vector<10112x64xi32>
    %eq3A_30 = arith.cmpi eq, %iota3A, %eq3A_29 : vector<10112x64xi32>
    %convert_element_type3A_31 = arith.extui %eq3A_30 : vector<10112x64xi1> to vector<10112x64xi32>
    %convert_element_type3A_32 = arith.sitofp %convert_element_type3A_31 : vector<10112x64xi32> to vector<10112x64xf32>
    %get3A_33 = arith.constant 0 : index
    %get3A_34 = arith.constant 0 : index
    %get3A_35 = vector.load %arg9[%get3A_33, %get3A_34] : memref<64x64xf32, #tpu.memory_space<vmem>>, vector<64x64xf32>
    %dot_general3A = arith.constant dense<0.000000e+00> : vector<64x64xf32>
    %dot_general3A_36 = tpu.matmul %convert_element_type3A_32, %max3A_25, %dot_general3A {dimension_numbers = #tpu.dot_dimension_numbers<[0], [0], [1], [1], [0, 1, 1, 1], [], []>, transpose_lhs_hint = false} : vector<10112x64xf32>, vector<10112x64xf32>, vector<64x64xf32> -> vector<64x64xf32>
    %add3A_37 = arith.addf %get3A_35, %dot_general3A_36 : vector<64x64xf32>
    %swap3A = arith.constant 0 : index
    %swap3A_38 = arith.constant 0 : index
    %swap3A_39 = vector.load %arg9[%swap3A, %swap3A_38] : memref<64x64xf32, #tpu.memory_space<vmem>>, vector<64x64xf32>
    tpu.vector_store %arg9[%swap3A, %swap3A_38], %add3A_37 {strides = array<i32>} : memref<64x64xf32, #tpu.memory_space<vmem>>, vector<64x64xf32>,
    %get3A_40 = arith.constant 0 : index
    %get3A_41 = arith.constant 0 : index
    %get3A_42 = vector.load %arg10[%get3A_40, %get3A_41] : memref<64x1xf32, #tpu.memory_space<vmem>>, vector<64x1xf32>
    %broadcast_in_dim3A = arith.constant 1.000000e+00 : f32
    %broadcast_in_dim3A_43 = vector.broadcast %broadcast_in_dim3A : f32 to vector<10112x1xf32>
    %dot_general3A_44 = arith.constant dense<0.000000e+00> : vector<64x1xf32>
    %dot_general3A_45 = tpu.matmul %convert_element_type3A_32, %broadcast_in_dim3A_43, %dot_general3A_44 {dimension_numbers = #tpu.dot_dimension_numbers<[0], [0], [1], [1], [0, 1, 1, 1], [], []>, transpose_lhs_hint = false} : vector<10112x64xf32>, vector<10112x1xf32>, vector<64x1xf32> -> vector<64x1xf32>
    %add3A_46 = arith.addf %get3A_42, %dot_general3A_45 : vector<64x1xf32>
    %swap3A_47 = arith.constant 0 : index
    %swap3A_48 = arith.constant 0 : index
    %swap3A_49 = vector.load %arg10[%swap3A_47, %swap3A_48] : memref<64x1xf32, #tpu.memory_space<vmem>>, vector<64x1xf32>
    tpu.vector_store %arg10[%swap3A_47, %swap3A_48], %add3A_46 {strides = array<i32>} : memref<64x1xf32, #tpu.memory_space<vmem>>, vector<64x1xf32>,
    %eq3A_50 = arith.constant 0 : i32
    %eq3A_51 = arith.cmpi eq, %arg0, %eq3A_50 : i32
    %convert_element_type3A_52 = arith.extui %eq3A_51 : i1 to i32
    %cond3A_53 = arith.constant 0 : i32
    %cond3A_54 = arith.cmpi ne, %convert_element_type3A_52, %cond3A_53 : i32
    scf.if %cond3A_54 {
      %get3A_55 = arith.constant 0 : index
      %get3A_56 = arith.constant 0 : index
      %get3A_57 = vector.load %arg9[%get3A_55, %get3A_56] : memref<64x64xf32, #tpu.memory_space<vmem>>, vector<64x64xf32>
      %get3A_58 = arith.constant 0 : index
      %get3A_59 = arith.constant 0 : index
      %get3A_60 = vector.load %arg10[%get3A_58, %get3A_59] : memref<64x1xf32, #tpu.memory_space<vmem>>, vector<64x1xf32>
      %max3A_61 = arith.constant 1.000000e+00 : f32
      %max3A_62 = vector.broadcast %max3A_61 : f32 to vector<64x1xf32>
      %max3A_63 = arith.maximumf %get3A_60, %max3A_62 : vector<64x1xf32>
      %div3A = vector.broadcast %max3A_63 : vector<64x1xf32> to vector<64x64xf32>
      %div3A_64 = arith.divf %get3A_57, %div3A : vector<64x64xf32>
      %get3A_65 = arith.constant 0 : index
      %get3A_66 = arith.constant 0 : index
      %get3A_67 = vector.load %arg6[%get3A_65, %get3A_66] : memref<64x40xf32, #tpu.memory_space<vmem>>, vector<64x40xf32>
      %dot_general3A_68 = arith.constant dense<0.000000e+00> : vector<64x40xf32>
      %dot_general3A_69 = tpu.matmul %div3A_64, %get3A_67, %dot_general3A_68 {dimension_numbers = #tpu.dot_dimension_numbers<[1], [0], [0], [1], [0, 0, 1, 1], [], []>, transpose_lhs_hint = false} : vector<64x64xf32>, vector<64x40xf32>, vector<64x40xf32> -> vector<64x40xf32>
      %get3A_70 = arith.constant 0 : index
      %get3A_71 = arith.constant 0 : index
      %get3A_72 = vector.load %arg7[%get3A_70, %get3A_71] : memref<1x40xf32, #tpu.memory_space<vmem>>, vector<1x40xf32>
      %add3A_73 = vector.broadcast %get3A_72 : vector<1x40xf32> to vector<64x40xf32>
      %add3A_74 = arith.addf %dot_general3A_69, %add3A_73 : vector<64x40xf32>
      %swap3A_75 = arith.constant 0 : index
      %swap3A_76 = arith.constant 0 : index
      %swap3A_77 = vector.load %arg8[%swap3A_75, %swap3A_76] : memref<64x40xf32, #tpu.memory_space<vmem>>, vector<64x40xf32>
      tpu.vector_store %arg8[%swap3A_75, %swap3A_76], %add3A_74 {strides = array<i32>} : memref<64x40xf32, #tpu.memory_space<vmem>>, vector<64x40xf32>,
    } else {
    }
    return
  }
  func.func @transform_0(%arg0: i32) -> (i32, i32, i32) {
    %c0_i32 = arith.constant 0 : i32
    %c0_i32_0 = arith.constant 0 : i32
    %c0_i32_1 = arith.constant 0 : i32
    return %c0_i32, %arg0, %c0_i32_0 : i32, i32, i32
  }
  func.func @transform_1(%arg0: i32) -> (i32, i32) {
    %c0_i32 = arith.constant 0 : i32
    %c0_i32_0 = arith.constant 0 : i32
    return %arg0, %c0_i32 : i32, i32
  }
  func.func @transform_2(%arg0: i32) -> (i32, i32) {
    %c0_i32 = arith.constant 0 : i32
    %c0_i32_0 = arith.constant 0 : i32
    return %arg0, %c0_i32 : i32, i32
  }
  func.func @transform_3(%arg0: i32) -> (i32, i32) {
    %c0_i32 = arith.constant 0 : i32
    %c0_i32_0 = arith.constant 0 : i32
    %c0_i32_1 = arith.constant 0 : i32
    return %c0_i32, %c0_i32_0 : i32, i32
  }
  func.func @transform_4(%arg0: i32) -> (i32, i32) {
    %c0_i32 = arith.constant 0 : i32
    %c0_i32_0 = arith.constant 0 : i32
    return %arg0, %c0_i32 : i32, i32
  }
  func.func @transform_5(%arg0: i32) -> (i32, i32) {
    %c0_i32 = arith.constant 0 : i32
    %c0_i32_0 = arith.constant 0 : i32
    %c0_i32_1 = arith.constant 0 : i32
    return %c0_i32, %c0_i32_0 : i32, i32
  }
  func.func @transform_6(%arg0: i32) -> (i32, i32) {
    %c0_i32 = arith.constant 0 : i32
    %c0_i32_0 = arith.constant 0 : i32
    %c0_i32_1 = arith.constant 0 : i32
    return %c0_i32, %c0_i32_0 : i32, i32
  }
  func.func @transform_7(%arg0: i32) -> (i32, i32) {
    %c0_i32 = arith.constant 0 : i32
    %c0_i32_0 = arith.constant 0 : i32
    %c0_i32_1 = arith.constant 0 : i32
    return %c0_i32, %c0_i32_0 : i32, i32
  }
}

</mosaic_0001>

<sc_bundles>
// kernel: kernel.10.cloned.1.call-start
scs
__scs_entry_jumppad:
0x0: {  	(pc) =	sbr.rel $0x88, $3  }
0x1: {  	(tag) =	ssettag $0x0;
	lr =	simm.s32 $0x1  }
0x2: {  	[smem:$0x3F96] =	sst lr;
	_ =	strace $0xD0000000  }
0x3: {  	_ = 	snop  }
0x4: {  	_ = 	snop  }
0x5: {  	_ = 	snop  }
0x6: {  	_ = 	snop  }
0x7: {  	_ = 	snop  }
__scs_overlays_trampoline_lowered:
0x8: {  	[smem:$0x3FA5] =	sst s0  }
0x9: {  	[smem:$0x3FA6] =	sst s1  }
0xa: {  	[smem:$0x3FA7] =	sst s2  }
0xb: {  	[smem:$0x3FA8] =	sst s3  }
0xc: {  	[smem:$0x3FA9] =	sst s4  }
0xd: {  	[smem:$0x3FAA] =	sst s5  }
0xe: {  	[smem:$0x3FAB] =	sst s6  }
0xf: {  	[smem:$0x3FAC] =	sst s7  }
0x10: {  	[smem:$0x3FAD] =	sst s8  }
0x11: {  	[smem:$0x3FAE] =	sst s9;
	s0 =	simm.s32 @!p0 $0x0  }
0x12: {  	s1 =	sld [smem:$0x3F94];
	s0 =	simm.s32 @p0 $0x1  }
0x13: {  	[smem:$0x3FAF] =	sst s0;
	s0 =	simm.s32 @!p1 $0x0  }
0x14: {  	s2 =	sld [smem:$0x3F93];
	s0 =	simm.s32 @p1 $0x1  }
0x15: {  	[smem:$0x3FB0] =	sst s0;
	s0 =	simm.s32 @!p2 $0x0  }
0x16: {  	s3 =	sld [smem:$0x3FDB];
	s0 =	simm.s32 @p2 $0x1  }
0x17: {  	s4 =	simm.s32 $0x1BF5;
	[smem:$0x3FB2] =	sst s0  }
0x18: {  	s0 =	sld [smem:$0x3F95];
	_ =	swait.ge [sflag:s4], $0x0  }
0x19: {  	s7 =	sld [smem:$0x3F96]  }
0x1a: {  	s8 =	sadd.s32 $0xFFFFE003, lr  }
0x1b: {  	s9 =	sadd.s32 $0xFFFFFEF7, lr;
	s5 =	simm.s32 $0xFFFFFFFF;
	p2 =	slt.u32 s8, $0xFFFFF086  }
0x1c: {  	p1 =	slt.u32 s9, $0xF7A;
	s5 =	simm.s32 @!p2 $0x0  }
0x1d: {  	s5 =	simm.s32 @p1 $0x1;
	p0 =	seq.s32 s7, s2  }
0x1e: {  	s7 =	smul.u32 @!p0 $0xF7A, s2;
	p2 =	seq.s32 @!p0 s5, $0x0  }
0x1f: {  	s9 =	smul.u32 $0xF7A, s1;
	s8 =	simm.s32 @!p0 $0x1BF5;
	p2 =	por !p2, p0  }
0x20: {  	[sflag:s8] =	ssyncset.s32 @!p0 $0xFFFFF086;
	s6 =	sadd.s32 @!p0 s3, s7;
	s7 =	simm.s32 @!p0 $0x108  }
0x21: {  	s3 =	sadd.s32 s3, s9;
	s6 =	sadd.s32 @!p0 $0x88, s6;
	s7 =	simm.s32 @p2 $0x1082  }
0x22: {  	[simem:s7], [sflag:s8] =	dma.local @!p0 [hbm:s6], $0xF7A  }
0x23: {  	s9 =	sor.u32 $0xD0000000, s2;
	s6 =	simm.s32 $0x108;
	_ =	swait.ge @!p0 [sflag:s8], $0x0  }
0x24: {  	s3 =	sadd.s32 $0x88, s3;
	s6 =	simm.s32 @!p1 $0x1082;
	[sflag:s4] =	ssyncset.s32 $0xFFFFF086  }
0x25: {  	[simem:s6], [sflag:s4] =	dma.local [hbm:s3], $0xF7A  }
0x26: {  	[smem:$0x3F96] =	sst s1;
	(tag) =	ssettag s2;
	_ =	strace s9  }
0x27: {  	s1 =	sld [smem:$0x3FA6]  }
0x28: {  	s2 =	sld [smem:$0x3FA7]  }
0x29: {  	s4 =	sld [smem:$0x3FA9]  }
0x2a: {  	p0 =	seq.s32 s5, $0x0;
	s5 =	sld [smem:$0x3FAA]  }
0x2b: {  	s6 =	sld [smem:$0x3FAB]  }
0x2c: {  	s7 =	sld [smem:$0x3FAC]  }
0x2d: {  	s3 =	simm.s32 $0x108;
	s8 =	sld [smem:$0x3FAD]  }
0x2e: {  	s3 =	simm.s32 @!p0 $0x1082;
	s9 =	sld [smem:$0x3FAE]  }
0x2f: {  	lr =	sadd.s32 s0, s3;
	s0 =	sld [smem:$0x3FA5]  }
0x30: {  	s3 =	sld [smem:$0x3FA8]  }
0x31: {  	[smem:$0x3FB1] =	sst s10  }
0x32: {  	s10 =	sld [smem:$0x3FAF];
	_ =	sdelay $0x3  }
0x33: {  	p0 =	seq.s32 s10, $0x1;
	s10 =	sld [smem:$0x3FB1];
	_ =	sdelay $0x3  }
0x34: {  	[smem:$0x3FB1] =	sst s10  }
0x35: {  	s10 =	sld [smem:$0x3FB0];
	_ =	sdelay $0x3  }
0x36: {  	p1 =	seq.s32 s10, $0x1;
	s10 =	sld [smem:$0x3FB1];
	_ =	sdelay $0x3  }
0x37: {  	[smem:$0x3FB1] =	sst s10  }
0x38: {  	s10 =	sld [smem:$0x3FB2]  }
0x39: {  	_ = 	snop;
	(pc) =	sbr.ind lr, $3  }
0x3a: {  	_ = 	snop  }
0x3b: {  	_ = 	snop  }
0x3c: {  	p2 =	seq.s32 s10, $0x1;
	s10 =	sld [smem:$0x3FB1]  }
0x3d: {  	_ =	shalt  }
0x3e: {  	_ =	shalt  }
0x3f: {  	_ =	shalt  }
0x40: {  	_ =	shalt  }
0x41: {  	_ =	shalt  }
0x42: {  	_ =	shalt  }
0x43: {  	_ =	shalt  }
0x44: {  	_ =	shalt  }
0x45: {  	_ =	shalt  }
0x46: {  	_ =	shalt  }
0x47: {  	_ =	shalt  }
0x48: {  	_ =	shalt  }
0x49: {  	_ =	shalt  }
0x4a: {  	_ =	shalt  }
0x4b: {  	_ =	shalt  }
0x4c: {  	_ =	shalt  }
0x4d: {  	_ =	shalt  }
0x4e: {  	_ =	shalt  }
0x4f: {  	_ =	shalt  }
0x50: {  	_ =	shalt  }
0x51: {  	_ =	shalt  }
0x52: {  	_ =	shalt  }
0x53: {  	_ =	shalt  }
0x54: {  	_ =	shalt  }
0x55: {  	_ =	shalt  }
0x56: {  	_ =	shalt  }
0x57: {  	_ =	shalt  }
0x58: {  	_ =	shalt  }
0x59: {  	_ =	shalt  }
0x5a: {  	_ =	shalt  }
0x5b: {  	_ =	shalt  }
0x5c: {  	_ =	shalt  }
0x5d: {  	_ =	shalt  }
0x5e: {  	_ =	shalt  }
0x5f: {  	_ =	shalt  }
0x60: {  	_ =	shalt  }
0x61: {  	_ =	shalt  }
0x62: {  	_ =	shalt  }
0x63: {  	_ =	shalt  }
0x64: {  	_ =	shalt  }
0x65: {  	_ =	shalt  }
0x66: {  	_ =	shalt  }
0x67: {  	_ =	shalt  }
0x68: {  	_ =	shalt  }
0x69: {  	_ =	shalt  }
0x6a: {  	_ =	shalt  }
0x6b: {  	_ =	shalt  }
0x6c: {  	_ =	shalt  }
0x6d: {  	_ =	shalt  }
0x6e: {  	_ =	shalt  }
0x6f: {  	_ =	shalt  }
0x70: {  	_ =	shalt  }
0x71: {  	_ =	shalt  }
0x72: {  	_ =	shalt  }
0x73: {  	_ =	shalt  }
0x74: {  	_ =	shalt  }
0x75: {  	_ =	shalt  }
0x76: {  	_ =	shalt  }
0x77: {  	_ =	shalt  }
0x78: {  	_ =	shalt  }
0x79: {  	_ =	shalt  }
0x7a: {  	_ =	shalt  }
0x7b: {  	_ =	shalt  }
0x7c: {  	_ =	shalt  }
0x7d: {  	_ =	shalt  }
0x7e: {  	_ =	shalt  }
0x7f: {  	_ =	shalt  }
0x80: {  	_ =	shalt  }
0x81: {  	_ =	shalt  }
0x82: {  	_ =	shalt  }
0x83: {  	_ =	shalt  }
0x84: {  	_ =	shalt  }
0x85: {  	_ =	shalt  }
0x86: {  	_ =	shalt  }
0x87: {  	_ =	shalt  }
.Lfunc_end0:
.L_simem_size_0:
called_computation_lowered:
.L_overlay_start_0:
0x88: {  	s2 =	sld [smem:$0x3FD9]  }
0x89: {  	s3 =	sld [smem:$0x3FFE];
	_ =	sdelay $0x1  }
0x8a: {  	s1 =	srdreg.scid  }
0x8b: {  	s0 =	sand.u32 $0x1, s1  }
0x8c: {  	s17 =	sshll.u32 s0, $0xA;
	s2 =	sadd.s32 s3, s2  }
0x8d: {  	s2 =	sadd.s32 s2, s17  }
0x8e: {  	[smem:$0x3FBD] =	sst s2  }
0x8f: {  	_ = 	snop  }
0x90: {  	s2 =	sld [smem:$0x3FD0];
	(tm) =	ssettm $0x1  }
0x91: {  	s18 =	sld [smem:$0x3FFB];
	_ =	sdelay $0x3  }
0x92: {  	_ =	strace s18  }
0x93: {  	s3 =	sld [smem:$0x3FFC];
	_ =	sdelay $0x3  }
0x94: {  	_ =	strace s3  }
0x95: {  	s3 =	sld [smem:$0x3FFD];
	_ =	sdelay $0x3  }
0x96: {  	_ =	strace s3  }
0x97: {  	_ =	strace $0x8FFFFFFF  }
0x98: {  	s19 =	sld [smem:$0x3FDB];
	_ =	sdelay $0x1  }
0x99: {  	s4 =	simm.s32 $_scs_section_size  }
0x9a: {  	s5 =	simm.s32 $_size__tile_overlayer_lowered;
	s6 =	simm.s32 $_tile_overlayer_lowered  }
0x9b: {  	s22 =	simm.s32 $0x1BFF;
	s21 =	sshll.u32 s6, $0x1;
	s3 =	sadd.s32 s4, s19  }
0x9c: {  	s7 =	simm.s32 $0x0;
	s20 =	sshll.u32 s5, $0x1;
	s5 =	sadd.s32 s21, s3  }
0x9d: {  	[timem:s7], [sflag:s22] =	dma.local [hbm:s5], s20  }
0x9e: {  	_ =	swait.ge [sflag:s22], s20  }
0x9f: {  	s4 =	ssub.s32 $0x0, s20;
	[sflag:s22] =	ssyncset.done $0x0  }
0xa0: {  	[sflag:s22] =	ssyncadd.s32 s4;
	_ =	sdelay $0x1  }
0xa1: {  	s23 =	simm.s32 $0x1B8B  }
0xa2: {  	_ =	swait.ge [sflag:s23], $0x1  }
0xa3: {  	[sflag:s23] =	ssyncset.done $0x0  }
0xa4: {  	s25 =	simm.s32 $0x1B8E;
	s24 =	sld [smem:$0x3FFE];
	[sflag:s23] =	ssyncadd.s32 $0xFFFFFFFF  }
0xa5: {  	s26 =	simm.s32 $execute0_lowered;
	[smem:$0x3FD2] =	sst s25  }
0xa6: {  	s5 =	sshll.u32 s26, $0x1;
	_ =	strace $0x80000046;
	[dreg:$0x1] =	wrdreg $0xFFFFFFFF  }
0xa7: {  	s28 =	simm.s32 $_size_execute0_lowered;
	s3 =	sadd.s32 s3, s5;
	[dreg:$0x0] =	wrdreg $0x0  }
0xa8: {  	s5 =	sshll.u32 s28, $0x1;
	[dreg:$0x2] =	wrdreg s3  }
0xa9: {  	[dreg:$0x3] =	wrdreg s5  }
0xaa: {  	[dreg:$0x4] =	wrdreg $0xC0  }
0xab: {  	_ =	task [dreg:s7], $0x5FFFF  }
0xac: {  	[dreg:$0x1] =	wrdreg $0xFFFFFFFF  }
0xad: {  	[dreg:$0x0] =	wrdreg $0x60  }
0xae: {  	[dreg:$0x2] =	wrdreg s24  }
0xaf: {  	[dreg:$0x3] =	wrdreg s2  }
0xb0: {  	[dreg:$0x4] =	wrdreg $0x2C100  }
0xb1: {  	[dreg:$0x5] =	wrdreg $0x9  }
0xb2: {  	_ =	task.clear_ibuf [dreg:s7], $0x6FFFF;
	_ =	strace $0x90000046  }
0xb3: {  	s29 =	simm.s32 $0x9;
	_ =	strace $0x80000048  }
0xb4: {  	_ =	swait.ge [sflag:s29], $0x1  }
0xb5: {  	[sflag:s29] =	ssyncadd.s32 $0xFFFFFFFF  }
0xb6: {  	_ =	strace $0x90000048  }
0xb7: {  	_ =	sfence  }
0xb8: {  	s30 =	sld [smem:$0x0];
	_ =	sdelay $0x2  }
0xb9: {  	s31 =	sshll.u32 s1, $0xD;
	s1 =	sshrl.u32 s1, $0x2  }
0xba: {  	s3 =	sand.u32 $0x4000, s31;
	s1 =	sadd.s32 s1, s30  }
0xbb: {  	s0 =	sor.u32 s3, s0;
	s1 =	sshll.u32 s1, $0x11  }
0xbc: {  	s0 =	sor.u32 s1, s0  }
0xbd: {  	s0 =	sadd.s32 $0x8F2B, s0  }
0xbe: {  	[sflag:s0] =	ssyncadd.remote.s32 $0x1  }
0xbf: {  	_ =	sfence.sel $0xFFFF  }
0xc0: {  	[dreg:$0x0] =	wrdreg $0xFFFFFFFF;
	(pc) =	sbr.abs _section_cstart, $3  }
0xc1: {  	[dreg:$0x1] =	wrdreg $0xFFFFFFFF  }
0xc2: {  	_ =	task.clear_ibuf [dreg:s7], $0x2FFFF;
	_ =	strace $0x9FFFFFFF  }
0xc3: {  	(tm) =	ssettm $0x7FFFFFFF  }
tec
execute0_lowered:
.L_overlay_start_1:
0x0: {  	(tag) =	ssettag $0x1  }
0x1: {  	s7 =	rddreg [dreg:$0x0]  }
0x2: {  	s2 =	rddreg [dreg:$0x1]  }
0x3: {  	s0 =	srdreg.scid;
	s3 =	rddreg [dreg:$0x2];
	s4 =	simm.s32 $0x0  }
0x4: {  	s14 =	simm.s32 $0x1;
	s6 =	sand.u32 $0x1, s0;
	s0 =	stileid.u32  }
0x5: {  	s15 =	simm.s32 $0x0;
	[smem:$0x7FF] =	sst s4;
	s8 =	smul.u32 $0x2780, s0  }
0x6: {  	s1 =	sshll.u32 s6, $0x4;
	s9 =	smul.u32 $0x27800, s6;
	s6 =	ssub.s32 $0x2, s6  }
0x7: {  	s11 =	sshll.u32 s0, $0x6;
	s1 =	sor.u32 s0, s1;
	s31 =	sshrl.u32 s6, $0x1  }
0x8: {  	s5 =	smul.u32 $0x4E2, s1;
	s1 =	rddreg [dreg:$0x3];
	_ =	strace $0x80000047  }
0x9: {  	s9 =	sadd.s32 s8, s9;
	s12 =	ssub.s32 s6, s31;
	s13 =	sadd.s32 s8, s3  }
0xa: {  	s6 =	sor.u32 $0x1C02, s11;
	s11 =	simm.s32 $0x2;
	s9 =	sshrl.u32 s9, $0x3  }
0xb: {  	s10 =	sadd.s32 s5, s7;
	s5 =	sadd.s32 $0x16000, s7;
	s9 =	sadd.s32 s9, s7  }
0xc: {  	s7 =	sadd.s32 $0xC200, s10;
	s8 =	sadd.s32 $0x16600, s9;
	s9 =	smax.u32 s12, $0x1  }
0xd: {  	s10 =	sshrl.u32 s13, $0x3;
	s12 =	simm.s32 $0x2710;
	s13 =	simm.s32 $0x50  }
.LBB2_1:
0xe: {  	[spmem:s10], [sflag:s6] =	dma.local [hbm:s5], $0x4F0  }
0xf: {  	_ =	swait.ge [sflag:s11], $0x4F0  }
0x10: {  	[sflag:s11] =	ssyncset.done $0x0  }
0x11: {  	[sflag:s11] =	ssyncadd.s32 $0xFFFFFB10  }
0x12: {  	[tilespmem:s12], [sflag:$0x2] =	stream.linear.gather [hbm4b:s2+s4], $0x500, $0x38;
	[tilespmem:$0x5390] =	vst v63  }
0x13: {  	_ =	swait.ge [sflag:s11], $0x500  }
0x14: {  	[sflag:s11] =	ssyncset.done $0x0  }
0x15: {  	[sflag:s11] =	ssyncadd.s32 $0xFFFFFB00  }
0x16: {  	[tilespmem:s4], [sflag:$0x2] =	stream.linear.gather [hbm4b:s7+s4], $0x2710, $0x38;
	[tilespmem:$0x5390] =	vst v63  }
0x17: {  	_ =	swait.ge [sflag:s11], $0x2710  }
0x18: {  	[sflag:s11] =	ssyncset.done $0x0  }
0x19: {  	[sflag:s11] =	ssyncadd.s32 $0xFFFFD8F0  }
0x1a: {  	s16 =	simm.s32 $0x0;
	[bflag:$0x0] =	sbarrier.arrive $0xFFFF  }
.LBB2_2:
0x1b: {  	p0 =	sne.s32 s16, $0x9B00  }
.Ltmp0:
0x1c: {  	_ = 	snop;
	(pc) =	sbr.rel @p0 .LBB2_2-.Ltmp0, $3  }
0x1d: {  	_ =	sdelay $0x1  }
0x1e: {  	s17 =	sshra.s32 s16, $0x2;
	s16 =	sadd.s32 $0x140, s16  }
0x1f: {  	[spmem:s3] =	stream.indirect.scatter.add.f32 [tilespmem:s12], [sflag:$0x1], $0x10, s17, s13, $0xb8;
	[tilespmem:$0x5390] =	vst v63  }
0x20: {  	_ =	swait.ge [sflag:s14], $0x500  }
0x21: {  	s16 =	simm.s32 $0x7C;
	[sflag:s14] =	ssyncset.done $0x0  }
.LBB2_4:
0x22: {  	p0 =	sne.s32 s16, $0x1;
	s16 =	sadd.s32 $0xFFFFFFFF, s16;
	[sflag:s14] =	ssyncadd.s32 $0xFFFFFB00  }
.Ltmp1:
0x23: {  	(pc) =	sbr.rel @p0 .LBB2_4-.Ltmp1, $3  }
0x24: {  	_ =	sdelay $0x1  }
0x25: {  	_ =	swait.ge [sflag:s14], $0x500  }
0x26: {  	[sflag:s14] =	ssyncset.done $0x0  }
0x27: {  	s15 =	sadd.s32 $0x1, s15  }
0x28: {  	[sflag:s14] =	ssyncadd.s32 $0xFFFFFB00;
	p0 =	sne.s32 s15, s9  }
.Ltmp2:
0x29: {  	[bflag:$0x0] =	sbarrier.arrive $0xFFFF;
	(pc) =	sbr.rel @p0 .LBB2_1-.Ltmp2, $4  }
0x2a: {  	[hbm:s8], [sflag:s6] =	dma.local [spmem:s10], $0x4F0  }
0x2b: {  	_ =	swait.ge [sflag:s11], $0x4F0  }
0x2c: {  	[sflag:s11] =	ssyncset.done $0x0  }
0x2d: {  	[sflag:s11] =	ssyncadd.s32 $0xFFFFFB10  }
0x2e: {  	_ =	sfence.sel $0x180000  }
0x2f: {  	[bflag:$0x0] =	sbarrier.arrive $0xFFFF  }
0x30: {  	p0 =	sne.s32 s0, $0x0;
	_ =	strace $0x90000047  }
0x31: {  	s0 =	sadd.s32 @!p0 $0x100000, s1;
	[bflag:$0x2] =	sbarrier.arrive $0xFFFF  }
0x32: {  	[sflag:s0] =	ssyncadd.tile.s32 @!p0 $0x1;
	_ =	shalt  }
.Lfunc_end2:
_tile_overlayer_lowered:
.L_overlay_start_2:
0x33: {  	(tag) =	ssettag $0x2  }
0x34: {  	s0 =	rddreg [dreg:$0x0];
	s2 =	stileid.u32  }
0x35: {  	s1 =	rddreg [dreg:$0x1];
	p0 =	sne.s32 s2, $0x0  }
0x36: {  	s3 =	rddreg [dreg:$0x2];
	[bflag:$0x3] =	sbarrier.arrive $0xFFFF;
	s2 =	simm.s32 @!p0 $0x1C02  }
0x37: {  	[timem:s3], [sflag:s2] =	dma.local @!p0 [hbm:s0], s1  }
0x38: {  	s0 =	simm.s32 @!p0 $0x2  }
0x39: {  	_ =	swait.ge @!p0 [sflag:s0], s1  }
0x3a: {  	s1 =	ssub.s32 @!p0 $0x0, s1;
	[sflag:s0] =	ssyncset.done @!p0 $0x0  }
0x3b: {  	[sflag:s0] =	ssyncadd.s32 @!p0 s1  }
0x3c: {  	[bflag:$0x3] =	sbarrier.arrive $0xFFFF  }
0x3d: {  	_ =	shalt  }

// kernel: kernel.13.cloned.1.call-start
scs
__scs_entry_jumppad:
0x0: {  	(pc) =	sbr.rel $0x88, $3  }
0x1: {  	(tag) =	ssettag $0x0;
	lr =	simm.s32 $0x1  }
0x2: {  	[smem:$0x3F96] =	sst lr;
	_ =	strace $0xD0000000  }
0x3: {  	_ = 	snop  }
0x4: {  	_ = 	snop  }
0x5: {  	_ = 	snop  }
0x6: {  	_ = 	snop  }
0x7: {  	_ = 	snop  }
__scs_overlays_trampoline_lowered:
0x8: {  	[smem:$0x3FA5] =	sst s0  }
0x9: {  	[smem:$0x3FA6] =	sst s1  }
0xa: {  	[smem:$0x3FA7] =	sst s2  }
0xb: {  	[smem:$0x3FA8] =	sst s3  }
0xc: {  	[smem:$0x3FA9] =	sst s4  }
0xd: {  	[smem:$0x3FAA] =	sst s5  }
0xe: {  	[smem:$0x3FAB] =	sst s6  }
0xf: {  	[smem:$0x3FAC] =	sst s7  }
0x10: {  	[smem:$0x3FAD] =	sst s8  }
0x11: {  	[smem:$0x3FAE] =	sst s9;
	s0 =	simm.s32 @!p0 $0x0  }
0x12: {  	s1 =	sld [smem:$0x3F94];
	s0 =	simm.s32 @p0 $0x1  }
0x13: {  	[smem:$0x3FAF] =	sst s0;
	s0 =	simm.s32 @!p1 $0x0  }
0x14: {  	s2 =	sld [smem:$0x3F93];
	s0 =	simm.s32 @p1 $0x1  }
0x15: {  	[smem:$0x3FB0] =	sst s0;
	s0 =	simm.s32 @!p2 $0x0  }
0x16: {  	s3 =	sld [smem:$0x3FDB];
	s0 =	simm.s32 @p2 $0x1  }
0x17: {  	s4 =	simm.s32 $0x1BF5;
	[smem:$0x3FB2] =	sst s0  }
0x18: {  	s0 =	sld [smem:$0x3F95];
	_ =	swait.ge [sflag:s4], $0x0  }
0x19: {  	s7 =	sld [smem:$0x3F96]  }
0x1a: {  	s8 =	sadd.s32 $0xFFFFE003, lr  }
0x1b: {  	s9 =	sadd.s32 $0xFFFFFEF7, lr;
	s5 =	simm.s32 $0xFFFFFFFF;
	p2 =	slt.u32 s8, $0xFFFFF086  }
0x1c: {  	p1 =	slt.u32 s9, $0xF7A;
	s5 =	simm.s32 @!p2 $0x0  }
0x1d: {  	s5 =	simm.s32 @p1 $0x1;
	p0 =	seq.s32 s7, s2  }
0x1e: {  	s7 =	smul.u32 @!p0 $0xF7A, s2;
	p2 =	seq.s32 @!p0 s5, $0x0  }
0x1f: {  	s9 =	smul.u32 $0xF7A, s1;
	s8 =	simm.s32 @!p0 $0x1BF5;
	p2 =	por !p2, p0  }
0x20: {  	[sflag:s8] =	ssyncset.s32 @!p0 $0xFFFFF086;
	s6 =	sadd.s32 @!p0 s3, s7;
	s7 =	simm.s32 @!p0 $0x108  }
0x21: {  	s3 =	sadd.s32 s3, s9;
	s6 =	sadd.s32 @!p0 $0x88, s6;
	s7 =	simm.s32 @p2 $0x1082  }
0x22: {  	[simem:s7], [sflag:s8] =	dma.local @!p0 [hbm:s6], $0xF7A  }
0x23: {  	s9 =	sor.u32 $0xD0000000, s2;
	s6 =	simm.s32 $0x108;
	_ =	swait.ge @!p0 [sflag:s8], $0x0  }
0x24: {  	s3 =	sadd.s32 $0x88, s3;
	s6 =	simm.s32 @!p1 $0x1082;
	[sflag:s4] =	ssyncset.s32 $0xFFFFF086  }
0x25: {  	[simem:s6], [sflag:s4] =	dma.local [hbm:s3], $0xF7A  }
0x26: {  	[smem:$0x3F96] =	sst s1;
	(tag) =	ssettag s2;
	_ =	strace s9  }
0x27: {  	s1 =	sld [smem:$0x3FA6]  }
0x28: {  	s2 =	sld [smem:$0x3FA7]  }
0x29: {  	s4 =	sld [smem:$0x3FA9]  }
0x2a: {  	p0 =	seq.s32 s5, $0x0;
	s5 =	sld [smem:$0x3FAA]  }
0x2b: {  	s6 =	sld [smem:$0x3FAB]  }
0x2c: {  	s7 =	sld [smem:$0x3FAC]  }
0x2d: {  	s3 =	simm.s32 $0x108;
	s8 =	sld [smem:$0x3FAD]  }
0x2e: {  	s3 =	simm.s32 @!p0 $0x1082;
	s9 =	sld [smem:$0x3FAE]  }
0x2f: {  	lr =	sadd.s32 s0, s3;
	s0 =	sld [smem:$0x3FA5]  }
0x30: {  	s3 =	sld [smem:$0x3FA8]  }
0x31: {  	[smem:$0x3FB1] =	sst s10  }
0x32: {  	s10 =	sld [smem:$0x3FAF];
	_ =	sdelay $0x3  }
0x33: {  	p0 =	seq.s32 s10, $0x1;
	s10 =	sld [smem:$0x3FB1];
	_ =	sdelay $0x3  }
0x34: {  	[smem:$0x3FB1] =	sst s10  }
0x35: {  	s10 =	sld [smem:$0x3FB0];
	_ =	sdelay $0x3  }
0x36: {  	p1 =	seq.s32 s10, $0x1;
	s10 =	sld [smem:$0x3FB1];
	_ =	sdelay $0x3  }
0x37: {  	[smem:$0x3FB1] =	sst s10  }
0x38: {  	s10 =	sld [smem:$0x3FB2]  }
0x39: {  	_ = 	snop;
	(pc) =	sbr.ind lr, $3  }
0x3a: {  	_ = 	snop  }
0x3b: {  	_ = 	snop  }
0x3c: {  	p2 =	seq.s32 s10, $0x1;
	s10 =	sld [smem:$0x3FB1]  }
0x3d: {  	_ =	shalt  }
0x3e: {  	_ =	shalt  }
0x3f: {  	_ =	shalt  }
0x40: {  	_ =	shalt  }
0x41: {  	_ =	shalt  }
0x42: {  	_ =	shalt  }
0x43: {  	_ =	shalt  }
0x44: {  	_ =	shalt  }
0x45: {  	_ =	shalt  }
0x46: {  	_ =	shalt  }
0x47: {  	_ =	shalt  }
0x48: {  	_ =	shalt  }
0x49: {  	_ =	shalt  }
0x4a: {  	_ =	shalt  }
0x4b: {  	_ =	shalt  }
0x4c: {  	_ =	shalt  }
0x4d: {  	_ =	shalt  }
0x4e: {  	_ =	shalt  }
0x4f: {  	_ =	shalt  }
0x50: {  	_ =	shalt  }
0x51: {  	_ =	shalt  }
0x52: {  	_ =	shalt  }
0x53: {  	_ =	shalt  }
0x54: {  	_ =	shalt  }
0x55: {  	_ =	shalt  }
0x56: {  	_ =	shalt  }
0x57: {  	_ =	shalt  }
0x58: {  	_ =	shalt  }
0x59: {  	_ =	shalt  }
0x5a: {  	_ =	shalt  }
0x5b: {  	_ =	shalt  }
0x5c: {  	_ =	shalt  }
0x5d: {  	_ =	shalt  }
0x5e: {  	_ =	shalt  }
0x5f: {  	_ =	shalt  }
0x60: {  	_ =	shalt  }
0x61: {  	_ =	shalt  }
0x62: {  	_ =	shalt  }
0x63: {  	_ =	shalt  }
0x64: {  	_ =	shalt  }
0x65: {  	_ =	shalt  }
0x66: {  	_ =	shalt  }
0x67: {  	_ =	shalt  }
0x68: {  	_ =	shalt  }
0x69: {  	_ =	shalt  }
0x6a: {  	_ =	shalt  }
0x6b: {  	_ =	shalt  }
0x6c: {  	_ =	shalt  }
0x6d: {  	_ =	shalt  }
0x6e: {  	_ =	shalt  }
0x6f: {  	_ =	shalt  }
0x70: {  	_ =	shalt  }
0x71: {  	_ =	shalt  }
0x72: {  	_ =	shalt  }
0x73: {  	_ =	shalt  }
0x74: {  	_ =	shalt  }
0x75: {  	_ =	shalt  }
0x76: {  	_ =	shalt  }
0x77: {  	_ =	shalt  }
0x78: {  	_ =	shalt  }
0x79: {  	_ =	shalt  }
0x7a: {  	_ =	shalt  }
0x7b: {  	_ =	shalt  }
0x7c: {  	_ =	shalt  }
0x7d: {  	_ =	shalt  }
0x7e: {  	_ =	shalt  }
0x7f: {  	_ =	shalt  }
0x80: {  	_ =	shalt  }
0x81: {  	_ =	shalt  }
0x82: {  	_ =	shalt  }
0x83: {  	_ =	shalt  }
0x84: {  	_ =	shalt  }
0x85: {  	_ =	shalt  }
0x86: {  	_ =	shalt  }
0x87: {  	_ =	shalt  }
.Lfunc_end0:
.L_simem_size_0:
called_computation.1_lowered:
.L_overlay_start_0:
0x88: {  	s2 =	sld [smem:$0x3FD9]  }
0x89: {  	s3 =	sld [smem:$0x3FFE];
	_ =	sdelay $0x1  }
0x8a: {  	s1 =	srdreg.scid  }
0x8b: {  	s0 =	sand.u32 $0x1, s1  }
0x8c: {  	s16 =	sshll.u32 s0, $0xA;
	s2 =	sadd.s32 s3, s2  }
0x8d: {  	s2 =	sadd.s32 s2, s16  }
0x8e: {  	[smem:$0x3FBD] =	sst s2  }
0x8f: {  	_ = 	snop  }
0x90: {  	(tm) =	ssettm $0x1  }
0x91: {  	s17 =	sld [smem:$0x3FFB];
	_ =	sdelay $0x3  }
0x92: {  	_ =	strace s17  }
0x93: {  	s2 =	sld [smem:$0x3FFC];
	_ =	sdelay $0x3  }
0x94: {  	_ =	strace s2  }
0x95: {  	s2 =	sld [smem:$0x3FFD];
	_ =	sdelay $0x3  }
0x96: {  	_ =	strace s2  }
0x97: {  	_ =	strace $0x8FFFFFFF  }
0x98: {  	s18 =	sld [smem:$0x3FDB];
	_ =	sdelay $0x1  }
0x99: {  	s19 =	simm.s32 $_scs_section_size  }
0x9a: {  	s4 =	simm.s32 $_size__tile_overlayer_lowered;
	s5 =	simm.s32 $_tile_overlayer_lowered  }
0x9b: {  	s22 =	simm.s32 $0x1BFF;
	s21 =	sshll.u32 s5, $0x1;
	s2 =	sadd.s32 s19, s18  }
0x9c: {  	s6 =	simm.s32 $0x0;
	s20 =	sshll.u32 s4, $0x1;
	s4 =	sadd.s32 s21, s2  }
0x9d: {  	[timem:s6], [sflag:s22] =	dma.local [hbm:s4], s20  }
0x9e: {  	_ =	swait.ge [sflag:s22], s20  }
0x9f: {  	s3 =	ssub.s32 $0x0, s20;
	[sflag:s22] =	ssyncset.done $0x0  }
0xa0: {  	[sflag:s22] =	ssyncadd.s32 s3;
	_ =	sdelay $0x1  }
0xa1: {  	s23 =	simm.s32 $0x1B8B  }
0xa2: {  	_ =	swait.ge [sflag:s23], $0x1  }
0xa3: {  	[sflag:s23] =	ssyncset.done $0x0  }
0xa4: {  	s25 =	simm.s32 $0x1B8E;
	s24 =	sld [smem:$0x3FFE];
	[sflag:s23] =	ssyncadd.s32 $0xFFFFFFFF  }
0xa5: {  	s26 =	simm.s32 $execute0_lowered;
	[smem:$0x3FD2] =	sst s25  }
0xa6: {  	s4 =	sshll.u32 s26, $0x1;
	_ =	strace $0x80000049;
	[dreg:$0x1] =	wrdreg $0xFFFFFFFF  }
0xa7: {  	s28 =	simm.s32 $_size_execute0_lowered;
	s2 =	sadd.s32 s2, s4;
	[dreg:$0x0] =	wrdreg $0x0  }
0xa8: {  	s4 =	sshll.u32 s28, $0x1;
	[dreg:$0x2] =	wrdreg s2  }
0xa9: {  	[dreg:$0x3] =	wrdreg s4  }
0xaa: {  	[dreg:$0x4] =	wrdreg $0xC0  }
0xab: {  	_ =	task [dreg:s6], $0x5FFFF  }
0xac: {  	[dreg:$0x1] =	wrdreg $0xFFFFFFFF  }
0xad: {  	[dreg:$0x0] =	wrdreg $0x60  }
0xae: {  	[dreg:$0x2] =	wrdreg s24  }
0xaf: {  	[dreg:$0x3] =	wrdreg $0xB2200  }
0xb0: {  	[dreg:$0x4] =	wrdreg $0x9  }
0xb1: {  	_ =	task.clear_ibuf [dreg:s6], $0x5FFFF;
	_ =	strace $0x90000049  }
0xb2: {  	s29 =	simm.s32 $0x9;
	_ =	strace $0x8000004B  }
0xb3: {  	_ =	swait.ge [sflag:s29], $0x1  }
0xb4: {  	[sflag:s29] =	ssyncadd.s32 $0xFFFFFFFF  }
0xb5: {  	_ =	strace $0x9000004B  }
0xb6: {  	_ =	sfence  }
0xb7: {  	s30 =	sld [smem:$0x0];
	_ =	sdelay $0x2  }
0xb8: {  	s31 =	sshll.u32 s1, $0xD;
	s1 =	sshrl.u32 s1, $0x2  }
0xb9: {  	s3 =	sand.u32 $0x4000, s31;
	s1 =	sadd.s32 s1, s30  }
0xba: {  	s0 =	sor.u32 s3, s0;
	s1 =	sshll.u32 s1, $0x11  }
0xbb: {  	s0 =	sor.u32 s1, s0  }
0xbc: {  	s0 =	sadd.s32 $0x8F2B, s0  }
0xbd: {  	[sflag:s0] =	ssyncadd.remote.s32 $0x1  }
0xbe: {  	_ =	sfence.sel $0xFFFF  }
0xbf: {  	[dreg:$0x0] =	wrdreg $0xFFFFFFFF;
	(pc) =	sbr.abs _section_cstart, $3  }
0xc0: {  	[dreg:$0x1] =	wrdreg $0xFFFFFFFF  }
0xc1: {  	_ =	task.clear_ibuf [dreg:s6], $0x2FFFF;
	_ =	strace $0x9FFFFFFF  }
0xc2: {  	(tm) =	ssettm $0x7FFFFFFF  }
0xc3: {  	_ =	shalt  }
tec
execute0_lowered:
.L_overlay_start_1:
0x0: {  	(tag) =	ssettag $0x1  }
0x1: {  	s0 =	srdreg.scid  }
0x2: {  	s10 =	stileid.u32;
	s6 =	rddreg [dreg:$0x0]  }
0x3: {  	s2 =	rddreg [dreg:$0x1];
	s3 =	simm.s32 $0x0;
	s12 =	simm.s32 $0x6  }
0x4: {  	s14 =	simm.s32 $0x50;
	s15 =	simm.s32 $0x4E20;
	s16 =	simm.s32 $0x6220  }
0x5: {  	s18 =	simm.s32 $0x7620;
	s20 =	simm.s32 $0x8A20;
	s22 =	simm.s32 $0x9E20  }
0x6: {  	s23 =	simm.s32 $0x1;
	s24 =	simm.s32 $0x2;
	s28 =	simm.s32 $0x5  }
0x7: {  	s29 =	simm.s32 $0x4C90;
	s30 =	simm.s32 $0x4CE0;
	s31 =	simm.s32 $0x4D30  }
0x8: {  	s13 =	simm.s32 $0x0;
	s0 =	sand.u32 $0x1, s0;
	s7 =	smul.u32 $0x9E00, s10  }
0x9: {  	[smem:$0x7FF] =	sst s3;
	s4 =	sadd.s32 $0x16000, s6;
	s26 =	sshll.u32 s10, $0x6  }
0xa: {  	s1 =	sshll.u32 s0, $0x4;
	s5 =	smul.u32 $0x9E000, s0;
	s0 =	ssub.s32 $0x2, s0  }
0xb: {  	_ =	strace $0x8000004A;
	s1 =	sor.u32 s10, s1;
	s25 =	sshrl.u32 s0, $0x1  }
0xc: {  	s11 =	sadd.s32 s7, s2;
	s1 =	smul.u32 $0x4E2, s1;
	s8 =	sadd.s32 s7, s5  }
0xd: {  	s5 =	sadd.s32 $0x29C00, s6;
	s0 =	ssub.s32 s0, s25;
	s11 =	sshrl.u32 s11, $0x3  }
0xe: {  	s25 =	simm.s32 $0x3;
	s8 =	sshrl.u32 s8, $0x3;
	s10 =	smax.u32 s0, $0x1  }
0xf: {  	s0 =	simm.s32 $0x4DD0;
	s1 =	sadd.s32 s1, s6;
	s9 =	sadd.s32 s8, s6  }
0x10: {  	s6 =	sor.u32 $0x1C06, s26;
	s26 =	simm.s32 $0x4;
	s7 =	sadd.s32 $0x2400, s1  }
0x11: {  	s8 =	sadd.s32 $0xC200, s1;
	s9 =	sadd.s32 $0x2B000, s9;
	s1 =	simm.s32 $0x4D80  }
.LBB2_1:
0x12: {  	[spmem:s11], [sflag:s6] =	dma.local [hbm:s5], $0x13C0  }
0x13: {  	_ =	swait.ge [sflag:s12], $0x13C0  }
0x14: {  	[sflag:s12] =	ssyncset.done $0x0  }
0x15: {  	[sflag:s12] =	ssyncadd.s32 $0xFFFFEC40  }
0x16: {  	[tilespmem:s3], [sflag:$0x6] =	stream.linear.gather [hbm4b:s7+s3], $0x2710, $0x38;
	[tilespmem:$0x15020] =	vst v63  }
0x17: {  	_ =	swait.ge [sflag:s12], $0x2710  }
0x18: {  	[sflag:s12] =	ssyncset.done $0x0  }
0x19: {  	s17 =	simm.s32 $0x2710;
	[sflag:s12] =	ssyncadd.s32 $0xFFFFD8F0  }
0x1a: {  	[tilespmem:s17], [sflag:$0x6] =	stream.linear.gather [hbm4b:s8+s3], $0x2710, $0x38;
	[tilespmem:$0x15020] =	vst v63  }
0x1b: {  	_ =	swait.ge [sflag:s12], $0x2710  }
0x1c: {  	[sflag:s12] =	ssyncset.done $0x0  }
0x1d: {  	[sflag:s12] =	ssyncadd.s32 $0xFFFFD8F0  }
0x1e: {  	[bflag:$0x0] =	sbarrier.arrive $0xFFFF  }
0x1f: {  	[tilespmem:s15], [sflag:$0x1] =	stream.indirect.gather [hbm4b:s4+s14], $0x40, s3, s14, $0xb8;
	[tilespmem:$0x15020] =	vst v63  }
0x20: {  	_ = 	snop  }
0x21: {  	[tilespmem:s16], [sflag:$0x2] =	stream.indirect.gather [hbm4b:s4+s14], $0x40, s14, s14, $0xb8;
	[tilespmem:$0x15020] =	vst v63  }
0x22: {  	s19 =	simm.s32 $0xA0  }
0x23: {  	[tilespmem:s18], [sflag:$0x3] =	stream.indirect.gather [hbm4b:s4+s14], $0x40, s19, s14, $0xb8;
	[tilespmem:$0x15020] =	vst v63  }
0x24: {  	s21 =	simm.s32 $0xF0  }
0x25: {  	[tilespmem:s20], [sflag:$0x4] =	stream.indirect.gather [hbm4b:s4+s14], $0x40, s21, s14, $0xb8;
	[tilespmem:$0x15020] =	vst v63  }
0x26: {  	s19 =	simm.s32 $0x140  }
0x27: {  	[tilespmem:s22], [sflag:$0x5] =	stream.indirect.gather [hbm4b:s4+s14], $0x40, s19, s14, $0xb8;
	[tilespmem:$0x15020] =	vst v63  }
0x28: {  	_ =	swait.ge [sflag:s23], $0x1400  }
0x29: {  	[sflag:s23] =	ssyncset.done $0x0  }
0x2a: {  	s21 =	simm.s32 $0x2710;
	[sflag:s23] =	ssyncadd.s32 $0xFFFFEC00  }
0x2b: {  	[spmem:s2] =	stream.indirect.scatter.add.f32 [tilespmem:s15], [sflag:$0x6], $0x40, s21, s14, $0xb8;
	[tilespmem:$0x15020] =	vst v63  }
0x2c: {  	_ =	swait.ge [sflag:s12], $0x1400  }
0x2d: {  	[sflag:s12] =	ssyncset.done $0x0  }
0x2e: {  	s19 =	simm.s32 $0x190;
	[sflag:s12] =	ssyncadd.s32 $0xFFFFEC00  }
0x2f: {  	[tilespmem:s15], [sflag:$0x1] =	stream.indirect.gather [hbm4b:s4+s14], $0x40, s19, s14, $0xb8;
	[tilespmem:$0x15020] =	vst v63  }
0x30: {  	_ =	swait.ge [sflag:s24], $0x1400  }
0x31: {  	[sflag:s24] =	ssyncset.done $0x0  }
0x32: {  	s21 =	simm.s32 $0x2760;
	[sflag:s24] =	ssyncadd.s32 $0xFFFFEC00  }
0x33: {  	[spmem:s2] =	stream.indirect.scatter.add.f32 [tilespmem:s16], [sflag:$0x6], $0x40, s21, s14, $0xb8;
	[tilespmem:$0x15020] =	vst v63  }
0x34: {  	_ =	swait.ge [sflag:s12], $0x1400  }
0x35: {  	[sflag:s12] =	ssyncset.done $0x0  }
0x36: {  	s19 =	simm.s32 $0x1E0;
	[sflag:s12] =	ssyncadd.s32 $0xFFFFEC00  }
0x37: {  	[tilespmem:s16], [sflag:$0x2] =	stream.indirect.gather [hbm4b:s4+s14], $0x40, s19, s14, $0xb8;
	[tilespmem:$0x15020] =	vst v63  }
0x38: {  	_ =	swait.ge [sflag:s25], $0x1400  }
0x39: {  	[sflag:s25] =	ssyncset.done $0x0  }
0x3a: {  	s21 =	simm.s32 $0x27B0;
	[sflag:s25] =	ssyncadd.s32 $0xFFFFEC00  }
0x3b: {  	[spmem:s2] =	stream.indirect.scatter.add.f32 [tilespmem:s18], [sflag:$0x6], $0x40, s21, s14, $0xb8;
	[tilespmem:$0x15020] =	vst v63  }
0x3c: {  	_ =	swait.ge [sflag:s12], $0x1400  }
0x3d: {  	[sflag:s12] =	ssyncset.done $0x0  }
0x3e: {  	s19 =	simm.s32 $0x230;
	[sflag:s12] =	ssyncadd.s32 $0xFFFFEC00  }
0x3f: {  	[tilespmem:s18], [sflag:$0x3] =	stream.indirect.gather [hbm4b:s4+s14], $0x40, s19, s14, $0xb8;
	[tilespmem:$0x15020] =	vst v63  }
0x40: {  	_ =	swait.ge [sflag:s26], $0x1400  }
0x41: {  	[sflag:s26] =	ssyncset.done $0x0  }
0x42: {  	s21 =	simm.s32 $0x2800;
	[sflag:s26] =	ssyncadd.s32 $0xFFFFEC00  }
0x43: {  	[spmem:s2] =	stream.indirect.scatter.add.f32 [tilespmem:s20], [sflag:$0x6], $0x40, s21, s14, $0xb8;
	[tilespmem:$0x15020] =	vst v63  }
0x44: {  	_ =	swait.ge [sflag:s12], $0x1400  }
0x45: {  	[sflag:s12] =	ssyncset.done $0x0  }
0x46: {  	s19 =	simm.s32 $0x280;
	[sflag:s12] =	ssyncadd.s32 $0xFFFFEC00  }
0x47: {  	[tilespmem:s20], [sflag:$0x4] =	stream.indirect.gather [hbm4b:s4+s14], $0x40, s19, s14, $0xb8;
	[tilespmem:$0x15020] =	vst v63  }
0x48: {  	_ =	swait.ge [sflag:s28], $0x1400  }
0x49: {  	[sflag:s28] =	ssyncset.done $0x0  }
0x4a: {  	s21 =	simm.s32 $0x2850;
	[sflag:s28] =	ssyncadd.s32 $0xFFFFEC00  }
0x4b: {  	[spmem:s2] =	stream.indirect.scatter.add.f32 [tilespmem:s22], [sflag:$0x6], $0x40, s21, s14, $0xb8;
	[tilespmem:$0x15020] =	vst v63  }
0x4c: {  	_ =	swait.ge [sflag:s12], $0x1400  }
0x4d: {  	[sflag:s12] =	ssyncset.done $0x0  }
0x4e: {  	s17 =	simm.s32 $0x640;
	s19 =	simm.s32 $0x2D0;
	[sflag:s12] =	ssyncadd.s32 $0xFFFFEC00  }
.LBB2_2:
0x4f: {  	[tilespmem:s22], [sflag:$0x5] =	stream.indirect.gather [hbm4b:s4+s14], $0x40, s19, s14, $0xb8;
	[tilespmem:$0x15020] =	vst v63  }
0x50: {  	s19 =	smov.u32 s17  }
0x51: {  	p0 =	sne.s32 s17, $0x8FC0;
	s17 =	sadd.s32 $0x640, s17;
	_ =	swait.ge [sflag:s23], $0x1400  }
0x52: {  	s19 =	sshra.s32 s19, $0x2;
	[sflag:s23] =	ssyncset.done $0x0  }
0x53: {  	s21 =	sadd.s32 $0x2710, s19;
	[sflag:s23] =	ssyncadd.s32 $0xFFFFEC00  }
0x54: {  	[spmem:s2] =	stream.indirect.scatter.add.f32 [tilespmem:s15], [sflag:$0x6], $0x40, s21, s14, $0xb8;
	[tilespmem:$0x15020] =	vst v63  }
0x55: {  	_ =	swait.ge [sflag:s12], $0x1400  }
0x56: {  	[sflag:s12] =	ssyncset.done $0x0  }
0x57: {  	s21 =	sadd.s32 $0x190, s19;
	[sflag:s12] =	ssyncadd.s32 $0xFFFFEC00  }
0x58: {  	[tilespmem:s15], [sflag:$0x1] =	stream.indirect.gather [hbm4b:s4+s14], $0x40, s21, s14, $0xb8;
	[tilespmem:$0x15020] =	vst v63  }
0x59: {  	_ =	swait.ge [sflag:s24], $0x1400  }
0x5a: {  	[sflag:s24] =	ssyncset.done $0x0  }
0x5b: {  	s21 =	sadd.s32 $0x2760, s19;
	[sflag:s24] =	ssyncadd.s32 $0xFFFFEC00  }
0x5c: {  	[spmem:s2] =	stream.indirect.scatter.add.f32 [tilespmem:s16], [sflag:$0x6], $0x40, s21, s14, $0xb8;
	[tilespmem:$0x15020] =	vst v63  }
0x5d: {  	_ =	swait.ge [sflag:s12], $0x1400  }
0x5e: {  	[sflag:s12] =	ssyncset.done $0x0  }
0x5f: {  	s21 =	sadd.s32 $0x1E0, s19;
	[sflag:s12] =	ssyncadd.s32 $0xFFFFEC00  }
0x60: {  	[tilespmem:s16], [sflag:$0x2] =	stream.indirect.gather [hbm4b:s4+s14], $0x40, s21, s14, $0xb8;
	[tilespmem:$0x15020] =	vst v63  }
0x61: {  	_ =	swait.ge [sflag:s25], $0x1400  }
0x62: {  	[sflag:s25] =	ssyncset.done $0x0  }
0x63: {  	s21 =	sadd.s32 $0x27B0, s19;
	[sflag:s25] =	ssyncadd.s32 $0xFFFFEC00  }
0x64: {  	[spmem:s2] =	stream.indirect.scatter.add.f32 [tilespmem:s18], [sflag:$0x6], $0x40, s21, s14, $0xb8;
	[tilespmem:$0x15020] =	vst v63  }
0x65: {  	_ =	swait.ge [sflag:s12], $0x1400  }
0x66: {  	[sflag:s12] =	ssyncset.done $0x0  }
0x67: {  	s21 =	sadd.s32 $0x230, s19;
	[sflag:s12] =	ssyncadd.s32 $0xFFFFEC00  }
0x68: {  	[tilespmem:s18], [sflag:$0x3] =	stream.indirect.gather [hbm4b:s4+s14], $0x40, s21, s14, $0xb8;
	[tilespmem:$0x15020] =	vst v63  }
0x69: {  	_ =	swait.ge [sflag:s26], $0x1400  }
0x6a: {  	[sflag:s26] =	ssyncset.done $0x0  }
0x6b: {  	s21 =	sadd.s32 $0x2800, s19;
	[sflag:s26] =	ssyncadd.s32 $0xFFFFEC00  }
0x6c: {  	[spmem:s2] =	stream.indirect.scatter.add.f32 [tilespmem:s20], [sflag:$0x6], $0x40, s21, s14, $0xb8;
	[tilespmem:$0x15020] =	vst v63  }
0x6d: {  	_ =	swait.ge [sflag:s12], $0x1400  }
0x6e: {  	[sflag:s12] =	ssyncset.done $0x0  }
0x6f: {  	s21 =	sadd.s32 $0x280, s19;
	[sflag:s12] =	ssyncadd.s32 $0xFFFFEC00  }
0x70: {  	[tilespmem:s20], [sflag:$0x4] =	stream.indirect.gather [hbm4b:s4+s14], $0x40, s21, s14, $0xb8;
	[tilespmem:$0x15020] =	vst v63  }
0x71: {  	_ =	swait.ge [sflag:s28], $0x1400  }
0x72: {  	[sflag:s28] =	ssyncset.done $0x0  }
.Ltmp0:
0x73: {  	s21 =	sadd.s32 $0x2850, s19;
	[sflag:s28] =	ssyncadd.s32 $0xFFFFEC00;
	(pc) =	sbr.rel @p0 .LBB2_2-.Ltmp0, $4  }
0x74: {  	[spmem:s2] =	stream.indirect.scatter.add.f32 [tilespmem:s22], [sflag:$0x6], $0x40, s21, s14, $0xb8;
	[tilespmem:$0x15020] =	vst v63  }
0x75: {  	_ =	swait.ge [sflag:s12], $0x1400  }
0x76: {  	[sflag:s12] =	ssyncset.done $0x0  }
0x77: {  	s19 =	sadd.s32 $0x2D0, s19;
	[sflag:s12] =	ssyncadd.s32 $0xFFFFEC00  }
0x78: {  	[tilespmem:s22], [sflag:$0x5] =	stream.indirect.gather [hbm4b:s4+s14], $0x40, s19, s14, $0xb8;
	[tilespmem:$0x15020] =	vst v63  }
0x79: {  	_ =	swait.ge [sflag:s23], $0x1400  }
0x7a: {  	[sflag:s23] =	ssyncset.done $0x0  }
0x7b: {  	[sflag:s23] =	ssyncadd.s32 $0xFFFFEC00  }
0x7c: {  	[spmem:s2] =	stream.indirect.scatter.add.f32 [tilespmem:s15], [sflag:$0x6], $0x40, s29, s14, $0xb8;
	[tilespmem:$0x15020] =	vst v63  }
0x7d: {  	_ =	swait.ge [sflag:s12], $0x1400  }
0x7e: {  	[sflag:s12] =	ssyncset.done $0x0  }
0x7f: {  	[sflag:s12] =	ssyncadd.s32 $0xFFFFEC00  }
0x80: {  	_ =	swait.ge [sflag:s24], $0x1400  }
0x81: {  	[sflag:s24] =	ssyncset.done $0x0  }
0x82: {  	[sflag:s24] =	ssyncadd.s32 $0xFFFFEC00  }
0x83: {  	[spmem:s2] =	stream.indirect.scatter.add.f32 [tilespmem:s16], [sflag:$0x6], $0x40, s30, s14, $0xb8;
	[tilespmem:$0x15020] =	vst v63  }
0x84: {  	_ =	swait.ge [sflag:s12], $0x1400  }
0x85: {  	[sflag:s12] =	ssyncset.done $0x0  }
0x86: {  	[sflag:s12] =	ssyncadd.s32 $0xFFFFEC00  }
0x87: {  	_ =	swait.ge [sflag:s25], $0x1400  }
0x88: {  	[sflag:s25] =	ssyncset.done $0x0  }
0x89: {  	[sflag:s25] =	ssyncadd.s32 $0xFFFFEC00  }
0x8a: {  	[spmem:s2] =	stream.indirect.scatter.add.f32 [tilespmem:s18], [sflag:$0x6], $0x40, s31, s14, $0xb8;
	[tilespmem:$0x15020] =	vst v63  }
0x8b: {  	_ =	swait.ge [sflag:s12], $0x1400  }
0x8c: {  	[sflag:s12] =	ssyncset.done $0x0  }
0x8d: {  	[sflag:s12] =	ssyncadd.s32 $0xFFFFEC00  }
0x8e: {  	_ =	swait.ge [sflag:s26], $0x1400  }
0x8f: {  	[sflag:s26] =	ssyncset.done $0x0  }
0x90: {  	[sflag:s26] =	ssyncadd.s32 $0xFFFFEC00  }
0x91: {  	[spmem:s2] =	stream.indirect.scatter.add.f32 [tilespmem:s20], [sflag:$0x6], $0x40, s1, s14, $0xb8;
	[tilespmem:$0x15020] =	vst v63  }
0x92: {  	_ =	swait.ge [sflag:s12], $0x1400  }
0x93: {  	[sflag:s12] =	ssyncset.done $0x0  }
0x94: {  	[sflag:s12] =	ssyncadd.s32 $0xFFFFEC00  }
0x95: {  	_ =	swait.ge [sflag:s28], $0x1400  }
0x96: {  	[sflag:s28] =	ssyncset.done $0x0  }
0x97: {  	[sflag:s28] =	ssyncadd.s32 $0xFFFFEC00  }
0x98: {  	[spmem:s2] =	stream.indirect.scatter.add.f32 [tilespmem:s22], [sflag:$0x6], $0x40, s0, s14, $0xb8;
	[tilespmem:$0x15020] =	vst v63  }
0x99: {  	_ =	swait.ge [sflag:s12], $0x1400  }
0x9a: {  	s13 =	sadd.s32 $0x1, s13;
	[sflag:s12] =	ssyncset.done $0x0  }
0x9b: {  	p0 =	sne.s32 s13, s10;
	[sflag:s12] =	ssyncadd.s32 $0xFFFFEC00  }
.Ltmp1:
0x9c: {  	[bflag:$0x0] =	sbarrier.arrive $0xFFFF;
	(pc) =	sbr.rel @p0 .LBB2_1-.Ltmp1, $4  }
0x9d: {  	[hbm:s9], [sflag:s6] =	dma.local [spmem:s11], $0x13C0  }
0x9e: {  	_ =	swait.ge [sflag:s12], $0x13C0  }
0x9f: {  	[sflag:s12] =	ssyncset.done $0x0  }
0xa0: {  	[sflag:s12] =	ssyncadd.s32 $0xFFFFEC40  }
0xa1: {  	_ =	sfence.sel $0x180000  }
0xa2: {  	[bflag:$0x0] =	sbarrier.arrive $0xFFFF  }
0xa3: {  	_ =	strace $0x9000004A  }
0xa4: {  	s0 =	stileid.u32;
	[bflag:$0x2] =	sbarrier.arrive $0xFFFF  }
0xa5: {  	p0 =	sne.s32 s0, $0x0;
	s0 =	rddreg [dreg:$0x2]  }
0xa6: {  	s0 =	sadd.s32 @!p0 $0x100000, s0  }
0xa7: {  	[sflag:s0] =	ssyncadd.tile.s32 @!p0 $0x1;
	_ =	shalt  }
.Lfunc_end2:
_tile_overlayer_lowered:
.L_overlay_start_2:
0xa8: {  	(tag) =	ssettag $0x2  }
0xa9: {  	s0 =	rddreg [dreg:$0x0];
	s2 =	stileid.u32  }
0xaa: {  	s1 =	rddreg [dreg:$0x1];
	p0 =	sne.s32 s2, $0x0  }
0xab: {  	s3 =	rddreg [dreg:$0x2];
	[bflag:$0x3] =	sbarrier.arrive $0xFFFF;
	s2 =	simm.s32 @!p0 $0x1C06  }
0xac: {  	[timem:s3], [sflag:s2] =	dma.local @!p0 [hbm:s0], s1  }
0xad: {  	s0 =	simm.s32 @!p0 $0x6  }
0xae: {  	_ =	swait.ge @!p0 [sflag:s0], s1  }
0xaf: {  	s1 =	ssub.s32 @!p0 $0x0, s1;
	[sflag:s0] =	ssyncset.done @!p0 $0x0  }
0xb0: {  	[sflag:s0] =	ssyncadd.s32 @!p0 s1  }
0xb1: {  	[bflag:$0x3] =	sbarrier.arrive $0xFFFF  }
0xb2: {  	_ =	shalt  }

// kernel: kernel.16.cloned.1.call-start
scs
__scs_entry_jumppad:
0x0: {  	(pc) =	sbr.rel $0x88, $3  }
0x1: {  	(tag) =	ssettag $0x0;
	lr =	simm.s32 $0x1  }
0x2: {  	[smem:$0x3F96] =	sst lr;
	_ =	strace $0xD0000000  }
0x3: {  	_ = 	snop  }
0x4: {  	_ = 	snop  }
0x5: {  	_ = 	snop  }
0x6: {  	_ = 	snop  }
0x7: {  	_ = 	snop  }
__scs_overlays_trampoline_lowered:
0x8: {  	[smem:$0x3FA5] =	sst s0  }
0x9: {  	[smem:$0x3FA6] =	sst s1  }
0xa: {  	[smem:$0x3FA7] =	sst s2  }
0xb: {  	[smem:$0x3FA8] =	sst s3  }
0xc: {  	[smem:$0x3FA9] =	sst s4  }
0xd: {  	[smem:$0x3FAA] =	sst s5  }
0xe: {  	[smem:$0x3FAB] =	sst s6  }
0xf: {  	[smem:$0x3FAC] =	sst s7  }
0x10: {  	[smem:$0x3FAD] =	sst s8  }
0x11: {  	[smem:$0x3FAE] =	sst s9;
	s0 =	simm.s32 @!p0 $0x0  }
0x12: {  	s1 =	sld [smem:$0x3F94];
	s0 =	simm.s32 @p0 $0x1  }
0x13: {  	[smem:$0x3FAF] =	sst s0;
	s0 =	simm.s32 @!p1 $0x0  }
0x14: {  	s2 =	sld [smem:$0x3F93];
	s0 =	simm.s32 @p1 $0x1  }
0x15: {  	[smem:$0x3FB0] =	sst s0;
	s0 =	simm.s32 @!p2 $0x0  }
0x16: {  	s3 =	sld [smem:$0x3FDB];
	s0 =	simm.s32 @p2 $0x1  }
0x17: {  	s4 =	simm.s32 $0x1BF5;
	[smem:$0x3FB2] =	sst s0  }
0x18: {  	s0 =	sld [smem:$0x3F95];
	_ =	swait.ge [sflag:s4], $0x0  }
0x19: {  	s7 =	sld [smem:$0x3F96]  }
0x1a: {  	s8 =	sadd.s32 $0xFFFFE003, lr  }
0x1b: {  	s9 =	sadd.s32 $0xFFFFFEF7, lr;
	s5 =	simm.s32 $0xFFFFFFFF;
	p2 =	slt.u32 s8, $0xFFFFF086  }
0x1c: {  	p1 =	slt.u32 s9, $0xF7A;
	s5 =	simm.s32 @!p2 $0x0  }
0x1d: {  	s5 =	simm.s32 @p1 $0x1;
	p0 =	seq.s32 s7, s2  }
0x1e: {  	s7 =	smul.u32 @!p0 $0xF7A, s2;
	p2 =	seq.s32 @!p0 s5, $0x0  }
0x1f: {  	s9 =	smul.u32 $0xF7A, s1;
	s8 =	simm.s32 @!p0 $0x1BF5;
	p2 =	por !p2, p0  }
0x20: {  	[sflag:s8] =	ssyncset.s32 @!p0 $0xFFFFF086;
	s6 =	sadd.s32 @!p0 s3, s7;
	s7 =	simm.s32 @!p0 $0x108  }
0x21: {  	s3 =	sadd.s32 s3, s9;
	s6 =	sadd.s32 @!p0 $0x88, s6;
	s7 =	simm.s32 @p2 $0x1082  }
0x22: {  	[simem:s7], [sflag:s8] =	dma.local @!p0 [hbm:s6], $0xF7A  }
0x23: {  	s9 =	sor.u32 $0xD0000000, s2;
	s6 =	simm.s32 $0x108;
	_ =	swait.ge @!p0 [sflag:s8], $0x0  }
0x24: {  	s3 =	sadd.s32 $0x88, s3;
	s6 =	simm.s32 @!p1 $0x1082;
	[sflag:s4] =	ssyncset.s32 $0xFFFFF086  }
0x25: {  	[simem:s6], [sflag:s4] =	dma.local [hbm:s3], $0xF7A  }
0x26: {  	[smem:$0x3F96] =	sst s1;
	(tag) =	ssettag s2;
	_ =	strace s9  }
0x27: {  	s1 =	sld [smem:$0x3FA6]  }
0x28: {  	s2 =	sld [smem:$0x3FA7]  }
0x29: {  	s4 =	sld [smem:$0x3FA9]  }
0x2a: {  	p0 =	seq.s32 s5, $0x0;
	s5 =	sld [smem:$0x3FAA]  }
0x2b: {  	s6 =	sld [smem:$0x3FAB]  }
0x2c: {  	s7 =	sld [smem:$0x3FAC]  }
0x2d: {  	s3 =	simm.s32 $0x108;
	s8 =	sld [smem:$0x3FAD]  }
0x2e: {  	s3 =	simm.s32 @!p0 $0x1082;
	s9 =	sld [smem:$0x3FAE]  }
0x2f: {  	lr =	sadd.s32 s0, s3;
	s0 =	sld [smem:$0x3FA5]  }
0x30: {  	s3 =	sld [smem:$0x3FA8]  }
0x31: {  	[smem:$0x3FB1] =	sst s10  }
0x32: {  	s10 =	sld [smem:$0x3FAF];
	_ =	sdelay $0x3  }
0x33: {  	p0 =	seq.s32 s10, $0x1;
	s10 =	sld [smem:$0x3FB1];
	_ =	sdelay $0x3  }
0x34: {  	[smem:$0x3FB1] =	sst s10  }
0x35: {  	s10 =	sld [smem:$0x3FB0];
	_ =	sdelay $0x3  }
0x36: {  	p1 =	seq.s32 s10, $0x1;
	s10 =	sld [smem:$0x3FB1];
	_ =	sdelay $0x3  }
0x37: {  	[smem:$0x3FB1] =	sst s10  }
0x38: {  	s10 =	sld [smem:$0x3FB2]  }
0x39: {  	_ = 	snop;
	(pc) =	sbr.ind lr, $3  }
0x3a: {  	_ = 	snop  }
0x3b: {  	_ = 	snop  }
0x3c: {  	p2 =	seq.s32 s10, $0x1;
	s10 =	sld [smem:$0x3FB1]  }
0x3d: {  	_ =	shalt  }
0x3e: {  	_ =	shalt  }
0x3f: {  	_ =	shalt  }
0x40: {  	_ =	shalt  }
0x41: {  	_ =	shalt  }
0x42: {  	_ =	shalt  }
0x43: {  	_ =	shalt  }
0x44: {  	_ =	shalt  }
0x45: {  	_ =	shalt  }
0x46: {  	_ =	shalt  }
0x47: {  	_ =	shalt  }
0x48: {  	_ =	shalt  }
0x49: {  	_ =	shalt  }
0x4a: {  	_ =	shalt  }
0x4b: {  	_ =	shalt  }
0x4c: {  	_ =	shalt  }
0x4d: {  	_ =	shalt  }
0x4e: {  	_ =	shalt  }
0x4f: {  	_ =	shalt  }
0x50: {  	_ =	shalt  }
0x51: {  	_ =	shalt  }
0x52: {  	_ =	shalt  }
0x53: {  	_ =	shalt  }
0x54: {  	_ =	shalt  }
0x55: {  	_ =	shalt  }
0x56: {  	_ =	shalt  }
0x57: {  	_ =	shalt  }
0x58: {  	_ =	shalt  }
0x59: {  	_ =	shalt  }
0x5a: {  	_ =	shalt  }
0x5b: {  	_ =	shalt  }
0x5c: {  	_ =	shalt  }
0x5d: {  	_ =	shalt  }
0x5e: {  	_ =	shalt  }
0x5f: {  	_ =	shalt  }
0x60: {  	_ =	shalt  }
0x61: {  	_ =	shalt  }
0x62: {  	_ =	shalt  }
0x63: {  	_ =	shalt  }
0x64: {  	_ =	shalt  }
0x65: {  	_ =	shalt  }
0x66: {  	_ =	shalt  }
0x67: {  	_ =	shalt  }
0x68: {  	_ =	shalt  }
0x69: {  	_ =	shalt  }
0x6a: {  	_ =	shalt  }
0x6b: {  	_ =	shalt  }
0x6c: {  	_ =	shalt  }
0x6d: {  	_ =	shalt  }
0x6e: {  	_ =	shalt  }
0x6f: {  	_ =	shalt  }
0x70: {  	_ =	shalt  }
0x71: {  	_ =	shalt  }
0x72: {  	_ =	shalt  }
0x73: {  	_ =	shalt  }
0x74: {  	_ =	shalt  }
0x75: {  	_ =	shalt  }
0x76: {  	_ =	shalt  }
0x77: {  	_ =	shalt  }
0x78: {  	_ =	shalt  }
0x79: {  	_ =	shalt  }
0x7a: {  	_ =	shalt  }
0x7b: {  	_ =	shalt  }
0x7c: {  	_ =	shalt  }
0x7d: {  	_ =	shalt  }
0x7e: {  	_ =	shalt  }
0x7f: {  	_ =	shalt  }
0x80: {  	_ =	shalt  }
0x81: {  	_ =	shalt  }
0x82: {  	_ =	shalt  }
0x83: {  	_ =	shalt  }
0x84: {  	_ =	shalt  }
0x85: {  	_ =	shalt  }
0x86: {  	_ =	shalt  }
0x87: {  	_ =	shalt  }
.Lfunc_end0:
.L_simem_size_0:
called_computation.2_lowered:
.L_overlay_start_0:
0x88: {  	s2 =	sld [smem:$0x3FD9]  }
0x89: {  	s3 =	sld [smem:$0x3FFE];
	_ =	sdelay $0x1  }
0x8a: {  	s1 =	srdreg.scid  }
0x8b: {  	s0 =	sand.u32 $0x1, s1  }
0x8c: {  	s16 =	sshll.u32 s0, $0xA;
	s2 =	sadd.s32 s3, s2  }
0x8d: {  	s2 =	sadd.s32 s2, s16  }
0x8e: {  	[smem:$0x3FBD] =	sst s2  }
0x8f: {  	_ = 	snop  }
0x90: {  	(tm) =	ssettm $0x1  }
0x91: {  	s17 =	sld [smem:$0x3FFB];
	_ =	sdelay $0x3  }
0x92: {  	_ =	strace s17  }
0x93: {  	s2 =	sld [smem:$0x3FFC];
	_ =	sdelay $0x3  }
0x94: {  	_ =	strace s2  }
0x95: {  	s2 =	sld [smem:$0x3FFD];
	_ =	sdelay $0x3  }
0x96: {  	_ =	strace s2  }
0x97: {  	_ =	strace $0x8FFFFFFF  }
0x98: {  	s18 =	sld [smem:$0x3FDB];
	_ =	sdelay $0x1  }
0x99: {  	s19 =	simm.s32 $_scs_section_size  }
0x9a: {  	s4 =	simm.s32 $_size__tile_overlayer_lowered;
	s5 =	simm.s32 $_tile_overlayer_lowered  }
0x9b: {  	s22 =	simm.s32 $0x1BFF;
	s21 =	sshll.u32 s5, $0x1;
	s2 =	sadd.s32 s19, s18  }
0x9c: {  	s6 =	simm.s32 $0x0;
	s20 =	sshll.u32 s4, $0x1;
	s4 =	sadd.s32 s21, s2  }
0x9d: {  	[timem:s6], [sflag:s22] =	dma.local [hbm:s4], s20  }
0x9e: {  	_ =	swait.ge [sflag:s22], s20  }
0x9f: {  	s3 =	ssub.s32 $0x0, s20;
	[sflag:s22] =	ssyncset.done $0x0  }
0xa0: {  	[sflag:s22] =	ssyncadd.s32 s3;
	_ =	sdelay $0x1  }
0xa1: {  	s23 =	simm.s32 $0x1B8B  }
0xa2: {  	_ =	swait.ge [sflag:s23], $0x1  }
0xa3: {  	[sflag:s23] =	ssyncset.done $0x0  }
0xa4: {  	s25 =	simm.s32 $0x1B8E;
	s24 =	sld [smem:$0x3FFE];
	[sflag:s23] =	ssyncadd.s32 $0xFFFFFFFF  }
0xa5: {  	s26 =	simm.s32 $execute0_lowered;
	[smem:$0x3FD2] =	sst s25  }
0xa6: {  	s4 =	sshll.u32 s26, $0x1;
	_ =	strace $0x8000004C;
	[dreg:$0x1] =	wrdreg $0xFFFFFFFF  }
0xa7: {  	s28 =	simm.s32 $_size_execute0_lowered;
	s2 =	sadd.s32 s2, s4;
	[dreg:$0x0] =	wrdreg $0x0  }
0xa8: {  	s4 =	sshll.u32 s28, $0x1;
	[dreg:$0x2] =	wrdreg s2  }
0xa9: {  	[dreg:$0x3] =	wrdreg s4  }
0xaa: {  	[dreg:$0x4] =	wrdreg $0xC0  }
0xab: {  	_ =	task [dreg:s6], $0x5FFFF  }
0xac: {  	[dreg:$0x1] =	wrdreg $0xFFFFFFFF  }
0xad: {  	[dreg:$0x0] =	wrdreg $0x60  }
0xae: {  	[dreg:$0x2] =	wrdreg s24  }
0xaf: {  	[dreg:$0x3] =	wrdreg $0xB2200  }
0xb0: {  	[dreg:$0x4] =	wrdreg $0x9  }
0xb1: {  	_ =	task.clear_ibuf [dreg:s6], $0x5FFFF;
	_ =	strace $0x9000004C  }
0xb2: {  	s29 =	simm.s32 $0x9;
	_ =	strace $0x8000004E  }
0xb3: {  	_ =	swait.ge [sflag:s29], $0x1  }
0xb4: {  	[sflag:s29] =	ssyncadd.s32 $0xFFFFFFFF  }
0xb5: {  	_ =	strace $0x9000004E  }
0xb6: {  	_ =	sfence  }
0xb7: {  	s30 =	sld [smem:$0x0];
	_ =	sdelay $0x2  }
0xb8: {  	s31 =	sshll.u32 s1, $0xD;
	s1 =	sshrl.u32 s1, $0x2  }
0xb9: {  	s3 =	sand.u32 $0x4000, s31;
	s1 =	sadd.s32 s1, s30  }
0xba: {  	s0 =	sor.u32 s3, s0;
	s1 =	sshll.u32 s1, $0x11  }
0xbb: {  	s0 =	sor.u32 s1, s0  }
0xbc: {  	s0 =	sadd.s32 $0x8F2B, s0  }
0xbd: {  	[sflag:s0] =	ssyncadd.remote.s32 $0x1  }
0xbe: {  	_ =	sfence.sel $0xFFFF  }
0xbf: {  	[dreg:$0x0] =	wrdreg $0xFFFFFFFF;
	(pc) =	sbr.abs _section_cstart, $3  }
0xc0: {  	[dreg:$0x1] =	wrdreg $0xFFFFFFFF  }
0xc1: {  	_ =	task.clear_ibuf [dreg:s6], $0x2FFFF;
	_ =	strace $0x9FFFFFFF  }
0xc2: {  	(tm) =	ssettm $0x7FFFFFFF  }
0xc3: {  	_ =	shalt  }
tec
execute0_lowered:
.L_overlay_start_1:
0x0: {  	(tag) =	ssettag $0x1  }
0x1: {  	s0 =	srdreg.scid  }
0x2: {  	s10 =	stileid.u32;
	s6 =	rddreg [dreg:$0x0]  }
0x3: {  	s2 =	rddreg [dreg:$0x1];
	s3 =	simm.s32 $0x0;
	s12 =	simm.s32 $0x6  }
0x4: {  	s14 =	simm.s32 $0x50;
	s15 =	simm.s32 $0x4E20;
	s16 =	simm.s32 $0x6220  }
0x5: {  	s18 =	simm.s32 $0x7620;
	s20 =	simm.s32 $0x8A20;
	s22 =	simm.s32 $0x9E20  }
0x6: {  	s23 =	simm.s32 $0x1;
	s24 =	simm.s32 $0x2;
	s28 =	simm.s32 $0x5  }
0x7: {  	s29 =	simm.s32 $0x4C90;
	s30 =	simm.s32 $0x4CE0;
	s31 =	simm.s32 $0x4D30  }
0x8: {  	s13 =	simm.s32 $0x0;
	s0 =	sand.u32 $0x1, s0;
	s7 =	smul.u32 $0x9E00, s10  }
0x9: {  	[smem:$0x7FF] =	sst s3;
	s4 =	sadd.s32 $0x16000, s6;
	s26 =	sshll.u32 s10, $0x6  }
0xa: {  	s1 =	sshll.u32 s0, $0x4;
	s5 =	smul.u32 $0x9E000, s0;
	s0 =	ssub.s32 $0x2, s0  }
0xb: {  	_ =	strace $0x8000004D;
	s1 =	sor.u32 s10, s1;
	s25 =	sshrl.u32 s0, $0x1  }
0xc: {  	s11 =	sadd.s32 s7, s2;
	s1 =	smul.u32 $0x4E2, s1;
	s8 =	sadd.s32 s7, s5  }
0xd: {  	s5 =	sadd.s32 $0x29C00, s6;
	s0 =	ssub.s32 s0, s25;
	s11 =	sshrl.u32 s11, $0x3  }
0xe: {  	s25 =	simm.s32 $0x3;
	s8 =	sshrl.u32 s8, $0x3;
	s10 =	smax.u32 s0, $0x1  }
0xf: {  	s0 =	simm.s32 $0x4DD0;
	s1 =	sadd.s32 s1, s6;
	s9 =	sadd.s32 s8, s6  }
0x10: {  	s6 =	sor.u32 $0x1C06, s26;
	s26 =	simm.s32 $0x4;
	s7 =	sadd.s32 $0x2400, s1  }
0x11: {  	s8 =	sadd.s32 $0xC200, s1;
	s9 =	sadd.s32 $0x2B000, s9;
	s1 =	simm.s32 $0x4D80  }
.LBB2_1:
0x12: {  	[spmem:s11], [sflag:s6] =	dma.local [hbm:s5], $0x13C0  }
0x13: {  	_ =	swait.ge [sflag:s12], $0x13C0  }
0x14: {  	[sflag:s12] =	ssyncset.done $0x0  }
0x15: {  	[sflag:s12] =	ssyncadd.s32 $0xFFFFEC40  }
0x16: {  	[tilespmem:s3], [sflag:$0x6] =	stream.linear.gather [hbm4b:s7+s3], $0x2710, $0x38;
	[tilespmem:$0x15020] =	vst v63  }
0x17: {  	_ =	swait.ge [sflag:s12], $0x2710  }
0x18: {  	[sflag:s12] =	ssyncset.done $0x0  }
0x19: {  	s17 =	simm.s32 $0x2710;
	[sflag:s12] =	ssyncadd.s32 $0xFFFFD8F0  }
0x1a: {  	[tilespmem:s17], [sflag:$0x6] =	stream.linear.gather [hbm4b:s8+s3], $0x2710, $0x38;
	[tilespmem:$0x15020] =	vst v63  }
0x1b: {  	_ =	swait.ge [sflag:s12], $0x2710  }
0x1c: {  	[sflag:s12] =	ssyncset.done $0x0  }
0x1d: {  	[sflag:s12] =	ssyncadd.s32 $0xFFFFD8F0  }
0x1e: {  	[bflag:$0x0] =	sbarrier.arrive $0xFFFF  }
0x1f: {  	[tilespmem:s15], [sflag:$0x1] =	stream.indirect.gather [hbm4b:s4+s14], $0x40, s3, s14, $0xb8;
	[tilespmem:$0x15020] =	vst v63  }
0x20: {  	_ = 	snop  }
0x21: {  	[tilespmem:s16], [sflag:$0x2] =	stream.indirect.gather [hbm4b:s4+s14], $0x40, s14, s14, $0xb8;
	[tilespmem:$0x15020] =	vst v63  }
0x22: {  	s19 =	simm.s32 $0xA0  }
0x23: {  	[tilespmem:s18], [sflag:$0x3] =	stream.indirect.gather [hbm4b:s4+s14], $0x40, s19, s14, $0xb8;
	[tilespmem:$0x15020] =	vst v63  }
0x24: {  	s21 =	simm.s32 $0xF0  }
0x25: {  	[tilespmem:s20], [sflag:$0x4] =	stream.indirect.gather [hbm4b:s4+s14], $0x40, s21, s14, $0xb8;
	[tilespmem:$0x15020] =	vst v63  }
0x26: {  	s19 =	simm.s32 $0x140  }
0x27: {  	[tilespmem:s22], [sflag:$0x5] =	stream.indirect.gather [hbm4b:s4+s14], $0x40, s19, s14, $0xb8;
	[tilespmem:$0x15020] =	vst v63  }
0x28: {  	_ =	swait.ge [sflag:s23], $0x1400  }
0x29: {  	[sflag:s23] =	ssyncset.done $0x0  }
0x2a: {  	s21 =	simm.s32 $0x2710;
	[sflag:s23] =	ssyncadd.s32 $0xFFFFEC00  }
0x2b: {  	[spmem:s2] =	stream.indirect.scatter.add.f32 [tilespmem:s15], [sflag:$0x6], $0x40, s21, s14, $0xb8;
	[tilespmem:$0x15020] =	vst v63  }
0x2c: {  	_ =	swait.ge [sflag:s12], $0x1400  }
0x2d: {  	[sflag:s12] =	ssyncset.done $0x0  }
0x2e: {  	s19 =	simm.s32 $0x190;
	[sflag:s12] =	ssyncadd.s32 $0xFFFFEC00  }
0x2f: {  	[tilespmem:s15], [sflag:$0x1] =	stream.indirect.gather [hbm4b:s4+s14], $0x40, s19, s14, $0xb8;
	[tilespmem:$0x15020] =	vst v63  }
0x30: {  	_ =	swait.ge [sflag:s24], $0x1400  }
0x31: {  	[sflag:s24] =	ssyncset.done $0x0  }
0x32: {  	s21 =	simm.s32 $0x2760;
	[sflag:s24] =	ssyncadd.s32 $0xFFFFEC00  }
0x33: {  	[spmem:s2] =	stream.indirect.scatter.add.f32 [tilespmem:s16], [sflag:$0x6], $0x40, s21, s14, $0xb8;
	[tilespmem:$0x15020] =	vst v63  }
0x34: {  	_ =	swait.ge [sflag:s12], $0x1400  }
0x35: {  	[sflag:s12] =	ssyncset.done $0x0  }
0x36: {  	s19 =	simm.s32 $0x1E0;
	[sflag:s12] =	ssyncadd.s32 $0xFFFFEC00  }
0x37: {  	[tilespmem:s16], [sflag:$0x2] =	stream.indirect.gather [hbm4b:s4+s14], $0x40, s19, s14, $0xb8;
	[tilespmem:$0x15020] =	vst v63  }
0x38: {  	_ =	swait.ge [sflag:s25], $0x1400  }
0x39: {  	[sflag:s25] =	ssyncset.done $0x0  }
0x3a: {  	s21 =	simm.s32 $0x27B0;
	[sflag:s25] =	ssyncadd.s32 $0xFFFFEC00  }
0x3b: {  	[spmem:s2] =	stream.indirect.scatter.add.f32 [tilespmem:s18], [sflag:$0x6], $0x40, s21, s14, $0xb8;
	[tilespmem:$0x15020] =	vst v63  }
0x3c: {  	_ =	swait.ge [sflag:s12], $0x1400  }
0x3d: {  	[sflag:s12] =	ssyncset.done $0x0  }
0x3e: {  	s19 =	simm.s32 $0x230;
	[sflag:s12] =	ssyncadd.s32 $0xFFFFEC00  }
0x3f: {  	[tilespmem:s18], [sflag:$0x3] =	stream.indirect.gather [hbm4b:s4+s14], $0x40, s19, s14, $0xb8;
	[tilespmem:$0x15020] =	vst v63  }
0x40: {  	_ =	swait.ge [sflag:s26], $0x1400  }
0x41: {  	[sflag:s26] =	ssyncset.done $0x0  }
0x42: {  	s21 =	simm.s32 $0x2800;
	[sflag:s26] =	ssyncadd.s32 $0xFFFFEC00  }
0x43: {  	[spmem:s2] =	stream.indirect.scatter.add.f32 [tilespmem:s20], [sflag:$0x6], $0x40, s21, s14, $0xb8;
	[tilespmem:$0x15020] =	vst v63  }
0x44: {  	_ =	swait.ge [sflag:s12], $0x1400  }
0x45: {  	[sflag:s12] =	ssyncset.done $0x0  }
0x46: {  	s19 =	simm.s32 $0x280;
	[sflag:s12] =	ssyncadd.s32 $0xFFFFEC00  }
0x47: {  	[tilespmem:s20], [sflag:$0x4] =	stream.indirect.gather [hbm4b:s4+s14], $0x40, s19, s14, $0xb8;
	[tilespmem:$0x15020] =	vst v63  }
0x48: {  	_ =	swait.ge [sflag:s28], $0x1400  }
0x49: {  	[sflag:s28] =	ssyncset.done $0x0  }
0x4a: {  	s21 =	simm.s32 $0x2850;
	[sflag:s28] =	ssyncadd.s32 $0xFFFFEC00  }
0x4b: {  	[spmem:s2] =	stream.indirect.scatter.add.f32 [tilespmem:s22], [sflag:$0x6], $0x40, s21, s14, $0xb8;
	[tilespmem:$0x15020] =	vst v63  }
0x4c: {  	_ =	swait.ge [sflag:s12], $0x1400  }
0x4d: {  	[sflag:s12] =	ssyncset.done $0x0  }
0x4e: {  	s17 =	simm.s32 $0x640;
	s19 =	simm.s32 $0x2D0;
	[sflag:s12] =	ssyncadd.s32 $0xFFFFEC00  }
.LBB2_2:
0x4f: {  	[tilespmem:s22], [sflag:$0x5] =	stream.indirect.gather [hbm4b:s4+s14], $0x40, s19, s14, $0xb8;
	[tilespmem:$0x15020] =	vst v63  }
0x50: {  	s19 =	smov.u32 s17  }
0x51: {  	p0 =	sne.s32 s17, $0x8FC0;
	s17 =	sadd.s32 $0x640, s17;
	_ =	swait.ge [sflag:s23], $0x1400  }
0x52: {  	s19 =	sshra.s32 s19, $0x2;
	[sflag:s23] =	ssyncset.done $0x0  }
0x53: {  	s21 =	sadd.s32 $0x2710, s19;
	[sflag:s23] =	ssyncadd.s32 $0xFFFFEC00  }
0x54: {  	[spmem:s2] =	stream.indirect.scatter.add.f32 [tilespmem:s15], [sflag:$0x6], $0x40, s21, s14, $0xb8;
	[tilespmem:$0x15020] =	vst v63  }
0x55: {  	_ =	swait.ge [sflag:s12], $0x1400  }
0x56: {  	[sflag:s12] =	ssyncset.done $0x0  }
0x57: {  	s21 =	sadd.s32 $0x190, s19;
	[sflag:s12] =	ssyncadd.s32 $0xFFFFEC00  }
0x58: {  	[tilespmem:s15], [sflag:$0x1] =	stream.indirect.gather [hbm4b:s4+s14], $0x40, s21, s14, $0xb8;
	[tilespmem:$0x15020] =	vst v63  }
0x59: {  	_ =	swait.ge [sflag:s24], $0x1400  }
0x5a: {  	[sflag:s24] =	ssyncset.done $0x0  }
0x5b: {  	s21 =	sadd.s32 $0x2760, s19;
	[sflag:s24] =	ssyncadd.s32 $0xFFFFEC00  }
0x5c: {  	[spmem:s2] =	stream.indirect.scatter.add.f32 [tilespmem:s16], [sflag:$0x6], $0x40, s21, s14, $0xb8;
	[tilespmem:$0x15020] =	vst v63  }
0x5d: {  	_ =	swait.ge [sflag:s12], $0x1400  }
0x5e: {  	[sflag:s12] =	ssyncset.done $0x0  }
0x5f: {  	s21 =	sadd.s32 $0x1E0, s19;
	[sflag:s12] =	ssyncadd.s32 $0xFFFFEC00  }
0x60: {  	[tilespmem:s16], [sflag:$0x2] =	stream.indirect.gather [hbm4b:s4+s14], $0x40, s21, s14, $0xb8;
	[tilespmem:$0x15020] =	vst v63  }
0x61: {  	_ =	swait.ge [sflag:s25], $0x1400  }
0x62: {  	[sflag:s25] =	ssyncset.done $0x0  }
0x63: {  	s21 =	sadd.s32 $0x27B0, s19;
	[sflag:s25] =	ssyncadd.s32 $0xFFFFEC00  }
0x64: {  	[spmem:s2] =	stream.indirect.scatter.add.f32 [tilespmem:s18], [sflag:$0x6], $0x40, s21, s14, $0xb8;
	[tilespmem:$0x15020] =	vst v63  }
0x65: {  	_ =	swait.ge [sflag:s12], $0x1400  }
0x66: {  	[sflag:s12] =	ssyncset.done $0x0  }
0x67: {  	s21 =	sadd.s32 $0x230, s19;
	[sflag:s12] =	ssyncadd.s32 $0xFFFFEC00  }
0x68: {  	[tilespmem:s18], [sflag:$0x3] =	stream.indirect.gather [hbm4b:s4+s14], $0x40, s21, s14, $0xb8;
	[tilespmem:$0x15020] =	vst v63  }
0x69: {  	_ =	swait.ge [sflag:s26], $0x1400  }
0x6a: {  	[sflag:s26] =	ssyncset.done $0x0  }
0x6b: {  	s21 =	sadd.s32 $0x2800, s19;
	[sflag:s26] =	ssyncadd.s32 $0xFFFFEC00  }
0x6c: {  	[spmem:s2] =	stream.indirect.scatter.add.f32 [tilespmem:s20], [sflag:$0x6], $0x40, s21, s14, $0xb8;
	[tilespmem:$0x15020] =	vst v63  }
0x6d: {  	_ =	swait.ge [sflag:s12], $0x1400  }
0x6e: {  	[sflag:s12] =	ssyncset.done $0x0  }
0x6f: {  	s21 =	sadd.s32 $0x280, s19;
	[sflag:s12] =	ssyncadd.s32 $0xFFFFEC00  }
0x70: {  	[tilespmem:s20], [sflag:$0x4] =	stream.indirect.gather [hbm4b:s4+s14], $0x40, s21, s14, $0xb8;
	[tilespmem:$0x15020] =	vst v63  }
0x71: {  	_ =	swait.ge [sflag:s28], $0x1400  }
0x72: {  	[sflag:s28] =	ssyncset.done $0x0  }
.Ltmp0:
0x73: {  	s21 =	sadd.s32 $0x2850, s19;
	[sflag:s28] =	ssyncadd.s32 $0xFFFFEC00;
	(pc) =	sbr.rel @p0 .LBB2_2-.Ltmp0, $4  }
0x74: {  	[spmem:s2] =	stream.indirect.scatter.add.f32 [tilespmem:s22], [sflag:$0x6], $0x40, s21, s14, $0xb8;
	[tilespmem:$0x15020] =	vst v63  }
0x75: {  	_ =	swait.ge [sflag:s12], $0x1400  }
0x76: {  	[sflag:s12] =	ssyncset.done $0x0  }
0x77: {  	s19 =	sadd.s32 $0x2D0, s19;
	[sflag:s12] =	ssyncadd.s32 $0xFFFFEC00  }
0x78: {  	[tilespmem:s22], [sflag:$0x5] =	stream.indirect.gather [hbm4b:s4+s14], $0x40, s19, s14, $0xb8;
	[tilespmem:$0x15020] =	vst v63  }
0x79: {  	_ =	swait.ge [sflag:s23], $0x1400  }
0x7a: {  	[sflag:s23] =	ssyncset.done $0x0  }
0x7b: {  	[sflag:s23] =	ssyncadd.s32 $0xFFFFEC00  }
0x7c: {  	[spmem:s2] =	stream.indirect.scatter.add.f32 [tilespmem:s15], [sflag:$0x6], $0x40, s29, s14, $0xb8;
	[tilespmem:$0x15020] =	vst v63  }
0x7d: {  	_ =	swait.ge [sflag:s12], $0x1400  }
0x7e: {  	[sflag:s12] =	ssyncset.done $0x0  }
0x7f: {  	[sflag:s12] =	ssyncadd.s32 $0xFFFFEC00  }
0x80: {  	_ =	swait.ge [sflag:s24], $0x1400  }
0x81: {  	[sflag:s24] =	ssyncset.done $0x0  }
0x82: {  	[sflag:s24] =	ssyncadd.s32 $0xFFFFEC00  }
0x83: {  	[spmem:s2] =	stream.indirect.scatter.add.f32 [tilespmem:s16], [sflag:$0x6], $0x40, s30, s14, $0xb8;
	[tilespmem:$0x15020] =	vst v63  }
0x84: {  	_ =	swait.ge [sflag:s12], $0x1400  }
0x85: {  	[sflag:s12] =	ssyncset.done $0x0  }
0x86: {  	[sflag:s12] =	ssyncadd.s32 $0xFFFFEC00  }
0x87: {  	_ =	swait.ge [sflag:s25], $0x1400  }
0x88: {  	[sflag:s25] =	ssyncset.done $0x0  }
0x89: {  	[sflag:s25] =	ssyncadd.s32 $0xFFFFEC00  }
0x8a: {  	[spmem:s2] =	stream.indirect.scatter.add.f32 [tilespmem:s18], [sflag:$0x6], $0x40, s31, s14, $0xb8;
	[tilespmem:$0x15020] =	vst v63  }
0x8b: {  	_ =	swait.ge [sflag:s12], $0x1400  }
0x8c: {  	[sflag:s12] =	ssyncset.done $0x0  }
0x8d: {  	[sflag:s12] =	ssyncadd.s32 $0xFFFFEC00  }
0x8e: {  	_ =	swait.ge [sflag:s26], $0x1400  }
0x8f: {  	[sflag:s26] =	ssyncset.done $0x0  }
0x90: {  	[sflag:s26] =	ssyncadd.s32 $0xFFFFEC00  }
0x91: {  	[spmem:s2] =	stream.indirect.scatter.add.f32 [tilespmem:s20], [sflag:$0x6], $0x40, s1, s14, $0xb8;
	[tilespmem:$0x15020] =	vst v63  }
0x92: {  	_ =	swait.ge [sflag:s12], $0x1400  }
0x93: {  	[sflag:s12] =	ssyncset.done $0x0  }
0x94: {  	[sflag:s12] =	ssyncadd.s32 $0xFFFFEC00  }
0x95: {  	_ =	swait.ge [sflag:s28], $0x1400  }
0x96: {  	[sflag:s28] =	ssyncset.done $0x0  }
0x97: {  	[sflag:s28] =	ssyncadd.s32 $0xFFFFEC00  }
0x98: {  	[spmem:s2] =	stream.indirect.scatter.add.f32 [tilespmem:s22], [sflag:$0x6], $0x40, s0, s14, $0xb8;
	[tilespmem:$0x15020] =	vst v63  }
0x99: {  	_ =	swait.ge [sflag:s12], $0x1400  }
0x9a: {  	s13 =	sadd.s32 $0x1, s13;
	[sflag:s12] =	ssyncset.done $0x0  }
0x9b: {  	p0 =	sne.s32 s13, s10;
	[sflag:s12] =	ssyncadd.s32 $0xFFFFEC00  }
.Ltmp1:
0x9c: {  	[bflag:$0x0] =	sbarrier.arrive $0xFFFF;
	(pc) =	sbr.rel @p0 .LBB2_1-.Ltmp1, $4  }
0x9d: {  	[hbm:s9], [sflag:s6] =	dma.local [spmem:s11], $0x13C0  }
0x9e: {  	_ =	swait.ge [sflag:s12], $0x13C0  }
0x9f: {  	[sflag:s12] =	ssyncset.done $0x0  }
0xa0: {  	[sflag:s12] =	ssyncadd.s32 $0xFFFFEC40  }
0xa1: {  	_ =	sfence.sel $0x180000  }
0xa2: {  	[bflag:$0x0] =	sbarrier.arrive $0xFFFF  }
0xa3: {  	_ =	strace $0x9000004D  }
0xa4: {  	s0 =	stileid.u32;
	[bflag:$0x2] =	sbarrier.arrive $0xFFFF  }
0xa5: {  	p0 =	sne.s32 s0, $0x0;
	s0 =	rddreg [dreg:$0x2]  }
0xa6: {  	s0 =	sadd.s32 @!p0 $0x100000, s0  }
0xa7: {  	[sflag:s0] =	ssyncadd.tile.s32 @!p0 $0x1;
	_ =	shalt  }
.Lfunc_end2:
_tile_overlayer_lowered:
.L_overlay_start_2:
0xa8: {  	(tag) =	ssettag $0x2  }
0xa9: {  	s0 =	rddreg [dreg:$0x0];
	s2 =	stileid.u32  }
0xaa: {  	s1 =	rddreg [dreg:$0x1];
	p0 =	sne.s32 s2, $0x0  }
0xab: {  	s3 =	rddreg [dreg:$0x2];
	[bflag:$0x3] =	sbarrier.arrive $0xFFFF;
	s2 =	simm.s32 @!p0 $0x1C06  }
0xac: {  	[timem:s3], [sflag:s2] =	dma.local @!p0 [hbm:s0], s1  }
0xad: {  	s0 =	simm.s32 @!p0 $0x6  }
0xae: {  	_ =	swait.ge @!p0 [sflag:s0], s1  }
0xaf: {  	s1 =	ssub.s32 @!p0 $0x0, s1;
	[sflag:s0] =	ssyncset.done @!p0 $0x0  }
0xb0: {  	[sflag:s0] =	ssyncadd.s32 @!p0 s1  }
0xb1: {  	[bflag:$0x3] =	sbarrier.arrive $0xFFFF  }
0xb2: {  	_ =	shalt  }

// kernel: kernel.19.cloned.1.call-start
scs
__scs_entry_jumppad:
0x0: {  	(pc) =	sbr.rel $0x88, $3  }
0x1: {  	(tag) =	ssettag $0x0;
	lr =	simm.s32 $0x1  }
0x2: {  	[smem:$0x3F96] =	sst lr;
	_ =	strace $0xD0000000  }
0x3: {  	_ = 	snop  }
0x4: {  	_ = 	snop  }
0x5: {  	_ = 	snop  }
0x6: {  	_ = 	snop  }
0x7: {  	_ = 	snop  }
__scs_overlays_trampoline_lowered:
0x8: {  	[smem:$0x3FA5] =	sst s0  }
0x9: {  	[smem:$0x3FA6] =	sst s1  }
0xa: {  	[smem:$0x3FA7] =	sst s2  }
0xb: {  	[smem:$0x3FA8] =	sst s3  }
0xc: {  	[smem:$0x3FA9] =	sst s4  }
0xd: {  	[smem:$0x3FAA] =	sst s5  }
0xe: {  	[smem:$0x3FAB] =	sst s6  }
0xf: {  	[smem:$0x3FAC] =	sst s7  }
0x10: {  	[smem:$0x3FAD] =	sst s8  }
0x11: {  	[smem:$0x3FAE] =	sst s9;
	s0 =	simm.s32 @!p0 $0x0  }
0x12: {  	s1 =	sld [smem:$0x3F94];
	s0 =	simm.s32 @p0 $0x1  }
0x13: {  	[smem:$0x3FAF] =	sst s0;
	s0 =	simm.s32 @!p1 $0x0  }
0x14: {  	s2 =	sld [smem:$0x3F93];
	s0 =	simm.s32 @p1 $0x1  }
0x15: {  	[smem:$0x3FB0] =	sst s0;
	s0 =	simm.s32 @!p2 $0x0  }
0x16: {  	s3 =	sld [smem:$0x3FDB];
	s0 =	simm.s32 @p2 $0x1  }
0x17: {  	s4 =	simm.s32 $0x1BF5;
	[smem:$0x3FB2] =	sst s0  }
0x18: {  	s0 =	sld [smem:$0x3F95];
	_ =	swait.ge [sflag:s4], $0x0  }
0x19: {  	s7 =	sld [smem:$0x3F96]  }
0x1a: {  	s8 =	sadd.s32 $0xFFFFE003, lr  }
0x1b: {  	s9 =	sadd.s32 $0xFFFFFEF7, lr;
	s5 =	simm.s32 $0xFFFFFFFF;
	p2 =	slt.u32 s8, $0xFFFFF086  }
0x1c: {  	p1 =	slt.u32 s9, $0xF7A;
	s5 =	simm.s32 @!p2 $0x0  }
0x1d: {  	s5 =	simm.s32 @p1 $0x1;
	p0 =	seq.s32 s7, s2  }
0x1e: {  	s7 =	smul.u32 @!p0 $0xF7A, s2;
	p2 =	seq.s32 @!p0 s5, $0x0  }
0x1f: {  	s9 =	smul.u32 $0xF7A, s1;
	s8 =	simm.s32 @!p0 $0x1BF5;
	p2 =	por !p2, p0  }
0x20: {  	[sflag:s8] =	ssyncset.s32 @!p0 $0xFFFFF086;
	s6 =	sadd.s32 @!p0 s3, s7;
	s7 =	simm.s32 @!p0 $0x108  }
0x21: {  	s3 =	sadd.s32 s3, s9;
	s6 =	sadd.s32 @!p0 $0x88, s6;
	s7 =	simm.s32 @p2 $0x1082  }
0x22: {  	[simem:s7], [sflag:s8] =	dma.local @!p0 [hbm:s6], $0xF7A  }
0x23: {  	s9 =	sor.u32 $0xD0000000, s2;
	s6 =	simm.s32 $0x108;
	_ =	swait.ge @!p0 [sflag:s8], $0x0  }
0x24: {  	s3 =	sadd.s32 $0x88, s3;
	s6 =	simm.s32 @!p1 $0x1082;
	[sflag:s4] =	ssyncset.s32 $0xFFFFF086  }
0x25: {  	[simem:s6], [sflag:s4] =	dma.local [hbm:s3], $0xF7A  }
0x26: {  	[smem:$0x3F96] =	sst s1;
	(tag) =	ssettag s2;
	_ =	strace s9  }
0x27: {  	s1 =	sld [smem:$0x3FA6]  }
0x28: {  	s2 =	sld [smem:$0x3FA7]  }
0x29: {  	s4 =	sld [smem:$0x3FA9]  }
0x2a: {  	p0 =	seq.s32 s5, $0x0;
	s5 =	sld [smem:$0x3FAA]  }
0x2b: {  	s6 =	sld [smem:$0x3FAB]  }
0x2c: {  	s7 =	sld [smem:$0x3FAC]  }
0x2d: {  	s3 =	simm.s32 $0x108;
	s8 =	sld [smem:$0x3FAD]  }
0x2e: {  	s3 =	simm.s32 @!p0 $0x1082;
	s9 =	sld [smem:$0x3FAE]  }
0x2f: {  	lr =	sadd.s32 s0, s3;
	s0 =	sld [smem:$0x3FA5]  }
0x30: {  	s3 =	sld [smem:$0x3FA8]  }
0x31: {  	[smem:$0x3FB1] =	sst s10  }
0x32: {  	s10 =	sld [smem:$0x3FAF];
	_ =	sdelay $0x3  }
0x33: {  	p0 =	seq.s32 s10, $0x1;
	s10 =	sld [smem:$0x3FB1];
	_ =	sdelay $0x3  }
0x34: {  	[smem:$0x3FB1] =	sst s10  }
0x35: {  	s10 =	sld [smem:$0x3FB0];
	_ =	sdelay $0x3  }
0x36: {  	p1 =	seq.s32 s10, $0x1;
	s10 =	sld [smem:$0x3FB1];
	_ =	sdelay $0x3  }
0x37: {  	[smem:$0x3FB1] =	sst s10  }
0x38: {  	s10 =	sld [smem:$0x3FB2]  }
0x39: {  	_ = 	snop;
	(pc) =	sbr.ind lr, $3  }
0x3a: {  	_ = 	snop  }
0x3b: {  	_ = 	snop  }
0x3c: {  	p2 =	seq.s32 s10, $0x1;
	s10 =	sld [smem:$0x3FB1]  }
0x3d: {  	_ =	shalt  }
0x3e: {  	_ =	shalt  }
0x3f: {  	_ =	shalt  }
0x40: {  	_ =	shalt  }
0x41: {  	_ =	shalt  }
0x42: {  	_ =	shalt  }
0x43: {  	_ =	shalt  }
0x44: {  	_ =	shalt  }
0x45: {  	_ =	shalt  }
0x46: {  	_ =	shalt  }
0x47: {  	_ =	shalt  }
0x48: {  	_ =	shalt  }
0x49: {  	_ =	shalt  }
0x4a: {  	_ =	shalt  }
0x4b: {  	_ =	shalt  }
0x4c: {  	_ =	shalt  }
0x4d: {  	_ =	shalt  }
0x4e: {  	_ =	shalt  }
0x4f: {  	_ =	shalt  }
0x50: {  	_ =	shalt  }
0x51: {  	_ =	shalt  }
0x52: {  	_ =	shalt  }
0x53: {  	_ =	shalt  }
0x54: {  	_ =	shalt  }
0x55: {  	_ =	shalt  }
0x56: {  	_ =	shalt  }
0x57: {  	_ =	shalt  }
0x58: {  	_ =	shalt  }
0x59: {  	_ =	shalt  }
0x5a: {  	_ =	shalt  }
0x5b: {  	_ =	shalt  }
0x5c: {  	_ =	shalt  }
0x5d: {  	_ =	shalt  }
0x5e: {  	_ =	shalt  }
0x5f: {  	_ =	shalt  }
0x60: {  	_ =	shalt  }
0x61: {  	_ =	shalt  }
0x62: {  	_ =	shalt  }
0x63: {  	_ =	shalt  }
0x64: {  	_ =	shalt  }
0x65: {  	_ =	shalt  }
0x66: {  	_ =	shalt  }
0x67: {  	_ =	shalt  }
0x68: {  	_ =	shalt  }
0x69: {  	_ =	shalt  }
0x6a: {  	_ =	shalt  }
0x6b: {  	_ =	shalt  }
0x6c: {  	_ =	shalt  }
0x6d: {  	_ =	shalt  }
0x6e: {  	_ =	shalt  }
0x6f: {  	_ =	shalt  }
0x70: {  	_ =	shalt  }
0x71: {  	_ =	shalt  }
0x72: {  	_ =	shalt  }
0x73: {  	_ =	shalt  }
0x74: {  	_ =	shalt  }
0x75: {  	_ =	shalt  }
0x76: {  	_ =	shalt  }
0x77: {  	_ =	shalt  }
0x78: {  	_ =	shalt  }
0x79: {  	_ =	shalt  }
0x7a: {  	_ =	shalt  }
0x7b: {  	_ =	shalt  }
0x7c: {  	_ =	shalt  }
0x7d: {  	_ =	shalt  }
0x7e: {  	_ =	shalt  }
0x7f: {  	_ =	shalt  }
0x80: {  	_ =	shalt  }
0x81: {  	_ =	shalt  }
0x82: {  	_ =	shalt  }
0x83: {  	_ =	shalt  }
0x84: {  	_ =	shalt  }
0x85: {  	_ =	shalt  }
0x86: {  	_ =	shalt  }
0x87: {  	_ =	shalt  }
.Lfunc_end0:
.L_simem_size_0:
called_computation.3_lowered:
.L_overlay_start_0:
0x88: {  	s2 =	sld [smem:$0x3FD9]  }
0x89: {  	s3 =	sld [smem:$0x3FFE];
	_ =	sdelay $0x1  }
0x8a: {  	s1 =	srdreg.scid  }
0x8b: {  	s0 =	sand.u32 $0x1, s1  }
0x8c: {  	s16 =	sshll.u32 s0, $0xA;
	s2 =	sadd.s32 s3, s2  }
0x8d: {  	s2 =	sadd.s32 s2, s16  }
0x8e: {  	[smem:$0x3FBD] =	sst s2  }
0x8f: {  	_ = 	snop  }
0x90: {  	(tm) =	ssettm $0x1  }
0x91: {  	s17 =	sld [smem:$0x3FFB];
	_ =	sdelay $0x3  }
0x92: {  	_ =	strace s17  }
0x93: {  	s2 =	sld [smem:$0x3FFC];
	_ =	sdelay $0x3  }
0x94: {  	_ =	strace s2  }
0x95: {  	s2 =	sld [smem:$0x3FFD];
	_ =	sdelay $0x3  }
0x96: {  	_ =	strace s2  }
0x97: {  	_ =	strace $0x8FFFFFFF  }
0x98: {  	s18 =	sld [smem:$0x3FDB];
	_ =	sdelay $0x1  }
0x99: {  	s19 =	simm.s32 $_scs_section_size  }
0x9a: {  	s4 =	simm.s32 $_size__tile_overlayer_lowered;
	s5 =	simm.s32 $_tile_overlayer_lowered  }
0x9b: {  	s22 =	simm.s32 $0x1BFF;
	s21 =	sshll.u32 s5, $0x1;
	s2 =	sadd.s32 s19, s18  }
0x9c: {  	s6 =	simm.s32 $0x0;
	s20 =	sshll.u32 s4, $0x1;
	s4 =	sadd.s32 s21, s2  }
0x9d: {  	[timem:s6], [sflag:s22] =	dma.local [hbm:s4], s20  }
0x9e: {  	_ =	swait.ge [sflag:s22], s20  }
0x9f: {  	s3 =	ssub.s32 $0x0, s20;
	[sflag:s22] =	ssyncset.done $0x0  }
0xa0: {  	[sflag:s22] =	ssyncadd.s32 s3;
	_ =	sdelay $0x1  }
0xa1: {  	s23 =	simm.s32 $0x1B8B  }
0xa2: {  	_ =	swait.ge [sflag:s23], $0x1  }
0xa3: {  	[sflag:s23] =	ssyncset.done $0x0  }
0xa4: {  	s25 =	simm.s32 $0x1B8E;
	s24 =	sld [smem:$0x3FFE];
	[sflag:s23] =	ssyncadd.s32 $0xFFFFFFFF  }
0xa5: {  	s26 =	simm.s32 $execute0_lowered;
	[smem:$0x3FD2] =	sst s25  }
0xa6: {  	s4 =	sshll.u32 s26, $0x1;
	_ =	strace $0x8000004F;
	[dreg:$0x1] =	wrdreg $0xFFFFFFFF  }
0xa7: {  	s28 =	simm.s32 $_size_execute0_lowered;
	s2 =	sadd.s32 s2, s4;
	[dreg:$0x0] =	wrdreg $0x0  }
0xa8: {  	s4 =	sshll.u32 s28, $0x1;
	[dreg:$0x2] =	wrdreg s2  }
0xa9: {  	[dreg:$0x3] =	wrdreg s4  }
0xaa: {  	[dreg:$0x4] =	wrdreg $0xC0  }
0xab: {  	_ =	task [dreg:s6], $0x5FFFF  }
0xac: {  	[dreg:$0x1] =	wrdreg $0xFFFFFFFF  }
0xad: {  	[dreg:$0x0] =	wrdreg $0x60  }
0xae: {  	[dreg:$0x2] =	wrdreg s24  }
0xaf: {  	[dreg:$0x3] =	wrdreg $0xB2200  }
0xb0: {  	[dreg:$0x4] =	wrdreg $0x9  }
0xb1: {  	_ =	task.clear_ibuf [dreg:s6], $0x5FFFF;
	_ =	strace $0x9000004F  }
0xb2: {  	s29 =	simm.s32 $0x9;
	_ =	strace $0x80000051  }
0xb3: {  	_ =	swait.ge [sflag:s29], $0x1  }
0xb4: {  	[sflag:s29] =	ssyncadd.s32 $0xFFFFFFFF  }
0xb5: {  	_ =	strace $0x90000051  }
0xb6: {  	_ =	sfence  }
0xb7: {  	s30 =	sld [smem:$0x0];
	_ =	sdelay $0x2  }
0xb8: {  	s31 =	sshll.u32 s1, $0xD;
	s1 =	sshrl.u32 s1, $0x2  }
0xb9: {  	s3 =	sand.u32 $0x4000, s31;
	s1 =	sadd.s32 s1, s30  }
0xba: {  	s0 =	sor.u32 s3, s0;
	s1 =	sshll.u32 s1, $0x11  }
0xbb: {  	s0 =	sor.u32 s1, s0  }
0xbc: {  	s0 =	sadd.s32 $0x8F2B, s0  }
0xbd: {  	[sflag:s0] =	ssyncadd.remote.s32 $0x1  }
0xbe: {  	_ =	sfence.sel $0xFFFF  }
0xbf: {  	[dreg:$0x0] =	wrdreg $0xFFFFFFFF;
	(pc) =	sbr.abs _section_cstart, $3  }
0xc0: {  	[dreg:$0x1] =	wrdreg $0xFFFFFFFF  }
0xc1: {  	_ =	task.clear_ibuf [dreg:s6], $0x2FFFF;
	_ =	strace $0x9FFFFFFF  }
0xc2: {  	(tm) =	ssettm $0x7FFFFFFF  }
0xc3: {  	_ =	shalt  }
tec
execute0_lowered:
.L_overlay_start_1:
0x0: {  	(tag) =	ssettag $0x1  }
0x1: {  	s0 =	srdreg.scid  }
0x2: {  	s10 =	stileid.u32;
	s6 =	rddreg [dreg:$0x0]  }
0x3: {  	s2 =	rddreg [dreg:$0x1];
	s3 =	simm.s32 $0x0;
	s12 =	simm.s32 $0x6  }
0x4: {  	s14 =	simm.s32 $0x50;
	s15 =	simm.s32 $0x4E20;
	s16 =	simm.s32 $0x6220  }
0x5: {  	s18 =	simm.s32 $0x7620;
	s20 =	simm.s32 $0x8A20;
	s22 =	simm.s32 $0x9E20  }
0x6: {  	s23 =	simm.s32 $0x1;
	s24 =	simm.s32 $0x2;
	s28 =	simm.s32 $0x5  }
0x7: {  	s29 =	simm.s32 $0x4C90;
	s30 =	simm.s32 $0x4CE0;
	s31 =	simm.s32 $0x4D30  }
0x8: {  	s13 =	simm.s32 $0x0;
	s0 =	sand.u32 $0x1, s0;
	s7 =	smul.u32 $0x9E00, s10  }
0x9: {  	[smem:$0x7FF] =	sst s3;
	s4 =	sadd.s32 $0x16000, s6;
	s26 =	sshll.u32 s10, $0x6  }
0xa: {  	s1 =	sshll.u32 s0, $0x4;
	s5 =	smul.u32 $0x9E000, s0;
	s0 =	ssub.s32 $0x2, s0  }
0xb: {  	_ =	strace $0x80000050;
	s1 =	sor.u32 s10, s1;
	s25 =	sshrl.u32 s0, $0x1  }
0xc: {  	s11 =	sadd.s32 s7, s2;
	s1 =	smul.u32 $0x4E2, s1;
	s8 =	sadd.s32 s7, s5  }
0xd: {  	s5 =	sadd.s32 $0x29C00, s6;
	s0 =	ssub.s32 s0, s25;
	s11 =	sshrl.u32 s11, $0x3  }
0xe: {  	s25 =	simm.s32 $0x3;
	s8 =	sshrl.u32 s8, $0x3;
	s10 =	smax.u32 s0, $0x1  }
0xf: {  	s0 =	simm.s32 $0x4DD0;
	s1 =	sadd.s32 s1, s6;
	s9 =	sadd.s32 s8, s6  }
0x10: {  	s6 =	sor.u32 $0x1C06, s26;
	s26 =	simm.s32 $0x4;
	s7 =	sadd.s32 $0x2400, s1  }
0x11: {  	s8 =	sadd.s32 $0xC200, s1;
	s9 =	sadd.s32 $0x2B000, s9;
	s1 =	simm.s32 $0x4D80  }
.LBB2_1:
0x12: {  	[spmem:s11], [sflag:s6] =	dma.local [hbm:s5], $0x13C0  }
0x13: {  	_ =	swait.ge [sflag:s12], $0x13C0  }
0x14: {  	[sflag:s12] =	ssyncset.done $0x0  }
0x15: {  	[sflag:s12] =	ssyncadd.s32 $0xFFFFEC40  }
0x16: {  	[tilespmem:s3], [sflag:$0x6] =	stream.linear.gather [hbm4b:s7+s3], $0x2710, $0x38;
	[tilespmem:$0x15020] =	vst v63  }
0x17: {  	_ =	swait.ge [sflag:s12], $0x2710  }
0x18: {  	[sflag:s12] =	ssyncset.done $0x0  }
0x19: {  	s17 =	simm.s32 $0x2710;
	[sflag:s12] =	ssyncadd.s32 $0xFFFFD8F0  }
0x1a: {  	[tilespmem:s17], [sflag:$0x6] =	stream.linear.gather [hbm4b:s8+s3], $0x2710, $0x38;
	[tilespmem:$0x15020] =	vst v63  }
0x1b: {  	_ =	swait.ge [sflag:s12], $0x2710  }
0x1c: {  	[sflag:s12] =	ssyncset.done $0x0  }
0x1d: {  	[sflag:s12] =	ssyncadd.s32 $0xFFFFD8F0  }
0x1e: {  	[bflag:$0x0] =	sbarrier.arrive $0xFFFF  }
0x1f: {  	[tilespmem:s15], [sflag:$0x1] =	stream.indirect.gather [hbm4b:s4+s14], $0x40, s3, s14, $0xb8;
	[tilespmem:$0x15020] =	vst v63  }
0x20: {  	_ = 	snop  }
0x21: {  	[tilespmem:s16], [sflag:$0x2] =	stream.indirect.gather [hbm4b:s4+s14], $0x40, s14, s14, $0xb8;
	[tilespmem:$0x15020] =	vst v63  }
0x22: {  	s19 =	simm.s32 $0xA0  }
0x23: {  	[tilespmem:s18], [sflag:$0x3] =	stream.indirect.gather [hbm4b:s4+s14], $0x40, s19, s14, $0xb8;
	[tilespmem:$0x15020] =	vst v63  }
0x24: {  	s21 =	simm.s32 $0xF0  }
0x25: {  	[tilespmem:s20], [sflag:$0x4] =	stream.indirect.gather [hbm4b:s4+s14], $0x40, s21, s14, $0xb8;
	[tilespmem:$0x15020] =	vst v63  }
0x26: {  	s19 =	simm.s32 $0x140  }
0x27: {  	[tilespmem:s22], [sflag:$0x5] =	stream.indirect.gather [hbm4b:s4+s14], $0x40, s19, s14, $0xb8;
	[tilespmem:$0x15020] =	vst v63  }
0x28: {  	_ =	swait.ge [sflag:s23], $0x1400  }
0x29: {  	[sflag:s23] =	ssyncset.done $0x0  }
0x2a: {  	s21 =	simm.s32 $0x2710;
	[sflag:s23] =	ssyncadd.s32 $0xFFFFEC00  }
0x2b: {  	[spmem:s2] =	stream.indirect.scatter.add.f32 [tilespmem:s15], [sflag:$0x6], $0x40, s21, s14, $0xb8;
	[tilespmem:$0x15020] =	vst v63  }
0x2c: {  	_ =	swait.ge [sflag:s12], $0x1400  }
0x2d: {  	[sflag:s12] =	ssyncset.done $0x0  }
0x2e: {  	s19 =	simm.s32 $0x190;
	[sflag:s12] =	ssyncadd.s32 $0xFFFFEC00  }
0x2f: {  	[tilespmem:s15], [sflag:$0x1] =	stream.indirect.gather [hbm4b:s4+s14], $0x40, s19, s14, $0xb8;
	[tilespmem:$0x15020] =	vst v63  }
0x30: {  	_ =	swait.ge [sflag:s24], $0x1400  }
0x31: {  	[sflag:s24] =	ssyncset.done $0x0  }
0x32: {  	s21 =	simm.s32 $0x2760;
	[sflag:s24] =	ssyncadd.s32 $0xFFFFEC00  }
0x33: {  	[spmem:s2] =	stream.indirect.scatter.add.f32 [tilespmem:s16], [sflag:$0x6], $0x40, s21, s14, $0xb8;
	[tilespmem:$0x15020] =	vst v63  }
0x34: {  	_ =	swait.ge [sflag:s12], $0x1400  }
0x35: {  	[sflag:s12] =	ssyncset.done $0x0  }
0x36: {  	s19 =	simm.s32 $0x1E0;
	[sflag:s12] =	ssyncadd.s32 $0xFFFFEC00  }
0x37: {  	[tilespmem:s16], [sflag:$0x2] =	stream.indirect.gather [hbm4b:s4+s14], $0x40, s19, s14, $0xb8;
	[tilespmem:$0x15020] =	vst v63  }
0x38: {  	_ =	swait.ge [sflag:s25], $0x1400  }
0x39: {  	[sflag:s25] =	ssyncset.done $0x0  }
0x3a: {  	s21 =	simm.s32 $0x27B0;
	[sflag:s25] =	ssyncadd.s32 $0xFFFFEC00  }
0x3b: {  	[spmem:s2] =	stream.indirect.scatter.add.f32 [tilespmem:s18], [sflag:$0x6], $0x40, s21, s14, $0xb8;
	[tilespmem:$0x15020] =	vst v63  }
0x3c: {  	_ =	swait.ge [sflag:s12], $0x1400  }
0x3d: {  	[sflag:s12] =	ssyncset.done $0x0  }
0x3e: {  	s19 =	simm.s32 $0x230;
	[sflag:s12] =	ssyncadd.s32 $0xFFFFEC00  }
0x3f: {  	[tilespmem:s18], [sflag:$0x3] =	stream.indirect.gather [hbm4b:s4+s14], $0x40, s19, s14, $0xb8;
	[tilespmem:$0x15020] =	vst v63  }
0x40: {  	_ =	swait.ge [sflag:s26], $0x1400  }
0x41: {  	[sflag:s26] =	ssyncset.done $0x0  }
0x42: {  	s21 =	simm.s32 $0x2800;
	[sflag:s26] =	ssyncadd.s32 $0xFFFFEC00  }
0x43: {  	[spmem:s2] =	stream.indirect.scatter.add.f32 [tilespmem:s20], [sflag:$0x6], $0x40, s21, s14, $0xb8;
	[tilespmem:$0x15020] =	vst v63  }
0x44: {  	_ =	swait.ge [sflag:s12], $0x1400  }
0x45: {  	[sflag:s12] =	ssyncset.done $0x0  }
0x46: {  	s19 =	simm.s32 $0x280;
	[sflag:s12] =	ssyncadd.s32 $0xFFFFEC00  }
0x47: {  	[tilespmem:s20], [sflag:$0x4] =	stream.indirect.gather [hbm4b:s4+s14], $0x40, s19, s14, $0xb8;
	[tilespmem:$0x15020] =	vst v63  }
0x48: {  	_ =	swait.ge [sflag:s28], $0x1400  }
0x49: {  	[sflag:s28] =	ssyncset.done $0x0  }
0x4a: {  	s21 =	simm.s32 $0x2850;
	[sflag:s28] =	ssyncadd.s32 $0xFFFFEC00  }
0x4b: {  	[spmem:s2] =	stream.indirect.scatter.add.f32 [tilespmem:s22], [sflag:$0x6], $0x40, s21, s14, $0xb8;
	[tilespmem:$0x15020] =	vst v63  }
0x4c: {  	_ =	swait.ge [sflag:s12], $0x1400  }
0x4d: {  	[sflag:s12] =	ssyncset.done $0x0  }
0x4e: {  	s17 =	simm.s32 $0x640;
	s19 =	simm.s32 $0x2D0;
	[sflag:s12] =	ssyncadd.s32 $0xFFFFEC00  }
.LBB2_2:
0x4f: {  	[tilespmem:s22], [sflag:$0x5] =	stream.indirect.gather [hbm4b:s4+s14], $0x40, s19, s14, $0xb8;
	[tilespmem:$0x15020] =	vst v63  }
0x50: {  	s19 =	smov.u32 s17  }
0x51: {  	p0 =	sne.s32 s17, $0x8FC0;
	s17 =	sadd.s32 $0x640, s17;
	_ =	swait.ge [sflag:s23], $0x1400  }
0x52: {  	s19 =	sshra.s32 s19, $0x2;
	[sflag:s23] =	ssyncset.done $0x0  }
0x53: {  	s21 =	sadd.s32 $0x2710, s19;
	[sflag:s23] =	ssyncadd.s32 $0xFFFFEC00  }
0x54: {  	[spmem:s2] =	stream.indirect.scatter.add.f32 [tilespmem:s15], [sflag:$0x6], $0x40, s21, s14, $0xb8;
	[tilespmem:$0x15020] =	vst v63  }
0x55: {  	_ =	swait.ge [sflag:s12], $0x1400  }
0x56: {  	[sflag:s12] =	ssyncset.done $0x0  }
0x57: {  	s21 =	sadd.s32 $0x190, s19;
	[sflag:s12] =	ssyncadd.s32 $0xFFFFEC00  }
0x58: {  	[tilespmem:s15], [sflag:$0x1] =	stream.indirect.gather [hbm4b:s4+s14], $0x40, s21, s14, $0xb8;
	[tilespmem:$0x15020] =	vst v63  }
0x59: {  	_ =	swait.ge [sflag:s24], $0x1400  }
0x5a: {  	[sflag:s24] =	ssyncset.done $0x0  }
0x5b: {  	s21 =	sadd.s32 $0x2760, s19;
	[sflag:s24] =	ssyncadd.s32 $0xFFFFEC00  }
0x5c: {  	[spmem:s2] =	stream.indirect.scatter.add.f32 [tilespmem:s16], [sflag:$0x6], $0x40, s21, s14, $0xb8;
	[tilespmem:$0x15020] =	vst v63  }
0x5d: {  	_ =	swait.ge [sflag:s12], $0x1400  }
0x5e: {  	[sflag:s12] =	ssyncset.done $0x0  }
0x5f: {  	s21 =	sadd.s32 $0x1E0, s19;
	[sflag:s12] =	ssyncadd.s32 $0xFFFFEC00  }
0x60: {  	[tilespmem:s16], [sflag:$0x2] =	stream.indirect.gather [hbm4b:s4+s14], $0x40, s21, s14, $0xb8;
	[tilespmem:$0x15020] =	vst v63  }
0x61: {  	_ =	swait.ge [sflag:s25], $0x1400  }
0x62: {  	[sflag:s25] =	ssyncset.done $0x0  }
0x63: {  	s21 =	sadd.s32 $0x27B0, s19;
	[sflag:s25] =	ssyncadd.s32 $0xFFFFEC00  }
0x64: {  	[spmem:s2] =	stream.indirect.scatter.add.f32 [tilespmem:s18], [sflag:$0x6], $0x40, s21, s14, $0xb8;
	[tilespmem:$0x15020] =	vst v63  }
0x65: {  	_ =	swait.ge [sflag:s12], $0x1400  }
0x66: {  	[sflag:s12] =	ssyncset.done $0x0  }
0x67: {  	s21 =	sadd.s32 $0x230, s19;
	[sflag:s12] =	ssyncadd.s32 $0xFFFFEC00  }
0x68: {  	[tilespmem:s18], [sflag:$0x3] =	stream.indirect.gather [hbm4b:s4+s14], $0x40, s21, s14, $0xb8;
	[tilespmem:$0x15020] =	vst v63  }
0x69: {  	_ =	swait.ge [sflag:s26], $0x1400  }
0x6a: {  	[sflag:s26] =	ssyncset.done $0x0  }
0x6b: {  	s21 =	sadd.s32 $0x2800, s19;
	[sflag:s26] =	ssyncadd.s32 $0xFFFFEC00  }
0x6c: {  	[spmem:s2] =	stream.indirect.scatter.add.f32 [tilespmem:s20], [sflag:$0x6], $0x40, s21, s14, $0xb8;
	[tilespmem:$0x15020] =	vst v63  }
0x6d: {  	_ =	swait.ge [sflag:s12], $0x1400  }
0x6e: {  	[sflag:s12] =	ssyncset.done $0x0  }
0x6f: {  	s21 =	sadd.s32 $0x280, s19;
	[sflag:s12] =	ssyncadd.s32 $0xFFFFEC00  }
0x70: {  	[tilespmem:s20], [sflag:$0x4] =	stream.indirect.gather [hbm4b:s4+s14], $0x40, s21, s14, $0xb8;
	[tilespmem:$0x15020] =	vst v63  }
0x71: {  	_ =	swait.ge [sflag:s28], $0x1400  }
0x72: {  	[sflag:s28] =	ssyncset.done $0x0  }
.Ltmp0:
0x73: {  	s21 =	sadd.s32 $0x2850, s19;
	[sflag:s28] =	ssyncadd.s32 $0xFFFFEC00;
	(pc) =	sbr.rel @p0 .LBB2_2-.Ltmp0, $4  }
0x74: {  	[spmem:s2] =	stream.indirect.scatter.add.f32 [tilespmem:s22], [sflag:$0x6], $0x40, s21, s14, $0xb8;
	[tilespmem:$0x15020] =	vst v63  }
0x75: {  	_ =	swait.ge [sflag:s12], $0x1400  }
0x76: {  	[sflag:s12] =	ssyncset.done $0x0  }
0x77: {  	s19 =	sadd.s32 $0x2D0, s19;
	[sflag:s12] =	ssyncadd.s32 $0xFFFFEC00  }
0x78: {  	[tilespmem:s22], [sflag:$0x5] =	stream.indirect.gather [hbm4b:s4+s14], $0x40, s19, s14, $0xb8;
	[tilespmem:$0x15020] =	vst v63  }
0x79: {  	_ =	swait.ge [sflag:s23], $0x1400  }
0x7a: {  	[sflag:s23] =	ssyncset.done $0x0  }
0x7b: {  	[sflag:s23] =	ssyncadd.s32 $0xFFFFEC00  }
0x7c: {  	[spmem:s2] =	stream.indirect.scatter.add.f32 [tilespmem:s15], [sflag:$0x6], $0x40, s29, s14, $0xb8;
	[tilespmem:$0x15020] =	vst v63  }
0x7d: {  	_ =	swait.ge [sflag:s12], $0x1400  }
0x7e: {  	[sflag:s12] =	ssyncset.done $0x0  }
0x7f: {  	[sflag:s12] =	ssyncadd.s32 $0xFFFFEC00  }
0x80: {  	_ =	swait.ge [sflag:s24], $0x1400  }
0x81: {  	[sflag:s24] =	ssyncset.done $0x0  }
0x82: {  	[sflag:s24] =	ssyncadd.s32 $0xFFFFEC00  }
0x83: {  	[spmem:s2] =	stream.indirect.scatter.add.f32 [tilespmem:s16], [sflag:$0x6], $0x40, s30, s14, $0xb8;
	[tilespmem:$0x15020] =	vst v63  }
0x84: {  	_ =	swait.ge [sflag:s12], $0x1400  }
0x85: {  	[sflag:s12] =	ssyncset.done $0x0  }
0x86: {  	[sflag:s12] =	ssyncadd.s32 $0xFFFFEC00  }
0x87: {  	_ =	swait.ge [sflag:s25], $0x1400  }
0x88: {  	[sflag:s25] =	ssyncset.done $0x0  }
0x89: {  	[sflag:s25] =	ssyncadd.s32 $0xFFFFEC00  }
0x8a: {  	[spmem:s2] =	stream.indirect.scatter.add.f32 [tilespmem:s18], [sflag:$0x6], $0x40, s31, s14, $0xb8;
	[tilespmem:$0x15020] =	vst v63  }
0x8b: {  	_ =	swait.ge [sflag:s12], $0x1400  }
0x8c: {  	[sflag:s12] =	ssyncset.done $0x0  }
0x8d: {  	[sflag:s12] =	ssyncadd.s32 $0xFFFFEC00  }
0x8e: {  	_ =	swait.ge [sflag:s26], $0x1400  }
0x8f: {  	[sflag:s26] =	ssyncset.done $0x0  }
0x90: {  	[sflag:s26] =	ssyncadd.s32 $0xFFFFEC00  }
0x91: {  	[spmem:s2] =	stream.indirect.scatter.add.f32 [tilespmem:s20], [sflag:$0x6], $0x40, s1, s14, $0xb8;
	[tilespmem:$0x15020] =	vst v63  }
0x92: {  	_ =	swait.ge [sflag:s12], $0x1400  }
0x93: {  	[sflag:s12] =	ssyncset.done $0x0  }
0x94: {  	[sflag:s12] =	ssyncadd.s32 $0xFFFFEC00  }
0x95: {  	_ =	swait.ge [sflag:s28], $0x1400  }
0x96: {  	[sflag:s28] =	ssyncset.done $0x0  }
0x97: {  	[sflag:s28] =	ssyncadd.s32 $0xFFFFEC00  }
0x98: {  	[spmem:s2] =	stream.indirect.scatter.add.f32 [tilespmem:s22], [sflag:$0x6], $0x40, s0, s14, $0xb8;
	[tilespmem:$0x15020] =	vst v63  }
0x99: {  	_ =	swait.ge [sflag:s12], $0x1400  }
0x9a: {  	s13 =	sadd.s32 $0x1, s13;
	[sflag:s12] =	ssyncset.done $0x0  }
0x9b: {  	p0 =	sne.s32 s13, s10;
	[sflag:s12] =	ssyncadd.s32 $0xFFFFEC00  }
.Ltmp1:
0x9c: {  	[bflag:$0x0] =	sbarrier.arrive $0xFFFF;
	(pc) =	sbr.rel @p0 .LBB2_1-.Ltmp1, $4  }
0x9d: {  	[hbm:s9], [sflag:s6] =	dma.local [spmem:s11], $0x13C0  }
0x9e: {  	_ =	swait.ge [sflag:s12], $0x13C0  }
0x9f: {  	[sflag:s12] =	ssyncset.done $0x0  }
0xa0: {  	[sflag:s12] =	ssyncadd.s32 $0xFFFFEC40  }
0xa1: {  	_ =	sfence.sel $0x180000  }
0xa2: {  	[bflag:$0x0] =	sbarrier.arrive $0xFFFF  }
0xa3: {  	_ =	strace $0x90000050  }
0xa4: {  	s0 =	stileid.u32;
	[bflag:$0x2] =	sbarrier.arrive $0xFFFF  }
0xa5: {  	p0 =	sne.s32 s0, $0x0;
	s0 =	rddreg [dreg:$0x2]  }
0xa6: {  	s0 =	sadd.s32 @!p0 $0x100000, s0  }
0xa7: {  	[sflag:s0] =	ssyncadd.tile.s32 @!p0 $0x1;
	_ =	shalt  }
.Lfunc_end2:
_tile_overlayer_lowered:
.L_overlay_start_2:
0xa8: {  	(tag) =	ssettag $0x2  }
0xa9: {  	s0 =	rddreg [dreg:$0x0];
	s2 =	stileid.u32  }
0xaa: {  	s1 =	rddreg [dreg:$0x1];
	p0 =	sne.s32 s2, $0x0  }
0xab: {  	s3 =	rddreg [dreg:$0x2];
	[bflag:$0x3] =	sbarrier.arrive $0xFFFF;
	s2 =	simm.s32 @!p0 $0x1C06  }
0xac: {  	[timem:s3], [sflag:s2] =	dma.local @!p0 [hbm:s0], s1  }
0xad: {  	s0 =	simm.s32 @!p0 $0x6  }
0xae: {  	_ =	swait.ge @!p0 [sflag:s0], s1  }
0xaf: {  	s1 =	ssub.s32 @!p0 $0x0, s1;
	[sflag:s0] =	ssyncset.done @!p0 $0x0  }
0xb0: {  	[sflag:s0] =	ssyncadd.s32 @!p0 s1  }
0xb1: {  	[bflag:$0x3] =	sbarrier.arrive $0xFFFF  }
0xb2: {  	_ =	shalt  }

</sc_bundles>
